<compile_context>
chip_gen: v7x
topology: tpu7x:2x2x1
jax: 0.10.2.dev20260603
libtpu: 0.0.44.dev20260713+nightly
codegen_flags: <defaults>
</compile_context>

<pallas_src>
import functools

import jax
import jax.numpy as jnp
import numpy as np
from jax import lax
from jax.experimental import pallas as pl
from jax.experimental.pallas import tpu as pltpu
from jax.experimental.pallas import tpu_sc as plsc

_TAU = 0.5
_PD1, _PM1, _PD2, _PM2 = 0.2, 0.3, 0.4, 0.4

_NW = 32
_LANES = 16
_F = 128
_E = 320000


def _threefry2x32(k0, k1, x0, x1):
    x0 = x0.astype(np.uint32).copy()
    x1 = x1.astype(np.uint32).copy()
    ks0 = np.uint32(k0)
    ks1 = np.uint32(k1)
    ks2 = np.uint32(np.uint32(0x1BD11BDA) ^ ks0 ^ ks1)
    rot_a = (13, 15, 26, 6)
    rot_b = (17, 29, 16, 24)

    def rounds(x0, x1, rots):
        for r in rots:
            x0 = (x0 + x1).astype(np.uint32)
            x1 = ((x1 << np.uint32(r)) | (x1 >> np.uint32(32 - r))).astype(
                np.uint32)
            x1 = x1 ^ x0
        return x0, x1

    x0 = (x0 + ks0).astype(np.uint32)
    x1 = (x1 + ks1).astype(np.uint32)
    sched = [(rot_a, ks1, ks2), (rot_b, ks2, ks0), (rot_a, ks0, ks1),
             (rot_b, ks1, ks2), (rot_a, ks2, ks0)]
    for i, (rots, a0, a1) in enumerate(sched):
        x0, x1 = rounds(x0, x1, rots)
        x0 = (x0 + a0).astype(np.uint32)
        x1 = (x1 + a1 + np.uint32(i + 1)).astype(np.uint32)
    return x0, x1


def _np_random_bits(keydata, size):
    counts = np.arange(size, dtype=np.uint32)
    x0, x1 = _threefry2x32(keydata[0], keydata[1],
                           np.zeros(size, np.uint32), counts)
    return x0 ^ x1


def _np_split(keydata, num):
    x0, x1 = _threefry2x32(keydata[0], keydata[1],
                           np.zeros(num, np.uint32),
                           np.arange(num, dtype=np.uint32))
    return np.stack([x0, x1], axis=1)


def _np_uniform(keydata, size):
    bits = _np_random_bits(keydata, size)
    f = ((bits >> np.uint32(9)) | np.uint32(0x3F800000)).view(np.float32)
    return np.maximum(0.0, f - np.float32(1.0))


def _aug_constants():
    root = np.array([0, 42], dtype=np.uint32)
    sub = _np_split(root, 4)
    keep1 = _np_uniform(sub[0], _E) >= _PD1
    m1 = _np_uniform(sub[1], _F) >= _PM1
    keep2 = _np_uniform(sub[2], _E) >= _PD2
    m2 = _np_uniform(sub[3], _F) >= _PM2
    return (keep1, m1.astype(np.float32), keep2, m2.astype(np.float32))


_KEEP1, _M1, _KEEP2, _M2 = _aug_constants()
_IDX1 = np.nonzero(_KEEP1)[0].astype(np.int32)
_IDX2 = np.nonzero(_KEEP2)[0].astype(np.int32)


def _cdiv(a, b):
    return (a + b - 1) // b



def _sc_degree(src_h, dst_h, w1_h, w2_h, npad):
    jcl = src_h.shape[1]
    nsteps = jcl // _LANES
    rpt = npad // _LANES

    mesh = plsc.VectorSubcoreMesh(core_axis_name="c", subcore_axis_name="s")

    @functools.partial(
        pl.kernel,
        out_type=jax.ShapeDtypeStruct((2, 4, npad), jnp.float32),
        mesh=mesh,
        compiler_params=pltpu.CompilerParams(needs_layout_passes=False),
        scratch_types=[
            pltpu.VMEM((jcl,), jnp.int32),
            pltpu.VMEM((jcl,), jnp.int32),
            pltpu.VMEM((jcl,), jnp.float32),
            pltpu.VMEM((jcl,), jnp.float32),
            pltpu.VMEM((npad,), jnp.float32),
            pltpu.VMEM((npad,), jnp.float32),
            pltpu.VMEM((npad,), jnp.float32),
            pltpu.VMEM((npad,), jnp.float32),
            pltpu.VMEM((4, rpt), jnp.float32),
            pltpu.VMEM((4, rpt), jnp.float32),
            pltpu.VMEM_SHARED((16, 4, npad), jnp.float32),
        ],
    )
    def k(src_hb, dst_hb, w1_hb, w2_hb, out_hb,
          src_v, dst_v, w1_v, w2_v, dg0, dg1, dg2, dg3, acc_v, buf_v, shared):
        cid = lax.axis_index("c")
        sid = lax.axis_index("s")
        wid = sid * 2 + cid

        pltpu.sync_copy(src_hb.at[wid], src_v)
        pltpu.sync_copy(dst_hb.at[wid], dst_v)
        pltpu.sync_copy(w1_hb.at[wid], w1_v)
        pltpu.sync_copy(w2_hb.at[wid], w2_v)

        zero16 = jnp.zeros((_LANES,), jnp.float32)

        def zero_body(v, _):
            sl = pl.ds(v * _LANES, _LANES)
            for ref in (dg0, dg1, dg2, dg3):
                ref[sl] = zero16
            return _
        lax.fori_loop(0, npad // _LANES, zero_body, 0)

        def edge_body(v, _):
            sl = pl.ds(v * _LANES, _LANES)
            s16 = src_v[sl]
            d16 = dst_v[sl]
            w116 = w1_v[sl]
            w216 = w2_v[sl]
            plsc.addupdate_scatter(dg0, [s16], w116)
            plsc.addupdate_scatter(dg1, [d16], w116)
            plsc.addupdate_scatter(dg2, [s16], w216)
            plsc.addupdate_scatter(dg3, [d16], w216)
            return _
        lax.fori_loop(0, nsteps, edge_body, 0)

        for q, ref in enumerate((dg0, dg1, dg2, dg3)):
            pltpu.sync_copy(ref, shared.at[sid, q])
        plsc.subcore_barrier()

        r0 = sid * rpt

        def zacc_body(v, _):
            sl = pl.ds(v * _LANES, _LANES)
            for q in range(4):
                acc_v[q, sl] = zero16
            return _
        lax.fori_loop(0, rpt // _LANES, zacc_body, 0)

        def red_body(p, _):
            pltpu.sync_copy(shared.at[p, :, pl.ds(r0, rpt)], buf_v)

            def add_body(v, __):
                sl = pl.ds(v * _LANES, _LANES)
                for q in range(4):
                    acc_v[q, sl] = acc_v[q, sl] + buf_v[q, sl]
                return __
            lax.fori_loop(0, rpt // _LANES, add_body, 0)
            return _
        lax.fori_loop(0, 16, red_body, 0)

        pltpu.sync_copy(acc_v, out_hb.at[cid, :, pl.ds(r0, rpt)])

    return k(src_h, dst_h, w1_h, w2_h)


def _sc_propagate(m_pad, src_h, dst_h, npad):
    jc = src_h.shape[1]
    ch = src_h.shape[2]
    assert ch == _F
    rpt = npad // _LANES

    mesh = plsc.VectorSubcoreMesh(core_axis_name="c", subcore_axis_name="s")

    @functools.partial(
        pl.kernel,
        out_type=jax.ShapeDtypeStruct((2, npad, _F), jnp.float32),
        mesh=mesh,
        scratch_types=[
            pltpu.VMEM((jc, ch), jnp.int32),
            pltpu.VMEM((jc, ch), jnp.int32),
            pltpu.VMEM((ch, _F), jnp.float32),
            pltpu.VMEM_SHARED((npad, _F), jnp.float32),
            pltpu.SemaphoreType.DMA,
        ],
    )
    def k(m_hb, src_hb, dst_hb, out_hb,
          src_v, dst_v, rows0, acc_sh, sem0):
        cid = lax.axis_index("c")
        sid = lax.axis_index("s")
        wid = sid * 2 + cid

        pltpu.sync_copy(src_hb.at[wid], src_v)
        pltpu.sync_copy(dst_hb.at[wid], dst_v)

        zero16 = jnp.zeros((_LANES,), jnp.float32)

        def zrow_body(r, _):
            for l in range(_F // _LANES):
                rows0[r, pl.ds(l * _LANES, _LANES)] = zero16
            return _
        lax.fori_loop(0, ch, zrow_body, 0)

        r0 = sid * rpt
        for b in range(rpt // ch):
            pltpu.sync_copy(rows0, acc_sh.at[pl.ds(r0 + b * ch, ch)])

        plsc.subcore_barrier()

        def edge_body(j, _):
            pltpu.async_copy(m_hb.at[src_v.at[j]], rows0, sem0).wait()
            pltpu.sync_copy(rows0, acc_sh.at[dst_v.at[j]], add=True)
            return _
        lax.fori_loop(0, jc, edge_body, 0)

        plsc.subcore_barrier()
        pltpu.sync_copy(acc_sh.at[pl.ds(r0, rpt)],
                        out_hb.at[cid, pl.ds(r0, rpt)])

    return k(m_pad, src_h, dst_h)



_BLK = 512
_LBLK = 400


def _tc_premix(xp, w, m_col, deg_out, npad):
    grid = npad // _BLK

    def body(x_ref, w_ref, m_ref, d_ref, o_ref):
        wm = w_ref[...] * m_ref[...]
        xw = jnp.dot(x_ref[...], wm, preferred_element_type=jnp.float32)
        s = lax.rsqrt(jnp.maximum(d_ref[...], 1.0))
        o_ref[...] = xw * s

    return pl.pallas_call(
        body,
        grid=(grid,),
        in_specs=[
            pl.BlockSpec((_BLK, _F), lambda i: (i, 0)),
            pl.BlockSpec((_F, _F), lambda i: (0, 0)),
            pl.BlockSpec((_F, 1), lambda i: (0, 0)),
            pl.BlockSpec((_BLK, 1), lambda i: (i, 0)),
        ],
        out_specs=pl.BlockSpec((_BLK, _F), lambda i: (i, 0)),
        out_shape=jax.ShapeDtypeStruct((npad, _F), jnp.float32),
    )(xp, w, m_col, deg_out)


def _tc_mid(p0, p1, deg_in, deg_out, w2, b1, npad):
    grid = npad // _BLK

    def body(p0_ref, p1_ref, di_ref, do_ref, w_ref, b_ref, o_ref):
        s_in = lax.rsqrt(jnp.maximum(di_ref[...], 1.0))
        h = (p0_ref[...] + p1_ref[...]) * s_in + b_ref[...]
        h = jnp.maximum(h, 0.0)
        hw = jnp.dot(h, w_ref[...], preferred_element_type=jnp.float32)
        s_out = lax.rsqrt(jnp.maximum(do_ref[...], 1.0))
        o_ref[...] = hw * s_out

    return pl.pallas_call(
        body,
        grid=(grid,),
        in_specs=[
            pl.BlockSpec((_BLK, _F), lambda i: (i, 0)),
            pl.BlockSpec((_BLK, _F), lambda i: (i, 0)),
            pl.BlockSpec((_BLK, 1), lambda i: (i, 0)),
            pl.BlockSpec((_BLK, 1), lambda i: (i, 0)),
            pl.BlockSpec((_F, _F), lambda i: (0, 0)),
            pl.BlockSpec((1, _F), lambda i: (0, 0)),
        ],
        out_specs=pl.BlockSpec((_BLK, _F), lambda i: (i, 0)),
        out_shape=jax.ShapeDtypeStruct((npad, _F), jnp.float32),
    )(p0, p1, deg_in, deg_out, w2, b1)


def _tc_out(p0, p1, deg_in, b2, fc1_w, fc1_b, fc2_w, fc2_b, npad):
    grid = npad // _BLK

    def body(p0_ref, p1_ref, di_ref, b2_ref, f1w_ref, f1b_ref,
             f2w_ref, f2b_ref, o_ref):
        s_in = lax.rsqrt(jnp.maximum(di_ref[...], 1.0))
        h2 = (p0_ref[...] + p1_ref[...]) * s_in + b2_ref[...]
        u = jnp.dot(h2, f1w_ref[...], preferred_element_type=jnp.float32)
        u = u + f1b_ref[...]
        u = jnp.where(u > 0.0, u, jnp.exp(u) - 1.0)
        z = jnp.dot(u, f2w_ref[...], preferred_element_type=jnp.float32)
        z = z + f2b_ref[...]
        nrm = jnp.sqrt(jnp.sum(z * z, axis=1, keepdims=True))
        o_ref[...] = z / (nrm + 1e-8)

    return pl.pallas_call(
        body,
        grid=(grid,),
        in_specs=[
            pl.BlockSpec((_BLK, _F), lambda i: (i, 0)),
            pl.BlockSpec((_BLK, _F), lambda i: (i, 0)),
            pl.BlockSpec((_BLK, 1), lambda i: (i, 0)),
            pl.BlockSpec((1, _F), lambda i: (0, 0)),
            pl.BlockSpec((_F, _F), lambda i: (0, 0)),
            pl.BlockSpec((1, _F), lambda i: (0, 0)),
            pl.BlockSpec((_F, _F), lambda i: (0, 0)),
            pl.BlockSpec((1, _F), lambda i: (0, 0)),
        ],
        out_specs=pl.BlockSpec((_BLK, _F), lambda i: (i, 0)),
        out_shape=jax.ShapeDtypeStruct((npad, _F), jnp.float32),
    )(p0, p1, deg_in, b2, fc1_w, fc1_b, fc2_w, fc2_b)


def _tc_loss_sums(z1n, z2n, n):
    grid = (n // _LBLK, n // _LBLK)
    inv_tau = 1.0 / _TAU

    def body(a1_ref, a2_ref, b1_ref, b2_ref, o_ref):
        j = pl.program_id(1)

        @pl.when(j == 0)
        def _():
            o_ref[...] = jnp.zeros_like(o_ref)

        a1, a2 = a1_ref[...], a2_ref[...]
        b1, b2 = b1_ref[...], b2_ref[...]

        def esum(p, q):
            s = lax.dot_general(p, q, (((1,), (1,)), ((), ())),
                                preferred_element_type=jnp.float32)
            return jnp.sum(jnp.exp(inv_tau * s), axis=1)

        upd = jnp.concatenate(
            [esum(a1, b1)[:, None], esum(a2, b2)[:, None],
             esum(a1, b2)[:, None], esum(a2, b1)[:, None],
             jnp.zeros((_LBLK, 4), jnp.float32)], axis=1)
        o_ref[...] = o_ref[...] + upd

    return pl.pallas_call(
        body,
        grid=grid,
        in_specs=[
            pl.BlockSpec((_LBLK, _F), lambda i, j: (i, 0)),
            pl.BlockSpec((_LBLK, _F), lambda i, j: (i, 0)),
            pl.BlockSpec((_LBLK, _F), lambda i, j: (j, 0)),
            pl.BlockSpec((_LBLK, _F), lambda i, j: (j, 0)),
        ],
        out_specs=pl.BlockSpec((_LBLK, 8), lambda i, j: (i, 0)),
        out_shape=jax.ShapeDtypeStruct((n, 8), jnp.float32),
    )(z1n, z2n, z1n, z2n)


def _tc_loss_final(z1n, z2n, sums, n):
    grid = n // _LBLK
    inv_tau = 1.0 / _TAU

    def body(a1_ref, a2_ref, s_ref, o_ref):
        i = pl.program_id(0)

        @pl.when(i == 0)
        def _():
            o_ref[...] = jnp.zeros_like(o_ref)

        a1, a2 = a1_ref[...], a2_ref[...]
        s = s_ref[...]
        d11 = jnp.sum(a1 * a1, axis=1)
        d22 = jnp.sum(a2 * a2, axis=1)
        d12 = jnp.sum(a1 * a2, axis=1)
        den1 = s[:, 0] - jnp.exp(inv_tau * d11) + s[:, 2]
        den2 = s[:, 1] - jnp.exp(inv_tau * d22) + s[:, 3]
        l_tot = (jnp.log(den1) + jnp.log(den2)) - 2.0 * inv_tau * d12
        o_ref[...] = o_ref[...] + jnp.sum(l_tot).reshape(1, 1) * (0.5 / n)

    return pl.pallas_call(
        body,
        grid=(grid,),
        in_specs=[
            pl.BlockSpec((_LBLK, _F), lambda i: (i, 0)),
            pl.BlockSpec((_LBLK, _F), lambda i: (i, 0)),
            pl.BlockSpec((_LBLK, 8), lambda i: (i, 0)),
        ],
        out_specs=pl.BlockSpec((1, 1), lambda i: (0, 0)),
        out_shape=jax.ShapeDtypeStruct((1, 1), jnp.float32),
    )(z1n, z2n, sums)



def kernel(x, edge_index, W1, b1, W2, b2, fc1_w, fc1_b, fc2_w, fc2_b):
    n, d = x.shape
    e = edge_index.shape[1]
    npad = _LANES * _cdiv(n + 1, _LANES)
    npad = _BLK * _cdiv(npad, _BLK)

    assert e == _E and d == _F
    src = edge_index[0]
    dst = edge_index[1]

    akey = jax.random.key(42)
    k1, _, k3, _ = jax.random.split(akey, 4)
    keep1 = jax.random.uniform(k1, (e,)) >= _PD1
    keep2 = jax.random.uniform(k3, (e,)) >= _PD2
    w1e = keep1.astype(jnp.float32)
    w2e = keep2.astype(jnp.float32)

    jc = _cdiv(e, _NW * _F)
    ep = _NW * jc * _F
    src_p = jnp.pad(src, (0, ep - e)).reshape(_NW, jc, _F)
    dst_p = jnp.pad(dst, (0, ep - e)).reshape(_NW, jc, _F)
    w1_p = jnp.pad(w1e, (0, ep - e)).reshape(_NW, jc * _F)
    w2_p = jnp.pad(w2e, (0, ep - e)).reshape(_NW, jc * _F)

    ch = _F
    jcp = _cdiv(e, _NW * ch)
    epp = _NW * jcp * ch
    tile_ids = (jnp.arange(epp, dtype=jnp.int32) // (jcp * ch)) + n
    kp1 = jnp.pad(keep1, (0, epp - e))
    kp2 = jnp.pad(keep2, (0, epp - e))
    dpad = jnp.pad(dst, (0, epp - e))
    dstr1_p = jnp.where(kp1, dpad, tile_ids).reshape(_NW, jcp, ch)
    dstr2_p = jnp.where(kp2, dpad, tile_ids).reshape(_NW, jcp, ch)
    srcp_p = jnp.pad(src, (0, epp - e)).reshape(_NW, jcp, ch)
    src1_p = src2_p = srcp_p

    xp = jnp.pad(x, ((0, npad - n), (0, 0)))
    m1c = jnp.asarray(_M1).reshape(d, 1)
    m2c = jnp.asarray(_M2).reshape(d, 1)

    degp = _sc_degree(src_p.reshape(_NW, jc * _F), dst_p.reshape(_NW, jc * _F),
                      w1_p, w2_p, npad)
    degs = degp[0] + degp[1]
    do1 = degs[0].reshape(npad, 1)
    di1 = degs[1].reshape(npad, 1)
    do2 = degs[2].reshape(npad, 1)
    di2 = degs[3].reshape(npad, 1)

    def encode(m_col, do_col, di_col, srcv_p, dstv_p):
        t1 = _tc_premix(xp, W1, m_col, do_col, npad)
        a1p = _sc_propagate(t1, srcv_p, dstv_p, npad)
        t2 = _tc_mid(a1p[0], a1p[1], di_col, do_col, W2, b1.reshape(1, _F),
                     npad)
        a2p = _sc_propagate(t2, srcv_p, dstv_p, npad)
        return _tc_out(a2p[0], a2p[1], di_col, b2.reshape(1, _F),
                       fc1_w, fc1_b.reshape(1, _F),
                       fc2_w, fc2_b.reshape(1, _F), npad)

    z1n = encode(m1c, do1, di1, src1_p, dstr1_p)[:n]
    z2n = encode(m2c, do2, di2, src2_p, dstr2_p)[:n]

    sums = _tc_loss_sums(z1n, z2n, n)
    loss = _tc_loss_final(z1n, z2n, sums, n)
    return loss.reshape(())

# --- scband reference (transcript-rebuilt; emitter-appended) ---
"""Pipeline reference for scband-grace-pipeline-87548613361800 (READ-ONLY COPY).

The authoritative reference and input builder live on the scoring server;
editing this copy changes nothing except your own understanding.
"""

import jax, jax.numpy as jnp
import numpy as np

P_D1, P_M1, P_D2, P_M2, TAU = 0.2, 0.3, 0.4, 0.4, 0.5


def _drop_edge(key, ei, p):
    keep = jax.random.uniform(key, (ei.shape[1],)) >= p
    return ei, keep.astype(jnp.float32)


def _mask_feat(key, x, p):
    m = (jax.random.uniform(key, (x.shape[1],)) >= p).astype(x.dtype)
    return x * m[None, :]


def _gcn_layer(x, ei, W, b, n, ew):
    src, dst = ei[0], ei[1]
    w = ew.astype(x.dtype)
    deg_out = jnp.clip(jnp.zeros((n,), x.dtype).at[src].add(w), 1.0, None)
    deg_in = jnp.clip(jnp.zeros((n,), x.dtype).at[dst].add(w), 1.0, None)
    xw = x @ W
    msg = xw[src] * (deg_out ** -0.5)[src][:, None] * w[:, None]
    agg = jnp.zeros((n, W.shape[1]), x.dtype).at[dst].add(msg)
    return agg * (deg_in ** -0.5)[:, None] + b


def _encoder(x, ei, W1, b1, W2, b2, n, ew):
    h = jax.nn.relu(_gcn_layer(x, ei, W1, b1, n, ew))
    return _gcn_layer(h, ei, W2, b2, n, ew)


def _project(h, fc1_w, fc1_b, fc2_w, fc2_b):
    return jax.nn.elu(h @ fc1_w + fc1_b) @ fc2_w + fc2_b


def _semi_loss(z1, z2, tau):
    z1n = z1 / (jnp.linalg.norm(z1, axis=1, keepdims=True) + 1e-8)
    z2n = z2 / (jnp.linalg.norm(z2, axis=1, keepdims=True) + 1e-8)
    refl = jnp.exp((z1n @ z1n.T) / tau)
    between = jnp.exp((z1n @ z2n.T) / tau)
    pos = jnp.diagonal(between)
    denom = refl.sum(axis=1) - jnp.diagonal(refl) + between.sum(axis=1)
    return -jnp.log(pos / denom)


def setup_inputs(seed: int = 0):
    key = jax.random.key(seed)
    ks = jax.random.split(key, 8)
    N, E, D, H, P = 10000, 320000, 128, 128, 128
    x = jax.random.normal(ks[0], (N, D), dtype=jnp.float32)
    edge_index = jax.random.randint(ks[1], (2, E), 0, N, dtype=jnp.int32)
    W1 = jax.random.normal(ks[2], (D, H), dtype=jnp.float32) * (1.0 / np.sqrt(D))
    b1 = jnp.zeros((H,), jnp.float32)
    W2 = jax.random.normal(ks[3], (H, H), dtype=jnp.float32) * (1.0 / np.sqrt(H))
    b2 = jnp.zeros((H,), jnp.float32)
    fc1_w = jax.random.normal(ks[4], (H, P), dtype=jnp.float32) * (1.0 / np.sqrt(H))
    fc1_b = jnp.zeros((P,), jnp.float32)
    fc2_w = jax.random.normal(ks[5], (P, P), dtype=jnp.float32) * (1.0 / np.sqrt(P))
    fc2_b = jnp.zeros((P,), jnp.float32)
    return {"x": x, "edge_index": edge_index, "W1": W1, "b1": b1, "W2": W2, "b2": b2,
            "fc1_w": fc1_w, "fc1_b": fc1_b, "fc2_w": fc2_w, "fc2_b": fc2_b}


def reference(x, edge_index, W1, b1, W2, b2, fc1_w, fc1_b, fc2_w, fc2_b):
    n = x.shape[0]
    akey = jax.random.key(42)
    k1, k2, k3, k4 = jax.random.split(akey, 4)
    ei1, ew1 = _drop_edge(k1, edge_index, P_D1)
    x1 = _mask_feat(k2, x, P_M1)
    ei2, ew2 = _drop_edge(k3, edge_index, P_D2)
    x2 = _mask_feat(k4, x, P_M2)
    h1 = _encoder(x1, ei1, W1, b1, W2, b2, n, ew1)
    h2 = _encoder(x2, ei2, W1, b1, W2, b2, n, ew2)
    z1 = _project(h1, fc1_w, fc1_b, fc2_w, fc2_b)
    z2 = _project(h2, fc1_w, fc1_b, fc2_w, fc2_b)
    l1 = _semi_loss(z1, z2, TAU)
    l2 = _semi_loss(z2, z1, TAU)
    return jnp.mean((l1 + l2) * 0.5)

if __name__ == "__main__":
    import jax
    _d = setup_inputs()
    print(jax.jit(kernel)(*tuple(_d.values())))

</pallas_src>

<mosaic_0001>
#map = affine_map<(d0, d1) -> (0, 0)>
#map1 = affine_map<(d0, d1) -> (0, 0, 0)>
module attributes {stable_mosaic.version = 14 : i64} {
  func.func @k(%arg0: i32, %arg1: i32, %arg2: memref<32x10112xi32, #tpu.memory_space<hbm>>, %arg3: memref<32x10112xi32, #tpu.memory_space<hbm>>, %arg4: memref<32x10112xf32, #tpu.memory_space<hbm>>, %arg5: memref<32x10112xf32, #tpu.memory_space<hbm>>, %arg6: memref<2x4x10240xf32, #tpu.memory_space<hbm>>, %arg7: memref<10112xi32, #tpu.memory_space<vmem>>, %arg8: memref<10112xi32, #tpu.memory_space<vmem>>, %arg9: memref<10112xf32, #tpu.memory_space<vmem>>, %arg10: memref<10112xf32, #tpu.memory_space<vmem>>, %arg11: memref<10240xf32, #tpu.memory_space<vmem>>, %arg12: memref<10240xf32, #tpu.memory_space<vmem>>, %arg13: memref<10240xf32, #tpu.memory_space<vmem>>, %arg14: memref<10240xf32, #tpu.memory_space<vmem>>, %arg15: memref<4x640xf32, #tpu.memory_space<vmem>>, %arg16: memref<4x640xf32, #tpu.memory_space<vmem>>, %arg17: memref<16x4x10240xf32, #tpu.memory_space<vmem_shared>>) attributes {dimension_semantics = [#tpu.dimension_semantics<core_parallel>, #tpu.dimension_semantics<subcore_parallel>], iteration_bounds = array<i64: 2, 16>, scalar_prefetch = 0 : i64, scratch_operands = 11 : i64, tpu.core_type = #tpu.core_type<sc_vector_subcore>, window_params = [{transform_indices = #map}, {transform_indices = #map}, {transform_indices = #map}, {transform_indices = #map}, {transform_indices = #map1}]} {
    %mul3A = arith.constant 2 : i32
    %mul3A_0 = arith.muli %arg1, %mul3A : i32
    %add3A = arith.addi %mul3A_0, %arg0 : i32
    "tpu.region"() ({
      %run_scoped3A_30 = tpu.sem_alloc : memref<!tpu.dma_semaphore, #tpu.memory_space<semaphore_mem>>
      %dma_start3A = arith.constant 0 : i32
      %dma_start3A_31 = tpu.memref_slice %arg2[%add3A, %dma_start3A] : memref<32x10112xi32, #tpu.memory_space<hbm>> -> memref<1x10112xi32, #tpu.memory_space<hbm>>
      %dma_start3A_32 = tpu.memref_squeeze %dma_start3A_31 : memref<1x10112xi32, #tpu.memory_space<hbm>> -> memref<10112xi32, #tpu.memory_space<hbm>>
      %dma_start3A_33 = arith.constant 0 : i32
      %dma_start3A_34 = tpu.memref_slice %arg2[%add3A, %dma_start3A_33] : memref<32x10112xi32, #tpu.memory_space<hbm>> -> memref<1x10112xi32, #tpu.memory_space<hbm>>
      %dma_start3A_35 = tpu.memref_squeeze %dma_start3A_34 : memref<1x10112xi32, #tpu.memory_space<hbm>> -> memref<10112xi32, #tpu.memory_space<hbm>>
      tpu.enqueue_dma source(%dma_start3A_35 : memref<10112xi32, #tpu.memory_space<hbm>>) target(%arg7 : memref<10112xi32, #tpu.memory_space<vmem>>) target_semaphore(%run_scoped3A_30 : memref<!tpu.dma_semaphore, #tpu.memory_space<semaphore_mem>>)
      %dma_wait3A = arith.constant 0 : i32
      %dma_wait3A_36 = tpu.memref_slice %arg2[%add3A, %dma_wait3A] : memref<32x10112xi32, #tpu.memory_space<hbm>> -> memref<1x10112xi32, #tpu.memory_space<hbm>>
      %dma_wait3A_37 = tpu.memref_squeeze %dma_wait3A_36 : memref<1x10112xi32, #tpu.memory_space<hbm>> -> memref<10112xi32, #tpu.memory_space<hbm>>
      %dma_wait3A_38 = arith.constant 0 : i32
      %dma_wait3A_39 = tpu.memref_slice %arg2[%add3A, %dma_wait3A_38] : memref<32x10112xi32, #tpu.memory_space<hbm>> -> memref<1x10112xi32, #tpu.memory_space<hbm>>
      %dma_wait3A_40 = tpu.memref_squeeze %dma_wait3A_39 : memref<1x10112xi32, #tpu.memory_space<hbm>> -> memref<10112xi32, #tpu.memory_space<hbm>>
      tpu.wait_dma2 semaphore(%run_scoped3A_30 : memref<!tpu.dma_semaphore, #tpu.memory_space<semaphore_mem>>) src(%dma_wait3A_40 : memref<10112xi32, #tpu.memory_space<hbm>>) dst(%arg7 : memref<10112xi32, #tpu.memory_space<vmem>>)
      tpu.yield
    }) : () -> ()
    "tpu.region"() ({
      %run_scoped3A_30 = tpu.sem_alloc : memref<!tpu.dma_semaphore, #tpu.memory_space<semaphore_mem>>
      %dma_start3A = arith.constant 0 : i32
      %dma_start3A_31 = tpu.memref_slice %arg3[%add3A, %dma_start3A] : memref<32x10112xi32, #tpu.memory_space<hbm>> -> memref<1x10112xi32, #tpu.memory_space<hbm>>
      %dma_start3A_32 = tpu.memref_squeeze %dma_start3A_31 : memref<1x10112xi32, #tpu.memory_space<hbm>> -> memref<10112xi32, #tpu.memory_space<hbm>>
      %dma_start3A_33 = arith.constant 0 : i32
      %dma_start3A_34 = tpu.memref_slice %arg3[%add3A, %dma_start3A_33] : memref<32x10112xi32, #tpu.memory_space<hbm>> -> memref<1x10112xi32, #tpu.memory_space<hbm>>
      %dma_start3A_35 = tpu.memref_squeeze %dma_start3A_34 : memref<1x10112xi32, #tpu.memory_space<hbm>> -> memref<10112xi32, #tpu.memory_space<hbm>>
      tpu.enqueue_dma source(%dma_start3A_35 : memref<10112xi32, #tpu.memory_space<hbm>>) target(%arg8 : memref<10112xi32, #tpu.memory_space<vmem>>) target_semaphore(%run_scoped3A_30 : memref<!tpu.dma_semaphore, #tpu.memory_space<semaphore_mem>>)
      %dma_wait3A = arith.constant 0 : i32
      %dma_wait3A_36 = tpu.memref_slice %arg3[%add3A, %dma_wait3A] : memref<32x10112xi32, #tpu.memory_space<hbm>> -> memref<1x10112xi32, #tpu.memory_space<hbm>>
      %dma_wait3A_37 = tpu.memref_squeeze %dma_wait3A_36 : memref<1x10112xi32, #tpu.memory_space<hbm>> -> memref<10112xi32, #tpu.memory_space<hbm>>
      %dma_wait3A_38 = arith.constant 0 : i32
      %dma_wait3A_39 = tpu.memref_slice %arg3[%add3A, %dma_wait3A_38] : memref<32x10112xi32, #tpu.memory_space<hbm>> -> memref<1x10112xi32, #tpu.memory_space<hbm>>
      %dma_wait3A_40 = tpu.memref_squeeze %dma_wait3A_39 : memref<1x10112xi32, #tpu.memory_space<hbm>> -> memref<10112xi32, #tpu.memory_space<hbm>>
      tpu.wait_dma2 semaphore(%run_scoped3A_30 : memref<!tpu.dma_semaphore, #tpu.memory_space<semaphore_mem>>) src(%dma_wait3A_40 : memref<10112xi32, #tpu.memory_space<hbm>>) dst(%arg8 : memref<10112xi32, #tpu.memory_space<vmem>>)
      tpu.yield
    }) : () -> ()
    "tpu.region"() ({
      %run_scoped3A_30 = tpu.sem_alloc : memref<!tpu.dma_semaphore, #tpu.memory_space<semaphore_mem>>
      %dma_start3A = arith.constant 0 : i32
      %dma_start3A_31 = tpu.memref_slice %arg4[%add3A, %dma_start3A] : memref<32x10112xf32, #tpu.memory_space<hbm>> -> memref<1x10112xf32, #tpu.memory_space<hbm>>
      %dma_start3A_32 = tpu.memref_squeeze %dma_start3A_31 : memref<1x10112xf32, #tpu.memory_space<hbm>> -> memref<10112xf32, #tpu.memory_space<hbm>>
      %dma_start3A_33 = arith.constant 0 : i32
      %dma_start3A_34 = tpu.memref_slice %arg4[%add3A, %dma_start3A_33] : memref<32x10112xf32, #tpu.memory_space<hbm>> -> memref<1x10112xf32, #tpu.memory_space<hbm>>
      %dma_start3A_35 = tpu.memref_squeeze %dma_start3A_34 : memref<1x10112xf32, #tpu.memory_space<hbm>> -> memref<10112xf32, #tpu.memory_space<hbm>>
      tpu.enqueue_dma source(%dma_start3A_35 : memref<10112xf32, #tpu.memory_space<hbm>>) target(%arg9 : memref<10112xf32, #tpu.memory_space<vmem>>) target_semaphore(%run_scoped3A_30 : memref<!tpu.dma_semaphore, #tpu.memory_space<semaphore_mem>>)
      %dma_wait3A = arith.constant 0 : i32
      %dma_wait3A_36 = tpu.memref_slice %arg4[%add3A, %dma_wait3A] : memref<32x10112xf32, #tpu.memory_space<hbm>> -> memref<1x10112xf32, #tpu.memory_space<hbm>>
      %dma_wait3A_37 = tpu.memref_squeeze %dma_wait3A_36 : memref<1x10112xf32, #tpu.memory_space<hbm>> -> memref<10112xf32, #tpu.memory_space<hbm>>
      %dma_wait3A_38 = arith.constant 0 : i32
      %dma_wait3A_39 = tpu.memref_slice %arg4[%add3A, %dma_wait3A_38] : memref<32x10112xf32, #tpu.memory_space<hbm>> -> memref<1x10112xf32, #tpu.memory_space<hbm>>
      %dma_wait3A_40 = tpu.memref_squeeze %dma_wait3A_39 : memref<1x10112xf32, #tpu.memory_space<hbm>> -> memref<10112xf32, #tpu.memory_space<hbm>>
      tpu.wait_dma2 semaphore(%run_scoped3A_30 : memref<!tpu.dma_semaphore, #tpu.memory_space<semaphore_mem>>) src(%dma_wait3A_40 : memref<10112xf32, #tpu.memory_space<hbm>>) dst(%arg9 : memref<10112xf32, #tpu.memory_space<vmem>>)
      tpu.yield
    }) : () -> ()
    "tpu.region"() ({
      %run_scoped3A_30 = tpu.sem_alloc : memref<!tpu.dma_semaphore, #tpu.memory_space<semaphore_mem>>
      %dma_start3A = arith.constant 0 : i32
      %dma_start3A_31 = tpu.memref_slice %arg5[%add3A, %dma_start3A] : memref<32x10112xf32, #tpu.memory_space<hbm>> -> memref<1x10112xf32, #tpu.memory_space<hbm>>
      %dma_start3A_32 = tpu.memref_squeeze %dma_start3A_31 : memref<1x10112xf32, #tpu.memory_space<hbm>> -> memref<10112xf32, #tpu.memory_space<hbm>>
      %dma_start3A_33 = arith.constant 0 : i32
      %dma_start3A_34 = tpu.memref_slice %arg5[%add3A, %dma_start3A_33] : memref<32x10112xf32, #tpu.memory_space<hbm>> -> memref<1x10112xf32, #tpu.memory_space<hbm>>
      %dma_start3A_35 = tpu.memref_squeeze %dma_start3A_34 : memref<1x10112xf32, #tpu.memory_space<hbm>> -> memref<10112xf32, #tpu.memory_space<hbm>>
      tpu.enqueue_dma source(%dma_start3A_35 : memref<10112xf32, #tpu.memory_space<hbm>>) target(%arg10 : memref<10112xf32, #tpu.memory_space<vmem>>) target_semaphore(%run_scoped3A_30 : memref<!tpu.dma_semaphore, #tpu.memory_space<semaphore_mem>>)
      %dma_wait3A = arith.constant 0 : i32
      %dma_wait3A_36 = tpu.memref_slice %arg5[%add3A, %dma_wait3A] : memref<32x10112xf32, #tpu.memory_space<hbm>> -> memref<1x10112xf32, #tpu.memory_space<hbm>>
      %dma_wait3A_37 = tpu.memref_squeeze %dma_wait3A_36 : memref<1x10112xf32, #tpu.memory_space<hbm>> -> memref<10112xf32, #tpu.memory_space<hbm>>
      %dma_wait3A_38 = arith.constant 0 : i32
      %dma_wait3A_39 = tpu.memref_slice %arg5[%add3A, %dma_wait3A_38] : memref<32x10112xf32, #tpu.memory_space<hbm>> -> memref<1x10112xf32, #tpu.memory_space<hbm>>
      %dma_wait3A_40 = tpu.memref_squeeze %dma_wait3A_39 : memref<1x10112xf32, #tpu.memory_space<hbm>> -> memref<10112xf32, #tpu.memory_space<hbm>>
      tpu.wait_dma2 semaphore(%run_scoped3A_30 : memref<!tpu.dma_semaphore, #tpu.memory_space<semaphore_mem>>) src(%dma_wait3A_40 : memref<10112xf32, #tpu.memory_space<hbm>>) dst(%arg10 : memref<10112xf32, #tpu.memory_space<vmem>>)
      tpu.yield
    }) : () -> ()
    %broadcast_in_dim3A = arith.constant 0.000000e+00 : f32
    %broadcast_in_dim3A_1 = vector.broadcast %broadcast_in_dim3A : f32 to vector<16xf32>
    %scan3A = arith.constant 0 : i32
    %scan3A_2 = arith.constant 0 : i32
    %scan3A_3 = arith.constant 640 : i32
    %scan3A_4 = arith.addi %scan3A_2, %scan3A_3 : i32
    %scan3A_5 = arith.constant 1 : i32
    scf.for %scan3A_30 = %scan3A_2 to %scan3A_4 step %scan3A_5  : i32 {
      %mul3A_31 = arith.constant 16 : i32
      %mul3A_32 = arith.muli %scan3A_30, %mul3A_31 : i32
      %swap3A = arith.index_cast %mul3A_32 : i32 to index
      %swap3A_33 = tpu.vector_load %arg11[%swap3A] {strides = array<i32>} : memref<10240xf32, #tpu.memory_space<vmem>>, vector<16xf32>,
      tpu.vector_store %arg11[%swap3A], %broadcast_in_dim3A_1 {strides = array<i32>} : memref<10240xf32, #tpu.memory_space<vmem>>, vector<16xf32>,
      %swap3A_34 = arith.index_cast %mul3A_32 : i32 to index
      %swap3A_35 = tpu.vector_load %arg12[%swap3A_34] {strides = array<i32>} : memref<10240xf32, #tpu.memory_space<vmem>>, vector<16xf32>,
      tpu.vector_store %arg12[%swap3A_34], %broadcast_in_dim3A_1 {strides = array<i32>} : memref<10240xf32, #tpu.memory_space<vmem>>, vector<16xf32>,
      %swap3A_36 = arith.index_cast %mul3A_32 : i32 to index
      %swap3A_37 = tpu.vector_load %arg13[%swap3A_36] {strides = array<i32>} : memref<10240xf32, #tpu.memory_space<vmem>>, vector<16xf32>,
      tpu.vector_store %arg13[%swap3A_36], %broadcast_in_dim3A_1 {strides = array<i32>} : memref<10240xf32, #tpu.memory_space<vmem>>, vector<16xf32>,
      %swap3A_38 = arith.index_cast %mul3A_32 : i32 to index
      %swap3A_39 = tpu.vector_load %arg14[%swap3A_38] {strides = array<i32>} : memref<10240xf32, #tpu.memory_space<vmem>>, vector<16xf32>,
      tpu.vector_store %arg14[%swap3A_38], %broadcast_in_dim3A_1 {strides = array<i32>} : memref<10240xf32, #tpu.memory_space<vmem>>, vector<16xf32>,
    }
    %scan3A_6 = arith.constant 640 : i32
    %scan3A_7 = arith.constant 0 : i32
    %scan3A_8 = arith.constant 0 : i32
    %scan3A_9 = arith.constant 632 : i32
    %scan3A_10 = arith.addi %scan3A_8, %scan3A_9 : i32
    %scan3A_11 = arith.constant 1 : i32
    scf.for %scan3A_30 = %scan3A_8 to %scan3A_10 step %scan3A_11  : i32 {
      %mul3A_31 = arith.constant 16 : i32
      %mul3A_32 = arith.muli %scan3A_30, %mul3A_31 : i32
      %get3A = arith.index_cast %mul3A_32 : i32 to index
      %get3A_33 = tpu.vector_load %arg7[%get3A] {strides = array<i32>} : memref<10112xi32, #tpu.memory_space<vmem>>, vector<16xi32>,
      %get3A_34 = arith.index_cast %mul3A_32 : i32 to index
      %get3A_35 = tpu.vector_load %arg8[%get3A_34] {strides = array<i32>} : memref<10112xi32, #tpu.memory_space<vmem>>, vector<16xi32>,
      %get3A_36 = arith.index_cast %mul3A_32 : i32 to index
      %get3A_37 = tpu.vector_load %arg9[%get3A_36] {strides = array<i32>} : memref<10112xf32, #tpu.memory_space<vmem>>, vector<16xf32>,
      %get3A_38 = arith.index_cast %mul3A_32 : i32 to index
      %get3A_39 = tpu.vector_load %arg10[%get3A_38] {strides = array<i32>} : memref<10112xf32, #tpu.memory_space<vmem>>, vector<16xf32>,
      tpu.vector_store_idx %arg11[%get3A_33], %get3A_37 {add = true} : memref<10240xf32, #tpu.memory_space<vmem>>[vector<16xi32>], vector<16xf32>,
      tpu.vector_store_idx %arg12[%get3A_35], %get3A_37 {add = true} : memref<10240xf32, #tpu.memory_space<vmem>>[vector<16xi32>], vector<16xf32>,
      tpu.vector_store_idx %arg13[%get3A_33], %get3A_39 {add = true} : memref<10240xf32, #tpu.memory_space<vmem>>[vector<16xi32>], vector<16xf32>,
      tpu.vector_store_idx %arg14[%get3A_35], %get3A_39 {add = true} : memref<10240xf32, #tpu.memory_space<vmem>>[vector<16xi32>], vector<16xf32>,
    }
    %scan3A_12 = arith.constant 632 : i32
    %run_scoped3A = arith.constant 0 : i32
    "tpu.region"() ({
      %run_scoped3A_30 = tpu.sem_alloc : memref<!tpu.dma_semaphore, #tpu.memory_space<semaphore_mem>>
      %dma_start3A = arith.constant 0 : i32
      %dma_start3A_31 = tpu.memref_slice %arg17[%arg1, %run_scoped3A, %dma_start3A] : memref<16x4x10240xf32, #tpu.memory_space<vmem_shared>> -> memref<1x1x10240xf32, #tpu.memory_space<vmem_shared>>
      %dma_start3A_32 = tpu.memref_squeeze %dma_start3A_31 : memref<1x1x10240xf32, #tpu.memory_space<vmem_shared>> -> memref<10240xf32, #tpu.memory_space<vmem_shared>>
      %dma_start3A_33 = arith.constant 0 : i32
      %dma_start3A_34 = tpu.memref_slice %arg17[%arg1, %run_scoped3A, %dma_start3A_33] : memref<16x4x10240xf32, #tpu.memory_space<vmem_shared>> -> memref<1x1x10240xf32, #tpu.memory_space<vmem_shared>>
      %dma_start3A_35 = tpu.memref_squeeze %dma_start3A_34 : memref<1x1x10240xf32, #tpu.memory_space<vmem_shared>> -> memref<10240xf32, #tpu.memory_space<vmem_shared>>
      tpu.enqueue_dma source(%arg11 : memref<10240xf32, #tpu.memory_space<vmem>>) target(%dma_start3A_35 : memref<10240xf32, #tpu.memory_space<vmem_shared>>) target_semaphore(%run_scoped3A_30 : memref<!tpu.dma_semaphore, #tpu.memory_space<semaphore_mem>>)
      %dma_wait3A = arith.constant 0 : i32
      %dma_wait3A_36 = tpu.memref_slice %arg17[%arg1, %run_scoped3A, %dma_wait3A] : memref<16x4x10240xf32, #tpu.memory_space<vmem_shared>> -> memref<1x1x10240xf32, #tpu.memory_space<vmem_shared>>
      %dma_wait3A_37 = tpu.memref_squeeze %dma_wait3A_36 : memref<1x1x10240xf32, #tpu.memory_space<vmem_shared>> -> memref<10240xf32, #tpu.memory_space<vmem_shared>>
      %dma_wait3A_38 = arith.constant 0 : i32
      %dma_wait3A_39 = tpu.memref_slice %arg17[%arg1, %run_scoped3A, %dma_wait3A_38] : memref<16x4x10240xf32, #tpu.memory_space<vmem_shared>> -> memref<1x1x10240xf32, #tpu.memory_space<vmem_shared>>
      %dma_wait3A_40 = tpu.memref_squeeze %dma_wait3A_39 : memref<1x1x10240xf32, #tpu.memory_space<vmem_shared>> -> memref<10240xf32, #tpu.memory_space<vmem_shared>>
      tpu.wait_dma2 semaphore(%run_scoped3A_30 : memref<!tpu.dma_semaphore, #tpu.memory_space<semaphore_mem>>) src(%arg11 : memref<10240xf32, #tpu.memory_space<vmem>>) dst(%dma_wait3A_40 : memref<10240xf32, #tpu.memory_space<vmem_shared>>)
      tpu.yield
    }) : () -> ()
    %run_scoped3A_13 = arith.constant 1 : i32
    "tpu.region"() ({
      %run_scoped3A_30 = tpu.sem_alloc : memref<!tpu.dma_semaphore, #tpu.memory_space<semaphore_mem>>
      %dma_start3A = arith.constant 0 : i32
      %dma_start3A_31 = tpu.memref_slice %arg17[%arg1, %run_scoped3A_13, %dma_start3A] : memref<16x4x10240xf32, #tpu.memory_space<vmem_shared>> -> memref<1x1x10240xf32, #tpu.memory_space<vmem_shared>>
      %dma_start3A_32 = tpu.memref_squeeze %dma_start3A_31 : memref<1x1x10240xf32, #tpu.memory_space<vmem_shared>> -> memref<10240xf32, #tpu.memory_space<vmem_shared>>
      %dma_start3A_33 = arith.constant 0 : i32
      %dma_start3A_34 = tpu.memref_slice %arg17[%arg1, %run_scoped3A_13, %dma_start3A_33] : memref<16x4x10240xf32, #tpu.memory_space<vmem_shared>> -> memref<1x1x10240xf32, #tpu.memory_space<vmem_shared>>
      %dma_start3A_35 = tpu.memref_squeeze %dma_start3A_34 : memref<1x1x10240xf32, #tpu.memory_space<vmem_shared>> -> memref<10240xf32, #tpu.memory_space<vmem_shared>>
      tpu.enqueue_dma source(%arg12 : memref<10240xf32, #tpu.memory_space<vmem>>) target(%dma_start3A_35 : memref<10240xf32, #tpu.memory_space<vmem_shared>>) target_semaphore(%run_scoped3A_30 : memref<!tpu.dma_semaphore, #tpu.memory_space<semaphore_mem>>)
      %dma_wait3A = arith.constant 0 : i32
      %dma_wait3A_36 = tpu.memref_slice %arg17[%arg1, %run_scoped3A_13, %dma_wait3A] : memref<16x4x10240xf32, #tpu.memory_space<vmem_shared>> -> memref<1x1x10240xf32, #tpu.memory_space<vmem_shared>>
      %dma_wait3A_37 = tpu.memref_squeeze %dma_wait3A_36 : memref<1x1x10240xf32, #tpu.memory_space<vmem_shared>> -> memref<10240xf32, #tpu.memory_space<vmem_shared>>
      %dma_wait3A_38 = arith.constant 0 : i32
      %dma_wait3A_39 = tpu.memref_slice %arg17[%arg1, %run_scoped3A_13, %dma_wait3A_38] : memref<16x4x10240xf32, #tpu.memory_space<vmem_shared>> -> memref<1x1x10240xf32, #tpu.memory_space<vmem_shared>>
      %dma_wait3A_40 = tpu.memref_squeeze %dma_wait3A_39 : memref<1x1x10240xf32, #tpu.memory_space<vmem_shared>> -> memref<10240xf32, #tpu.memory_space<vmem_shared>>
      tpu.wait_dma2 semaphore(%run_scoped3A_30 : memref<!tpu.dma_semaphore, #tpu.memory_space<semaphore_mem>>) src(%arg12 : memref<10240xf32, #tpu.memory_space<vmem>>) dst(%dma_wait3A_40 : memref<10240xf32, #tpu.memory_space<vmem_shared>>)
      tpu.yield
    }) : () -> ()
    %run_scoped3A_14 = arith.constant 2 : i32
    "tpu.region"() ({
      %run_scoped3A_30 = tpu.sem_alloc : memref<!tpu.dma_semaphore, #tpu.memory_space<semaphore_mem>>
      %dma_start3A = arith.constant 0 : i32
      %dma_start3A_31 = tpu.memref_slice %arg17[%arg1, %run_scoped3A_14, %dma_start3A] : memref<16x4x10240xf32, #tpu.memory_space<vmem_shared>> -> memref<1x1x10240xf32, #tpu.memory_space<vmem_shared>>
      %dma_start3A_32 = tpu.memref_squeeze %dma_start3A_31 : memref<1x1x10240xf32, #tpu.memory_space<vmem_shared>> -> memref<10240xf32, #tpu.memory_space<vmem_shared>>
      %dma_start3A_33 = arith.constant 0 : i32
      %dma_start3A_34 = tpu.memref_slice %arg17[%arg1, %run_scoped3A_14, %dma_start3A_33] : memref<16x4x10240xf32, #tpu.memory_space<vmem_shared>> -> memref<1x1x10240xf32, #tpu.memory_space<vmem_shared>>
      %dma_start3A_35 = tpu.memref_squeeze %dma_start3A_34 : memref<1x1x10240xf32, #tpu.memory_space<vmem_shared>> -> memref<10240xf32, #tpu.memory_space<vmem_shared>>
      tpu.enqueue_dma source(%arg13 : memref<10240xf32, #tpu.memory_space<vmem>>) target(%dma_start3A_35 : memref<10240xf32, #tpu.memory_space<vmem_shared>>) target_semaphore(%run_scoped3A_30 : memref<!tpu.dma_semaphore, #tpu.memory_space<semaphore_mem>>)
      %dma_wait3A = arith.constant 0 : i32
      %dma_wait3A_36 = tpu.memref_slice %arg17[%arg1, %run_scoped3A_14, %dma_wait3A] : memref<16x4x10240xf32, #tpu.memory_space<vmem_shared>> -> memref<1x1x10240xf32, #tpu.memory_space<vmem_shared>>
      %dma_wait3A_37 = tpu.memref_squeeze %dma_wait3A_36 : memref<1x1x10240xf32, #tpu.memory_space<vmem_shared>> -> memref<10240xf32, #tpu.memory_space<vmem_shared>>
      %dma_wait3A_38 = arith.constant 0 : i32
      %dma_wait3A_39 = tpu.memref_slice %arg17[%arg1, %run_scoped3A_14, %dma_wait3A_38] : memref<16x4x10240xf32, #tpu.memory_space<vmem_shared>> -> memref<1x1x10240xf32, #tpu.memory_space<vmem_shared>>
      %dma_wait3A_40 = tpu.memref_squeeze %dma_wait3A_39 : memref<1x1x10240xf32, #tpu.memory_space<vmem_shared>> -> memref<10240xf32, #tpu.memory_space<vmem_shared>>
      tpu.wait_dma2 semaphore(%run_scoped3A_30 : memref<!tpu.dma_semaphore, #tpu.memory_space<semaphore_mem>>) src(%arg13 : memref<10240xf32, #tpu.memory_space<vmem>>) dst(%dma_wait3A_40 : memref<10240xf32, #tpu.memory_space<vmem_shared>>)
      tpu.yield
    }) : () -> ()
    %run_scoped3A_15 = arith.constant 3 : i32
    "tpu.region"() ({
      %run_scoped3A_30 = tpu.sem_alloc : memref<!tpu.dma_semaphore, #tpu.memory_space<semaphore_mem>>
      %dma_start3A = arith.constant 0 : i32
      %dma_start3A_31 = tpu.memref_slice %arg17[%arg1, %run_scoped3A_15, %dma_start3A] : memref<16x4x10240xf32, #tpu.memory_space<vmem_shared>> -> memref<1x1x10240xf32, #tpu.memory_space<vmem_shared>>
      %dma_start3A_32 = tpu.memref_squeeze %dma_start3A_31 : memref<1x1x10240xf32, #tpu.memory_space<vmem_shared>> -> memref<10240xf32, #tpu.memory_space<vmem_shared>>
      %dma_start3A_33 = arith.constant 0 : i32
      %dma_start3A_34 = tpu.memref_slice %arg17[%arg1, %run_scoped3A_15, %dma_start3A_33] : memref<16x4x10240xf32, #tpu.memory_space<vmem_shared>> -> memref<1x1x10240xf32, #tpu.memory_space<vmem_shared>>
      %dma_start3A_35 = tpu.memref_squeeze %dma_start3A_34 : memref<1x1x10240xf32, #tpu.memory_space<vmem_shared>> -> memref<10240xf32, #tpu.memory_space<vmem_shared>>
      tpu.enqueue_dma source(%arg14 : memref<10240xf32, #tpu.memory_space<vmem>>) target(%dma_start3A_35 : memref<10240xf32, #tpu.memory_space<vmem_shared>>) target_semaphore(%run_scoped3A_30 : memref<!tpu.dma_semaphore, #tpu.memory_space<semaphore_mem>>)
      %dma_wait3A = arith.constant 0 : i32
      %dma_wait3A_36 = tpu.memref_slice %arg17[%arg1, %run_scoped3A_15, %dma_wait3A] : memref<16x4x10240xf32, #tpu.memory_space<vmem_shared>> -> memref<1x1x10240xf32, #tpu.memory_space<vmem_shared>>
      %dma_wait3A_37 = tpu.memref_squeeze %dma_wait3A_36 : memref<1x1x10240xf32, #tpu.memory_space<vmem_shared>> -> memref<10240xf32, #tpu.memory_space<vmem_shared>>
      %dma_wait3A_38 = arith.constant 0 : i32
      %dma_wait3A_39 = tpu.memref_slice %arg17[%arg1, %run_scoped3A_15, %dma_wait3A_38] : memref<16x4x10240xf32, #tpu.memory_space<vmem_shared>> -> memref<1x1x10240xf32, #tpu.memory_space<vmem_shared>>
      %dma_wait3A_40 = tpu.memref_squeeze %dma_wait3A_39 : memref<1x1x10240xf32, #tpu.memory_space<vmem_shared>> -> memref<10240xf32, #tpu.memory_space<vmem_shared>>
      tpu.wait_dma2 semaphore(%run_scoped3A_30 : memref<!tpu.dma_semaphore, #tpu.memory_space<semaphore_mem>>) src(%arg14 : memref<10240xf32, #tpu.memory_space<vmem>>) dst(%dma_wait3A_40 : memref<10240xf32, #tpu.memory_space<vmem_shared>>)
      tpu.yield
    }) : () -> ()
    %barrier3A = arith.constant 0 : index
    tpu.barrier barrier_id(%barrier3A)
    %mul3A_16 = arith.constant 640 : i32
    %mul3A_17 = arith.muli %arg1, %mul3A_16 : i32
    %scan3A_18 = arith.constant 0 : i32
    %scan3A_19 = arith.constant 0 : i32
    %scan3A_20 = arith.constant 40 : i32
    %scan3A_21 = arith.addi %scan3A_19, %scan3A_20 : i32
    %scan3A_22 = arith.constant 1 : i32
    scf.for %scan3A_30 = %scan3A_19 to %scan3A_21 step %scan3A_22  : i32 {
      %mul3A_31 = arith.constant 16 : i32
      %mul3A_32 = arith.muli %scan3A_30, %mul3A_31 : i32
      %swap3A = arith.constant 0 : i32
      %swap3A_33 = arith.index_cast %swap3A : i32 to index
      %swap3A_34 = arith.index_cast %mul3A_32 : i32 to index
      %swap3A_35 = tpu.vector_load %arg15[%swap3A_33, %swap3A_34] {strides = array<i32>} : memref<4x640xf32, #tpu.memory_space<vmem>>, vector<16xf32>,
      tpu.vector_store %arg15[%swap3A_33, %swap3A_34], %broadcast_in_dim3A_1 {strides = array<i32>} : memref<4x640xf32, #tpu.memory_space<vmem>>, vector<16xf32>,
      %swap3A_36 = arith.constant 1 : i32
      %swap3A_37 = arith.index_cast %swap3A_36 : i32 to index
      %swap3A_38 = arith.index_cast %mul3A_32 : i32 to index
      %swap3A_39 = tpu.vector_load %arg15[%swap3A_37, %swap3A_38] {strides = array<i32>} : memref<4x640xf32, #tpu.memory_space<vmem>>, vector<16xf32>,
      tpu.vector_store %arg15[%swap3A_37, %swap3A_38], %broadcast_in_dim3A_1 {strides = array<i32>} : memref<4x640xf32, #tpu.memory_space<vmem>>, vector<16xf32>,
      %swap3A_40 = arith.constant 2 : i32
      %swap3A_41 = arith.index_cast %swap3A_40 : i32 to index
      %swap3A_42 = arith.index_cast %mul3A_32 : i32 to index
      %swap3A_43 = tpu.vector_load %arg15[%swap3A_41, %swap3A_42] {strides = array<i32>} : memref<4x640xf32, #tpu.memory_space<vmem>>, vector<16xf32>,
      tpu.vector_store %arg15[%swap3A_41, %swap3A_42], %broadcast_in_dim3A_1 {strides = array<i32>} : memref<4x640xf32, #tpu.memory_space<vmem>>, vector<16xf32>,
      %swap3A_44 = arith.constant 3 : i32
      %swap3A_45 = arith.index_cast %swap3A_44 : i32 to index
      %swap3A_46 = arith.index_cast %mul3A_32 : i32 to index
      %swap3A_47 = tpu.vector_load %arg15[%swap3A_45, %swap3A_46] {strides = array<i32>} : memref<4x640xf32, #tpu.memory_space<vmem>>, vector<16xf32>,
      tpu.vector_store %arg15[%swap3A_45, %swap3A_46], %broadcast_in_dim3A_1 {strides = array<i32>} : memref<4x640xf32, #tpu.memory_space<vmem>>, vector<16xf32>,
    }
    %scan3A_23 = arith.constant 40 : i32
    %scan3A_24 = arith.constant 0 : i32
    %scan3A_25 = arith.constant 0 : i32
    %scan3A_26 = arith.constant 16 : i32
    %scan3A_27 = arith.addi %scan3A_25, %scan3A_26 : i32
    %scan3A_28 = arith.constant 1 : i32
    scf.for %scan3A_30 = %scan3A_25 to %scan3A_27 step %scan3A_28  : i32 {
      "tpu.region"() ({
        %run_scoped3A_37 = tpu.sem_alloc : memref<!tpu.dma_semaphore, #tpu.memory_space<semaphore_mem>>
        %dma_start3A = arith.constant 0 : i32
        %dma_start3A_38 = tpu.memref_slice %arg17[%scan3A_30, %dma_start3A, %mul3A_17] : memref<16x4x10240xf32, #tpu.memory_space<vmem_shared>> -> memref<1x4x640xf32, #tpu.memory_space<vmem_shared>>
        %dma_start3A_39 = tpu.memref_squeeze %dma_start3A_38 : memref<1x4x640xf32, #tpu.memory_space<vmem_shared>> -> memref<4x640xf32, #tpu.memory_space<vmem_shared>>
        %dma_start3A_40 = arith.constant 0 : i32
        %dma_start3A_41 = tpu.memref_slice %arg17[%scan3A_30, %dma_start3A_40, %mul3A_17] : memref<16x4x10240xf32, #tpu.memory_space<vmem_shared>> -> memref<1x4x640xf32, #tpu.memory_space<vmem_shared>>
        %dma_start3A_42 = tpu.memref_squeeze %dma_start3A_41 : memref<1x4x640xf32, #tpu.memory_space<vmem_shared>> -> memref<4x640xf32, #tpu.memory_space<vmem_shared>>
        tpu.enqueue_dma source(%dma_start3A_42 : memref<4x640xf32, #tpu.memory_space<vmem_shared>>) target(%arg16 : memref<4x640xf32, #tpu.memory_space<vmem>>) target_semaphore(%run_scoped3A_37 : memref<!tpu.dma_semaphore, #tpu.memory_space<semaphore_mem>>)
        %dma_wait3A = arith.constant 0 : i32
        %dma_wait3A_43 = tpu.memref_slice %arg17[%scan3A_30, %dma_wait3A, %mul3A_17] : memref<16x4x10240xf32, #tpu.memory_space<vmem_shared>> -> memref<1x4x640xf32, #tpu.memory_space<vmem_shared>>
        %dma_wait3A_44 = tpu.memref_squeeze %dma_wait3A_43 : memref<1x4x640xf32, #tpu.memory_space<vmem_shared>> -> memref<4x640xf32, #tpu.memory_space<vmem_shared>>
        %dma_wait3A_45 = arith.constant 0 : i32
        %dma_wait3A_46 = tpu.memref_slice %arg17[%scan3A_30, %dma_wait3A_45, %mul3A_17] : memref<16x4x10240xf32, #tpu.memory_space<vmem_shared>> -> memref<1x4x640xf32, #tpu.memory_space<vmem_shared>>
        %dma_wait3A_47 = tpu.memref_squeeze %dma_wait3A_46 : memref<1x4x640xf32, #tpu.memory_space<vmem_shared>> -> memref<4x640xf32, #tpu.memory_space<vmem_shared>>
        tpu.wait_dma2 semaphore(%run_scoped3A_37 : memref<!tpu.dma_semaphore, #tpu.memory_space<semaphore_mem>>) src(%dma_wait3A_47 : memref<4x640xf32, #tpu.memory_space<vmem_shared>>) dst(%arg16 : memref<4x640xf32, #tpu.memory_space<vmem>>)
        tpu.yield
      }) : () -> ()
      %scan3A_31 = arith.constant 0 : i32
      %scan3A_32 = arith.constant 0 : i32
      %scan3A_33 = arith.constant 40 : i32
      %scan3A_34 = arith.addi %scan3A_32, %scan3A_33 : i32
      %scan3A_35 = arith.constant 1 : i32
      scf.for %scan3A_37 = %scan3A_32 to %scan3A_34 step %scan3A_35  : i32 {
        %mul3A_38 = arith.constant 16 : i32
        %mul3A_39 = arith.muli %scan3A_37, %mul3A_38 : i32
        %get3A = arith.constant 0 : i32
        %get3A_40 = arith.index_cast %get3A : i32 to index
        %get3A_41 = arith.index_cast %mul3A_39 : i32 to index
        %get3A_42 = tpu.vector_load %arg15[%get3A_40, %get3A_41] {strides = array<i32>} : memref<4x640xf32, #tpu.memory_space<vmem>>, vector<16xf32>,
        %get3A_43 = arith.constant 0 : i32
        %get3A_44 = arith.index_cast %get3A_43 : i32 to index
        %get3A_45 = arith.index_cast %mul3A_39 : i32 to index
        %get3A_46 = tpu.vector_load %arg16[%get3A_44, %get3A_45] {strides = array<i32>} : memref<4x640xf32, #tpu.memory_space<vmem>>, vector<16xf32>,
        %add3A_47 = arith.addf %get3A_42, %get3A_46 : vector<16xf32>
        %swap3A = arith.constant 0 : i32
        %swap3A_48 = arith.index_cast %swap3A : i32 to index
        %swap3A_49 = arith.index_cast %mul3A_39 : i32 to index
        %swap3A_50 = tpu.vector_load %arg15[%swap3A_48, %swap3A_49] {strides = array<i32>} : memref<4x640xf32, #tpu.memory_space<vmem>>, vector<16xf32>,
        tpu.vector_store %arg15[%swap3A_48, %swap3A_49], %add3A_47 {strides = array<i32>} : memref<4x640xf32, #tpu.memory_space<vmem>>, vector<16xf32>,
        %get3A_51 = arith.constant 1 : i32
        %get3A_52 = arith.index_cast %get3A_51 : i32 to index
        %get3A_53 = arith.index_cast %mul3A_39 : i32 to index
        %get3A_54 = tpu.vector_load %arg15[%get3A_52, %get3A_53] {strides = array<i32>} : memref<4x640xf32, #tpu.memory_space<vmem>>, vector<16xf32>,
        %get3A_55 = arith.constant 1 : i32
        %get3A_56 = arith.index_cast %get3A_55 : i32 to index
        %get3A_57 = arith.index_cast %mul3A_39 : i32 to index
        %get3A_58 = tpu.vector_load %arg16[%get3A_56, %get3A_57] {strides = array<i32>} : memref<4x640xf32, #tpu.memory_space<vmem>>, vector<16xf32>,
        %add3A_59 = arith.addf %get3A_54, %get3A_58 : vector<16xf32>
        %swap3A_60 = arith.constant 1 : i32
        %swap3A_61 = arith.index_cast %swap3A_60 : i32 to index
        %swap3A_62 = arith.index_cast %mul3A_39 : i32 to index
        %swap3A_63 = tpu.vector_load %arg15[%swap3A_61, %swap3A_62] {strides = array<i32>} : memref<4x640xf32, #tpu.memory_space<vmem>>, vector<16xf32>,
        tpu.vector_store %arg15[%swap3A_61, %swap3A_62], %add3A_59 {strides = array<i32>} : memref<4x640xf32, #tpu.memory_space<vmem>>, vector<16xf32>,
        %get3A_64 = arith.constant 2 : i32
        %get3A_65 = arith.index_cast %get3A_64 : i32 to index
        %get3A_66 = arith.index_cast %mul3A_39 : i32 to index
        %get3A_67 = tpu.vector_load %arg15[%get3A_65, %get3A_66] {strides = array<i32>} : memref<4x640xf32, #tpu.memory_space<vmem>>, vector<16xf32>,
        %get3A_68 = arith.constant 2 : i32
        %get3A_69 = arith.index_cast %get3A_68 : i32 to index
        %get3A_70 = arith.index_cast %mul3A_39 : i32 to index
        %get3A_71 = tpu.vector_load %arg16[%get3A_69, %get3A_70] {strides = array<i32>} : memref<4x640xf32, #tpu.memory_space<vmem>>, vector<16xf32>,
        %add3A_72 = arith.addf %get3A_67, %get3A_71 : vector<16xf32>
        %swap3A_73 = arith.constant 2 : i32
        %swap3A_74 = arith.index_cast %swap3A_73 : i32 to index
        %swap3A_75 = arith.index_cast %mul3A_39 : i32 to index
        %swap3A_76 = tpu.vector_load %arg15[%swap3A_74, %swap3A_75] {strides = array<i32>} : memref<4x640xf32, #tpu.memory_space<vmem>>, vector<16xf32>,
        tpu.vector_store %arg15[%swap3A_74, %swap3A_75], %add3A_72 {strides = array<i32>} : memref<4x640xf32, #tpu.memory_space<vmem>>, vector<16xf32>,
        %get3A_77 = arith.constant 3 : i32
        %get3A_78 = arith.index_cast %get3A_77 : i32 to index
        %get3A_79 = arith.index_cast %mul3A_39 : i32 to index
        %get3A_80 = tpu.vector_load %arg15[%get3A_78, %get3A_79] {strides = array<i32>} : memref<4x640xf32, #tpu.memory_space<vmem>>, vector<16xf32>,
        %get3A_81 = arith.constant 3 : i32
        %get3A_82 = arith.index_cast %get3A_81 : i32 to index
        %get3A_83 = arith.index_cast %mul3A_39 : i32 to index
        %get3A_84 = tpu.vector_load %arg16[%get3A_82, %get3A_83] {strides = array<i32>} : memref<4x640xf32, #tpu.memory_space<vmem>>, vector<16xf32>,
        %add3A_85 = arith.addf %get3A_80, %get3A_84 : vector<16xf32>
        %swap3A_86 = arith.constant 3 : i32
        %swap3A_87 = arith.index_cast %swap3A_86 : i32 to index
        %swap3A_88 = arith.index_cast %mul3A_39 : i32 to index
        %swap3A_89 = tpu.vector_load %arg15[%swap3A_87, %swap3A_88] {strides = array<i32>} : memref<4x640xf32, #tpu.memory_space<vmem>>, vector<16xf32>,
        tpu.vector_store %arg15[%swap3A_87, %swap3A_88], %add3A_85 {strides = array<i32>} : memref<4x640xf32, #tpu.memory_space<vmem>>, vector<16xf32>,
      }
      %scan3A_36 = arith.constant 40 : i32
    }
    %scan3A_29 = arith.constant 16 : i32
    "tpu.region"() ({
      %run_scoped3A_30 = tpu.sem_alloc : memref<!tpu.dma_semaphore, #tpu.memory_space<semaphore_mem>>
      %dma_start3A = arith.constant 0 : i32
      %dma_start3A_31 = tpu.memref_slice %arg6[%arg0, %dma_start3A, %mul3A_17] : memref<2x4x10240xf32, #tpu.memory_space<hbm>> -> memref<1x4x640xf32, #tpu.memory_space<hbm>>
      %dma_start3A_32 = tpu.memref_squeeze %dma_start3A_31 : memref<1x4x640xf32, #tpu.memory_space<hbm>> -> memref<4x640xf32, #tpu.memory_space<hbm>>
      %dma_start3A_33 = arith.constant 0 : i32
      %dma_start3A_34 = tpu.memref_slice %arg6[%arg0, %dma_start3A_33, %mul3A_17] : memref<2x4x10240xf32, #tpu.memory_space<hbm>> -> memref<1x4x640xf32, #tpu.memory_space<hbm>>
      %dma_start3A_35 = tpu.memref_squeeze %dma_start3A_34 : memref<1x4x640xf32, #tpu.memory_space<hbm>> -> memref<4x640xf32, #tpu.memory_space<hbm>>
      tpu.enqueue_dma source(%arg15 : memref<4x640xf32, #tpu.memory_space<vmem>>) target(%dma_start3A_35 : memref<4x640xf32, #tpu.memory_space<hbm>>) target_semaphore(%run_scoped3A_30 : memref<!tpu.dma_semaphore, #tpu.memory_space<semaphore_mem>>)
      %dma_wait3A = arith.constant 0 : i32
      %dma_wait3A_36 = tpu.memref_slice %arg6[%arg0, %dma_wait3A, %mul3A_17] : memref<2x4x10240xf32, #tpu.memory_space<hbm>> -> memref<1x4x640xf32, #tpu.memory_space<hbm>>
      %dma_wait3A_37 = tpu.memref_squeeze %dma_wait3A_36 : memref<1x4x640xf32, #tpu.memory_space<hbm>> -> memref<4x640xf32, #tpu.memory_space<hbm>>
      %dma_wait3A_38 = arith.constant 0 : i32
      %dma_wait3A_39 = tpu.memref_slice %arg6[%arg0, %dma_wait3A_38, %mul3A_17] : memref<2x4x10240xf32, #tpu.memory_space<hbm>> -> memref<1x4x640xf32, #tpu.memory_space<hbm>>
      %dma_wait3A_40 = tpu.memref_squeeze %dma_wait3A_39 : memref<1x4x640xf32, #tpu.memory_space<hbm>> -> memref<4x640xf32, #tpu.memory_space<hbm>>
      tpu.wait_dma2 semaphore(%run_scoped3A_30 : memref<!tpu.dma_semaphore, #tpu.memory_space<semaphore_mem>>) src(%arg15 : memref<4x640xf32, #tpu.memory_space<vmem>>) dst(%dma_wait3A_40 : memref<4x640xf32, #tpu.memory_space<hbm>>)
      tpu.yield
    }) : () -> ()
    return
  }
}

#map = affine_map<(d0, d1) -> (0, 0)>
#map1 = affine_map<(d0, d1) -> (0, 0, 0)>
module attributes {stable_mosaic.version = 14 : i64} {
  func.func @k(%arg0: i32, %arg1: i32, %arg2: memref<10240x128xf32, #tpu.memory_space<hbm>>, %arg3: memref<32x79x128xi32, #tpu.memory_space<hbm>>, %arg4: memref<32x79x128xi32, #tpu.memory_space<hbm>>, %arg5: memref<2x10240x128xf32, #tpu.memory_space<hbm>>, %arg6: memref<79x128xi32, #tpu.memory_space<vmem>>, %arg7: memref<79x128xi32, #tpu.memory_space<vmem>>, %arg8: memref<128x128xf32, #tpu.memory_space<vmem>>, %arg9: memref<10240x128xf32, #tpu.memory_space<vmem_shared>>, %arg10: memref<!tpu.dma_semaphore, #tpu.memory_space<semaphore_mem>>) attributes {dimension_semantics = [#tpu.dimension_semantics<core_parallel>, #tpu.dimension_semantics<subcore_parallel>], iteration_bounds = array<i64: 2, 16>, scalar_prefetch = 0 : i64, scratch_operands = 5 : i64, tpu.core_type = #tpu.core_type<sc_vector_subcore>, window_params = [{transform_indices = #map}, {transform_indices = #map1}, {transform_indices = #map1}, {transform_indices = #map1}]} {
    %mul3A = arith.constant 2 : i32
    %mul3A_0 = arith.muli %arg1, %mul3A : i32
    %add3A = arith.addi %mul3A_0, %arg0 : i32
    "tpu.region"() ({
      %run_scoped3A = tpu.sem_alloc : memref<!tpu.dma_semaphore, #tpu.memory_space<semaphore_mem>>
      %dma_start3A = arith.constant 0 : i32
      %dma_start3A_26 = arith.constant 0 : i32
      %dma_start3A_27 = tpu.memref_slice %arg3[%add3A, %dma_start3A, %dma_start3A_26] : memref<32x79x128xi32, #tpu.memory_space<hbm>> -> memref<1x79x128xi32, #tpu.memory_space<hbm>>
      %dma_start3A_28 = tpu.memref_squeeze %dma_start3A_27 : memref<1x79x128xi32, #tpu.memory_space<hbm>> -> memref<79x128xi32, #tpu.memory_space<hbm>>
      %dma_start3A_29 = arith.constant 0 : i32
      %dma_start3A_30 = arith.constant 0 : i32
      %dma_start3A_31 = tpu.memref_slice %arg3[%add3A, %dma_start3A_29, %dma_start3A_30] : memref<32x79x128xi32, #tpu.memory_space<hbm>> -> memref<1x79x128xi32, #tpu.memory_space<hbm>>
      %dma_start3A_32 = tpu.memref_squeeze %dma_start3A_31 : memref<1x79x128xi32, #tpu.memory_space<hbm>> -> memref<79x128xi32, #tpu.memory_space<hbm>>
      tpu.enqueue_dma source(%dma_start3A_32 : memref<79x128xi32, #tpu.memory_space<hbm>>) target(%arg6 : memref<79x128xi32, #tpu.memory_space<vmem>>) target_semaphore(%run_scoped3A : memref<!tpu.dma_semaphore, #tpu.memory_space<semaphore_mem>>)
      %dma_wait3A = arith.constant 0 : i32
      %dma_wait3A_33 = arith.constant 0 : i32
      %dma_wait3A_34 = tpu.memref_slice %arg3[%add3A, %dma_wait3A, %dma_wait3A_33] : memref<32x79x128xi32, #tpu.memory_space<hbm>> -> memref<1x79x128xi32, #tpu.memory_space<hbm>>
      %dma_wait3A_35 = tpu.memref_squeeze %dma_wait3A_34 : memref<1x79x128xi32, #tpu.memory_space<hbm>> -> memref<79x128xi32, #tpu.memory_space<hbm>>
      %dma_wait3A_36 = arith.constant 0 : i32
      %dma_wait3A_37 = arith.constant 0 : i32
      %dma_wait3A_38 = tpu.memref_slice %arg3[%add3A, %dma_wait3A_36, %dma_wait3A_37] : memref<32x79x128xi32, #tpu.memory_space<hbm>> -> memref<1x79x128xi32, #tpu.memory_space<hbm>>
      %dma_wait3A_39 = tpu.memref_squeeze %dma_wait3A_38 : memref<1x79x128xi32, #tpu.memory_space<hbm>> -> memref<79x128xi32, #tpu.memory_space<hbm>>
      tpu.wait_dma2 semaphore(%run_scoped3A : memref<!tpu.dma_semaphore, #tpu.memory_space<semaphore_mem>>) src(%dma_wait3A_39 : memref<79x128xi32, #tpu.memory_space<hbm>>) dst(%arg6 : memref<79x128xi32, #tpu.memory_space<vmem>>)
      tpu.yield
    }) : () -> ()
    "tpu.region"() ({
      %run_scoped3A = tpu.sem_alloc : memref<!tpu.dma_semaphore, #tpu.memory_space<semaphore_mem>>
      %dma_start3A = arith.constant 0 : i32
      %dma_start3A_26 = arith.constant 0 : i32
      %dma_start3A_27 = tpu.memref_slice %arg4[%add3A, %dma_start3A, %dma_start3A_26] : memref<32x79x128xi32, #tpu.memory_space<hbm>> -> memref<1x79x128xi32, #tpu.memory_space<hbm>>
      %dma_start3A_28 = tpu.memref_squeeze %dma_start3A_27 : memref<1x79x128xi32, #tpu.memory_space<hbm>> -> memref<79x128xi32, #tpu.memory_space<hbm>>
      %dma_start3A_29 = arith.constant 0 : i32
      %dma_start3A_30 = arith.constant 0 : i32
      %dma_start3A_31 = tpu.memref_slice %arg4[%add3A, %dma_start3A_29, %dma_start3A_30] : memref<32x79x128xi32, #tpu.memory_space<hbm>> -> memref<1x79x128xi32, #tpu.memory_space<hbm>>
      %dma_start3A_32 = tpu.memref_squeeze %dma_start3A_31 : memref<1x79x128xi32, #tpu.memory_space<hbm>> -> memref<79x128xi32, #tpu.memory_space<hbm>>
      tpu.enqueue_dma source(%dma_start3A_32 : memref<79x128xi32, #tpu.memory_space<hbm>>) target(%arg7 : memref<79x128xi32, #tpu.memory_space<vmem>>) target_semaphore(%run_scoped3A : memref<!tpu.dma_semaphore, #tpu.memory_space<semaphore_mem>>)
      %dma_wait3A = arith.constant 0 : i32
      %dma_wait3A_33 = arith.constant 0 : i32
      %dma_wait3A_34 = tpu.memref_slice %arg4[%add3A, %dma_wait3A, %dma_wait3A_33] : memref<32x79x128xi32, #tpu.memory_space<hbm>> -> memref<1x79x128xi32, #tpu.memory_space<hbm>>
      %dma_wait3A_35 = tpu.memref_squeeze %dma_wait3A_34 : memref<1x79x128xi32, #tpu.memory_space<hbm>> -> memref<79x128xi32, #tpu.memory_space<hbm>>
      %dma_wait3A_36 = arith.constant 0 : i32
      %dma_wait3A_37 = arith.constant 0 : i32
      %dma_wait3A_38 = tpu.memref_slice %arg4[%add3A, %dma_wait3A_36, %dma_wait3A_37] : memref<32x79x128xi32, #tpu.memory_space<hbm>> -> memref<1x79x128xi32, #tpu.memory_space<hbm>>
      %dma_wait3A_39 = tpu.memref_squeeze %dma_wait3A_38 : memref<1x79x128xi32, #tpu.memory_space<hbm>> -> memref<79x128xi32, #tpu.memory_space<hbm>>
      tpu.wait_dma2 semaphore(%run_scoped3A : memref<!tpu.dma_semaphore, #tpu.memory_space<semaphore_mem>>) src(%dma_wait3A_39 : memref<79x128xi32, #tpu.memory_space<hbm>>) dst(%arg7 : memref<79x128xi32, #tpu.memory_space<vmem>>)
      tpu.yield
    }) : () -> ()
    %broadcast_in_dim3A = arith.constant 0.000000e+00 : f32
    %broadcast_in_dim3A_1 = vector.broadcast %broadcast_in_dim3A : f32 to vector<16xf32>
    %scan3A = arith.constant 0 : i32
    %scan3A_2 = arith.constant 0 : i32
    %scan3A_3 = arith.constant 128 : i32
    %scan3A_4 = arith.addi %scan3A_2, %scan3A_3 : i32
    %scan3A_5 = arith.constant 1 : i32
    scf.for %scan3A_26 = %scan3A_2 to %scan3A_4 step %scan3A_5  : i32 {
      %swap3A = arith.index_cast %scan3A_26 : i32 to index
      %swap3A_27 = arith.constant 0 : index
      %swap3A_28 = tpu.vector_load %arg8[%swap3A, %swap3A_27] {strides = array<i32>} : memref<128x128xf32, #tpu.memory_space<vmem>>, vector<1x16xf32>,
      %swap3A_29 = vector.shape_cast %swap3A_28 : vector<1x16xf32> to vector<16xf32>
      %swap3A_30 = vector.shape_cast %broadcast_in_dim3A_1 : vector<16xf32> to vector<1x16xf32>
      tpu.vector_store %arg8[%swap3A, %swap3A_27], %swap3A_30 {strides = array<i32>} : memref<128x128xf32, #tpu.memory_space<vmem>>, vector<1x16xf32>,
      %swap3A_31 = arith.index_cast %scan3A_26 : i32 to index
      %swap3A_32 = arith.constant 16 : index
      %swap3A_33 = tpu.vector_load %arg8[%swap3A_31, %swap3A_32] {strides = array<i32>} : memref<128x128xf32, #tpu.memory_space<vmem>>, vector<1x16xf32>,
      %swap3A_34 = vector.shape_cast %swap3A_33 : vector<1x16xf32> to vector<16xf32>
      %swap3A_35 = vector.shape_cast %broadcast_in_dim3A_1 : vector<16xf32> to vector<1x16xf32>
      tpu.vector_store %arg8[%swap3A_31, %swap3A_32], %swap3A_35 {strides = array<i32>} : memref<128x128xf32, #tpu.memory_space<vmem>>, vector<1x16xf32>,
      %swap3A_36 = arith.index_cast %scan3A_26 : i32 to index
      %swap3A_37 = arith.constant 32 : index
      %swap3A_38 = tpu.vector_load %arg8[%swap3A_36, %swap3A_37] {strides = array<i32>} : memref<128x128xf32, #tpu.memory_space<vmem>>, vector<1x16xf32>,
      %swap3A_39 = vector.shape_cast %swap3A_38 : vector<1x16xf32> to vector<16xf32>
      %swap3A_40 = vector.shape_cast %broadcast_in_dim3A_1 : vector<16xf32> to vector<1x16xf32>
      tpu.vector_store %arg8[%swap3A_36, %swap3A_37], %swap3A_40 {strides = array<i32>} : memref<128x128xf32, #tpu.memory_space<vmem>>, vector<1x16xf32>,
      %swap3A_41 = arith.index_cast %scan3A_26 : i32 to index
      %swap3A_42 = arith.constant 48 : index
      %swap3A_43 = tpu.vector_load %arg8[%swap3A_41, %swap3A_42] {strides = array<i32>} : memref<128x128xf32, #tpu.memory_space<vmem>>, vector<1x16xf32>,
      %swap3A_44 = vector.shape_cast %swap3A_43 : vector<1x16xf32> to vector<16xf32>
      %swap3A_45 = vector.shape_cast %broadcast_in_dim3A_1 : vector<16xf32> to vector<1x16xf32>
      tpu.vector_store %arg8[%swap3A_41, %swap3A_42], %swap3A_45 {strides = array<i32>} : memref<128x128xf32, #tpu.memory_space<vmem>>, vector<1x16xf32>,
      %swap3A_46 = arith.index_cast %scan3A_26 : i32 to index
      %swap3A_47 = arith.constant 64 : index
      %swap3A_48 = tpu.vector_load %arg8[%swap3A_46, %swap3A_47] {strides = array<i32>} : memref<128x128xf32, #tpu.memory_space<vmem>>, vector<1x16xf32>,
      %swap3A_49 = vector.shape_cast %swap3A_48 : vector<1x16xf32> to vector<16xf32>
      %swap3A_50 = vector.shape_cast %broadcast_in_dim3A_1 : vector<16xf32> to vector<1x16xf32>
      tpu.vector_store %arg8[%swap3A_46, %swap3A_47], %swap3A_50 {strides = array<i32>} : memref<128x128xf32, #tpu.memory_space<vmem>>, vector<1x16xf32>,
      %swap3A_51 = arith.index_cast %scan3A_26 : i32 to index
      %swap3A_52 = arith.constant 80 : index
      %swap3A_53 = tpu.vector_load %arg8[%swap3A_51, %swap3A_52] {strides = array<i32>} : memref<128x128xf32, #tpu.memory_space<vmem>>, vector<1x16xf32>,
      %swap3A_54 = vector.shape_cast %swap3A_53 : vector<1x16xf32> to vector<16xf32>
      %swap3A_55 = vector.shape_cast %broadcast_in_dim3A_1 : vector<16xf32> to vector<1x16xf32>
      tpu.vector_store %arg8[%swap3A_51, %swap3A_52], %swap3A_55 {strides = array<i32>} : memref<128x128xf32, #tpu.memory_space<vmem>>, vector<1x16xf32>,
      %swap3A_56 = arith.index_cast %scan3A_26 : i32 to index
      %swap3A_57 = arith.constant 96 : index
      %swap3A_58 = tpu.vector_load %arg8[%swap3A_56, %swap3A_57] {strides = array<i32>} : memref<128x128xf32, #tpu.memory_space<vmem>>, vector<1x16xf32>,
      %swap3A_59 = vector.shape_cast %swap3A_58 : vector<1x16xf32> to vector<16xf32>
      %swap3A_60 = vector.shape_cast %broadcast_in_dim3A_1 : vector<16xf32> to vector<1x16xf32>
      tpu.vector_store %arg8[%swap3A_56, %swap3A_57], %swap3A_60 {strides = array<i32>} : memref<128x128xf32, #tpu.memory_space<vmem>>, vector<1x16xf32>,
      %swap3A_61 = arith.index_cast %scan3A_26 : i32 to index
      %swap3A_62 = arith.constant 112 : index
      %swap3A_63 = tpu.vector_load %arg8[%swap3A_61, %swap3A_62] {strides = array<i32>} : memref<128x128xf32, #tpu.memory_space<vmem>>, vector<1x16xf32>,
      %swap3A_64 = vector.shape_cast %swap3A_63 : vector<1x16xf32> to vector<16xf32>
      %swap3A_65 = vector.shape_cast %broadcast_in_dim3A_1 : vector<16xf32> to vector<1x16xf32>
      tpu.vector_store %arg8[%swap3A_61, %swap3A_62], %swap3A_65 {strides = array<i32>} : memref<128x128xf32, #tpu.memory_space<vmem>>, vector<1x16xf32>,
    }
    %scan3A_6 = arith.constant 128 : i32
    %mul3A_7 = arith.constant 640 : i32
    %mul3A_8 = arith.muli %arg1, %mul3A_7 : i32
    %add3A_9 = arith.constant 0 : i32
    %add3A_10 = arith.addi %mul3A_8, %add3A_9 : i32
    "tpu.region"() ({
      %run_scoped3A = tpu.sem_alloc : memref<!tpu.dma_semaphore, #tpu.memory_space<semaphore_mem>>
      %dma_start3A = arith.constant 0 : i32
      %dma_start3A_26 = tpu.memref_slice %arg9[%add3A_10, %dma_start3A] : memref<10240x128xf32, #tpu.memory_space<vmem_shared>> -> memref<128x128xf32, #tpu.memory_space<vmem_shared>>
      %dma_start3A_27 = arith.constant 0 : i32
      %dma_start3A_28 = tpu.memref_slice %arg9[%add3A_10, %dma_start3A_27] : memref<10240x128xf32, #tpu.memory_space<vmem_shared>> -> memref<128x128xf32, #tpu.memory_space<vmem_shared>>
      tpu.enqueue_dma source(%arg8 : memref<128x128xf32, #tpu.memory_space<vmem>>) target(%dma_start3A_28 : memref<128x128xf32, #tpu.memory_space<vmem_shared>>) target_semaphore(%run_scoped3A : memref<!tpu.dma_semaphore, #tpu.memory_space<semaphore_mem>>)
      %dma_wait3A = arith.constant 0 : i32
      %dma_wait3A_29 = tpu.memref_slice %arg9[%add3A_10, %dma_wait3A] : memref<10240x128xf32, #tpu.memory_space<vmem_shared>> -> memref<128x128xf32, #tpu.memory_space<vmem_shared>>
      %dma_wait3A_30 = arith.constant 0 : i32
      %dma_wait3A_31 = tpu.memref_slice %arg9[%add3A_10, %dma_wait3A_30] : memref<10240x128xf32, #tpu.memory_space<vmem_shared>> -> memref<128x128xf32, #tpu.memory_space<vmem_shared>>
      tpu.wait_dma2 semaphore(%run_scoped3A : memref<!tpu.dma_semaphore, #tpu.memory_space<semaphore_mem>>) src(%arg8 : memref<128x128xf32, #tpu.memory_space<vmem>>) dst(%dma_wait3A_31 : memref<128x128xf32, #tpu.memory_space<vmem_shared>>)
      tpu.yield
    }) : () -> ()
    %add3A_11 = arith.constant 128 : i32
    %add3A_12 = arith.addi %mul3A_8, %add3A_11 : i32
    "tpu.region"() ({
      %run_scoped3A = tpu.sem_alloc : memref<!tpu.dma_semaphore, #tpu.memory_space<semaphore_mem>>
      %dma_start3A = arith.constant 0 : i32
      %dma_start3A_26 = tpu.memref_slice %arg9[%add3A_12, %dma_start3A] : memref<10240x128xf32, #tpu.memory_space<vmem_shared>> -> memref<128x128xf32, #tpu.memory_space<vmem_shared>>
      %dma_start3A_27 = arith.constant 0 : i32
      %dma_start3A_28 = tpu.memref_slice %arg9[%add3A_12, %dma_start3A_27] : memref<10240x128xf32, #tpu.memory_space<vmem_shared>> -> memref<128x128xf32, #tpu.memory_space<vmem_shared>>
      tpu.enqueue_dma source(%arg8 : memref<128x128xf32, #tpu.memory_space<vmem>>) target(%dma_start3A_28 : memref<128x128xf32, #tpu.memory_space<vmem_shared>>) target_semaphore(%run_scoped3A : memref<!tpu.dma_semaphore, #tpu.memory_space<semaphore_mem>>)
      %dma_wait3A = arith.constant 0 : i32
      %dma_wait3A_29 = tpu.memref_slice %arg9[%add3A_12, %dma_wait3A] : memref<10240x128xf32, #tpu.memory_space<vmem_shared>> -> memref<128x128xf32, #tpu.memory_space<vmem_shared>>
      %dma_wait3A_30 = arith.constant 0 : i32
      %dma_wait3A_31 = tpu.memref_slice %arg9[%add3A_12, %dma_wait3A_30] : memref<10240x128xf32, #tpu.memory_space<vmem_shared>> -> memref<128x128xf32, #tpu.memory_space<vmem_shared>>
      tpu.wait_dma2 semaphore(%run_scoped3A : memref<!tpu.dma_semaphore, #tpu.memory_space<semaphore_mem>>) src(%arg8 : memref<128x128xf32, #tpu.memory_space<vmem>>) dst(%dma_wait3A_31 : memref<128x128xf32, #tpu.memory_space<vmem_shared>>)
      tpu.yield
    }) : () -> ()
    %add3A_13 = arith.constant 256 : i32
    %add3A_14 = arith.addi %mul3A_8, %add3A_13 : i32
    "tpu.region"() ({
      %run_scoped3A = tpu.sem_alloc : memref<!tpu.dma_semaphore, #tpu.memory_space<semaphore_mem>>
      %dma_start3A = arith.constant 0 : i32
      %dma_start3A_26 = tpu.memref_slice %arg9[%add3A_14, %dma_start3A] : memref<10240x128xf32, #tpu.memory_space<vmem_shared>> -> memref<128x128xf32, #tpu.memory_space<vmem_shared>>
      %dma_start3A_27 = arith.constant 0 : i32
      %dma_start3A_28 = tpu.memref_slice %arg9[%add3A_14, %dma_start3A_27] : memref<10240x128xf32, #tpu.memory_space<vmem_shared>> -> memref<128x128xf32, #tpu.memory_space<vmem_shared>>
      tpu.enqueue_dma source(%arg8 : memref<128x128xf32, #tpu.memory_space<vmem>>) target(%dma_start3A_28 : memref<128x128xf32, #tpu.memory_space<vmem_shared>>) target_semaphore(%run_scoped3A : memref<!tpu.dma_semaphore, #tpu.memory_space<semaphore_mem>>)
      %dma_wait3A = arith.constant 0 : i32
      %dma_wait3A_29 = tpu.memref_slice %arg9[%add3A_14, %dma_wait3A] : memref<10240x128xf32, #tpu.memory_space<vmem_shared>> -> memref<128x128xf32, #tpu.memory_space<vmem_shared>>
      %dma_wait3A_30 = arith.constant 0 : i32
      %dma_wait3A_31 = tpu.memref_slice %arg9[%add3A_14, %dma_wait3A_30] : memref<10240x128xf32, #tpu.memory_space<vmem_shared>> -> memref<128x128xf32, #tpu.memory_space<vmem_shared>>
      tpu.wait_dma2 semaphore(%run_scoped3A : memref<!tpu.dma_semaphore, #tpu.memory_space<semaphore_mem>>) src(%arg8 : memref<128x128xf32, #tpu.memory_space<vmem>>) dst(%dma_wait3A_31 : memref<128x128xf32, #tpu.memory_space<vmem_shared>>)
      tpu.yield
    }) : () -> ()
    %add3A_15 = arith.constant 384 : i32
    %add3A_16 = arith.addi %mul3A_8, %add3A_15 : i32
    "tpu.region"() ({
      %run_scoped3A = tpu.sem_alloc : memref<!tpu.dma_semaphore, #tpu.memory_space<semaphore_mem>>
      %dma_start3A = arith.constant 0 : i32
      %dma_start3A_26 = tpu.memref_slice %arg9[%add3A_16, %dma_start3A] : memref<10240x128xf32, #tpu.memory_space<vmem_shared>> -> memref<128x128xf32, #tpu.memory_space<vmem_shared>>
      %dma_start3A_27 = arith.constant 0 : i32
      %dma_start3A_28 = tpu.memref_slice %arg9[%add3A_16, %dma_start3A_27] : memref<10240x128xf32, #tpu.memory_space<vmem_shared>> -> memref<128x128xf32, #tpu.memory_space<vmem_shared>>
      tpu.enqueue_dma source(%arg8 : memref<128x128xf32, #tpu.memory_space<vmem>>) target(%dma_start3A_28 : memref<128x128xf32, #tpu.memory_space<vmem_shared>>) target_semaphore(%run_scoped3A : memref<!tpu.dma_semaphore, #tpu.memory_space<semaphore_mem>>)
      %dma_wait3A = arith.constant 0 : i32
      %dma_wait3A_29 = tpu.memref_slice %arg9[%add3A_16, %dma_wait3A] : memref<10240x128xf32, #tpu.memory_space<vmem_shared>> -> memref<128x128xf32, #tpu.memory_space<vmem_shared>>
      %dma_wait3A_30 = arith.constant 0 : i32
      %dma_wait3A_31 = tpu.memref_slice %arg9[%add3A_16, %dma_wait3A_30] : memref<10240x128xf32, #tpu.memory_space<vmem_shared>> -> memref<128x128xf32, #tpu.memory_space<vmem_shared>>
      tpu.wait_dma2 semaphore(%run_scoped3A : memref<!tpu.dma_semaphore, #tpu.memory_space<semaphore_mem>>) src(%arg8 : memref<128x128xf32, #tpu.memory_space<vmem>>) dst(%dma_wait3A_31 : memref<128x128xf32, #tpu.memory_space<vmem_shared>>)
      tpu.yield
    }) : () -> ()
    %add3A_17 = arith.constant 512 : i32
    %add3A_18 = arith.addi %mul3A_8, %add3A_17 : i32
    "tpu.region"() ({
      %run_scoped3A = tpu.sem_alloc : memref<!tpu.dma_semaphore, #tpu.memory_space<semaphore_mem>>
      %dma_start3A = arith.constant 0 : i32
      %dma_start3A_26 = tpu.memref_slice %arg9[%add3A_18, %dma_start3A] : memref<10240x128xf32, #tpu.memory_space<vmem_shared>> -> memref<128x128xf32, #tpu.memory_space<vmem_shared>>
      %dma_start3A_27 = arith.constant 0 : i32
      %dma_start3A_28 = tpu.memref_slice %arg9[%add3A_18, %dma_start3A_27] : memref<10240x128xf32, #tpu.memory_space<vmem_shared>> -> memref<128x128xf32, #tpu.memory_space<vmem_shared>>
      tpu.enqueue_dma source(%arg8 : memref<128x128xf32, #tpu.memory_space<vmem>>) target(%dma_start3A_28 : memref<128x128xf32, #tpu.memory_space<vmem_shared>>) target_semaphore(%run_scoped3A : memref<!tpu.dma_semaphore, #tpu.memory_space<semaphore_mem>>)
      %dma_wait3A = arith.constant 0 : i32
      %dma_wait3A_29 = tpu.memref_slice %arg9[%add3A_18, %dma_wait3A] : memref<10240x128xf32, #tpu.memory_space<vmem_shared>> -> memref<128x128xf32, #tpu.memory_space<vmem_shared>>
      %dma_wait3A_30 = arith.constant 0 : i32
      %dma_wait3A_31 = tpu.memref_slice %arg9[%add3A_18, %dma_wait3A_30] : memref<10240x128xf32, #tpu.memory_space<vmem_shared>> -> memref<128x128xf32, #tpu.memory_space<vmem_shared>>
      tpu.wait_dma2 semaphore(%run_scoped3A : memref<!tpu.dma_semaphore, #tpu.memory_space<semaphore_mem>>) src(%arg8 : memref<128x128xf32, #tpu.memory_space<vmem>>) dst(%dma_wait3A_31 : memref<128x128xf32, #tpu.memory_space<vmem_shared>>)
      tpu.yield
    }) : () -> ()
    %barrier3A = arith.constant 0 : index
    tpu.barrier barrier_id(%barrier3A)
    %scan3A_19 = arith.constant 0 : i32
    %scan3A_20 = arith.constant 0 : i32
    %scan3A_21 = arith.constant 79 : i32
    %scan3A_22 = arith.addi %scan3A_20, %scan3A_21 : i32
    %scan3A_23 = arith.constant 1 : i32
    scf.for %scan3A_26 = %scan3A_20 to %scan3A_22 step %scan3A_23  : i32 {
      %dma_start3A = arith.constant 0 : i32
      %dma_start3A_27 = tpu.memref_slice %arg6[%scan3A_26, %dma_start3A] : memref<79x128xi32, #tpu.memory_space<vmem>> -> memref<1x128xi32, #tpu.memory_space<vmem>>
      %dma_start3A_28 = tpu.memref_squeeze %dma_start3A_27 : memref<1x128xi32, #tpu.memory_space<vmem>> -> memref<128xi32, #tpu.memory_space<vmem>>
      %dma_start3A_29 = arith.constant 0 : i32
      %dma_start3A_30 = arith.constant 0 : i32
      %dma_start3A_31 = tpu.memref_slice %arg2[%dma_start3A_29, %dma_start3A_30] : memref<10240x128xf32, #tpu.memory_space<hbm>> -> memref<10240x128xf32, #tpu.memory_space<hbm>>
      tpu.enqueue_indirect_dma source(%dma_start3A_31 : memref<10240x128xf32, #tpu.memory_space<hbm>>) target(%arg8 : memref<128x128xf32, #tpu.memory_space<vmem>>) offsets(%dma_start3A_28 : memref<128xi32, #tpu.memory_space<vmem>>) semaphore(%arg10 : memref<!tpu.dma_semaphore, #tpu.memory_space<semaphore_mem>>)
      %dma_wait3A = arith.constant 0 : i32
      %dma_wait3A_32 = tpu.memref_slice %arg6[%scan3A_26, %dma_wait3A] : memref<79x128xi32, #tpu.memory_space<vmem>> -> memref<1x128xi32, #tpu.memory_space<vmem>>
      %dma_wait3A_33 = tpu.memref_squeeze %dma_wait3A_32 : memref<1x128xi32, #tpu.memory_space<vmem>> -> memref<128xi32, #tpu.memory_space<vmem>>
      %dma_wait3A_34 = arith.constant 0 : i32
      %dma_wait3A_35 = arith.constant 0 : i32
      %dma_wait3A_36 = tpu.memref_slice %arg2[%dma_wait3A_34, %dma_wait3A_35] : memref<10240x128xf32, #tpu.memory_space<hbm>> -> memref<10240x128xf32, #tpu.memory_space<hbm>>
      tpu.wait_indirect_dma semaphore(%arg10 : memref<!tpu.dma_semaphore, #tpu.memory_space<semaphore_mem>>) src(%dma_wait3A_36 : memref<10240x128xf32, #tpu.memory_space<hbm>>) dst(%arg8 : memref<128x128xf32, #tpu.memory_space<vmem>>)
      "tpu.region"() ({
        %run_scoped3A = tpu.sem_alloc : memref<!tpu.dma_semaphore, #tpu.memory_space<semaphore_mem>>
        %dma_start3A_37 = arith.constant 0 : i32
        %dma_start3A_38 = tpu.memref_slice %arg7[%scan3A_26, %dma_start3A_37] : memref<79x128xi32, #tpu.memory_space<vmem>> -> memref<1x128xi32, #tpu.memory_space<vmem>>
        %dma_start3A_39 = tpu.memref_squeeze %dma_start3A_38 : memref<1x128xi32, #tpu.memory_space<vmem>> -> memref<128xi32, #tpu.memory_space<vmem>>
        %dma_start3A_40 = arith.constant 0 : i32
        %dma_start3A_41 = arith.constant 0 : i32
        %dma_start3A_42 = tpu.memref_slice %arg9[%dma_start3A_40, %dma_start3A_41] : memref<10240x128xf32, #tpu.memory_space<vmem_shared>> -> memref<10240x128xf32, #tpu.memory_space<vmem_shared>>
        tpu.enqueue_indirect_dma source(%arg8 : memref<128x128xf32, #tpu.memory_space<vmem>>) target(%dma_start3A_42 : memref<10240x128xf32, #tpu.memory_space<vmem_shared>>) offsets(%dma_start3A_39 : memref<128xi32, #tpu.memory_space<vmem>>) semaphore(%run_scoped3A : memref<!tpu.dma_semaphore, #tpu.memory_space<semaphore_mem>>) {add = true}
        %dma_wait3A_43 = arith.constant 0 : i32
        %dma_wait3A_44 = tpu.memref_slice %arg7[%scan3A_26, %dma_wait3A_43] : memref<79x128xi32, #tpu.memory_space<vmem>> -> memref<1x128xi32, #tpu.memory_space<vmem>>
        %dma_wait3A_45 = tpu.memref_squeeze %dma_wait3A_44 : memref<1x128xi32, #tpu.memory_space<vmem>> -> memref<128xi32, #tpu.memory_space<vmem>>
        %dma_wait3A_46 = arith.constant 0 : i32
        %dma_wait3A_47 = arith.constant 0 : i32
        %dma_wait3A_48 = tpu.memref_slice %arg9[%dma_wait3A_46, %dma_wait3A_47] : memref<10240x128xf32, #tpu.memory_space<vmem_shared>> -> memref<10240x128xf32, #tpu.memory_space<vmem_shared>>
        tpu.wait_indirect_dma semaphore(%run_scoped3A : memref<!tpu.dma_semaphore, #tpu.memory_space<semaphore_mem>>) src(%arg8 : memref<128x128xf32, #tpu.memory_space<vmem>>) dst(%dma_wait3A_48 : memref<10240x128xf32, #tpu.memory_space<vmem_shared>>)
        tpu.yield
      }) : () -> ()
    }
    %scan3A_24 = arith.constant 79 : i32
    %barrier3A_25 = arith.constant 0 : index
    tpu.barrier barrier_id(%barrier3A_25)
    "tpu.region"() ({
      %run_scoped3A = tpu.sem_alloc : memref<!tpu.dma_semaphore, #tpu.memory_space<semaphore_mem>>
      %dma_start3A = arith.constant 0 : i32
      %dma_start3A_26 = tpu.memref_slice %arg5[%arg0, %mul3A_8, %dma_start3A] : memref<2x10240x128xf32, #tpu.memory_space<hbm>> -> memref<1x640x128xf32, #tpu.memory_space<hbm>>
      %dma_start3A_27 = tpu.memref_squeeze %dma_start3A_26 : memref<1x640x128xf32, #tpu.memory_space<hbm>> -> memref<640x128xf32, #tpu.memory_space<hbm>>
      %dma_start3A_28 = arith.constant 0 : i32
      %dma_start3A_29 = tpu.memref_slice %arg9[%mul3A_8, %dma_start3A_28] : memref<10240x128xf32, #tpu.memory_space<vmem_shared>> -> memref<640x128xf32, #tpu.memory_space<vmem_shared>>
      tpu.enqueue_dma source(%dma_start3A_29 : memref<640x128xf32, #tpu.memory_space<vmem_shared>>) target(%dma_start3A_27 : memref<640x128xf32, #tpu.memory_space<hbm>>) target_semaphore(%run_scoped3A : memref<!tpu.dma_semaphore, #tpu.memory_space<semaphore_mem>>)
      %dma_wait3A = arith.constant 0 : i32
      %dma_wait3A_30 = tpu.memref_slice %arg5[%arg0, %mul3A_8, %dma_wait3A] : memref<2x10240x128xf32, #tpu.memory_space<hbm>> -> memref<1x640x128xf32, #tpu.memory_space<hbm>>
      %dma_wait3A_31 = tpu.memref_squeeze %dma_wait3A_30 : memref<1x640x128xf32, #tpu.memory_space<hbm>> -> memref<640x128xf32, #tpu.memory_space<hbm>>
      %dma_wait3A_32 = arith.constant 0 : i32
      %dma_wait3A_33 = tpu.memref_slice %arg9[%mul3A_8, %dma_wait3A_32] : memref<10240x128xf32, #tpu.memory_space<vmem_shared>> -> memref<640x128xf32, #tpu.memory_space<vmem_shared>>
      tpu.wait_dma2 semaphore(%run_scoped3A : memref<!tpu.dma_semaphore, #tpu.memory_space<semaphore_mem>>) src(%dma_wait3A_33 : memref<640x128xf32, #tpu.memory_space<vmem_shared>>) dst(%dma_wait3A_31 : memref<640x128xf32, #tpu.memory_space<hbm>>)
      tpu.yield
    }) : () -> ()
    return
  }
}

#map = affine_map<(d0, d1) -> (0, 0)>
#map1 = affine_map<(d0, d1) -> (0, 0, 0)>
module attributes {stable_mosaic.version = 14 : i64} {
  func.func @k(%arg0: i32, %arg1: i32, %arg2: memref<10240x128xf32, #tpu.memory_space<hbm>>, %arg3: memref<32x79x128xi32, #tpu.memory_space<hbm>>, %arg4: memref<32x79x128xi32, #tpu.memory_space<hbm>>, %arg5: memref<2x10240x128xf32, #tpu.memory_space<hbm>>, %arg6: memref<79x128xi32, #tpu.memory_space<vmem>>, %arg7: memref<79x128xi32, #tpu.memory_space<vmem>>, %arg8: memref<128x128xf32, #tpu.memory_space<vmem>>, %arg9: memref<10240x128xf32, #tpu.memory_space<vmem_shared>>, %arg10: memref<!tpu.dma_semaphore, #tpu.memory_space<semaphore_mem>>) attributes {dimension_semantics = [#tpu.dimension_semantics<core_parallel>, #tpu.dimension_semantics<subcore_parallel>], iteration_bounds = array<i64: 2, 16>, scalar_prefetch = 0 : i64, scratch_operands = 5 : i64, tpu.core_type = #tpu.core_type<sc_vector_subcore>, window_params = [{transform_indices = #map}, {transform_indices = #map1}, {transform_indices = #map1}, {transform_indices = #map1}]} {
    %mul3A = arith.constant 2 : i32
    %mul3A_0 = arith.muli %arg1, %mul3A : i32
    %add3A = arith.addi %mul3A_0, %arg0 : i32
    "tpu.region"() ({
      %run_scoped3A = tpu.sem_alloc : memref<!tpu.dma_semaphore, #tpu.memory_space<semaphore_mem>>
      %dma_start3A = arith.constant 0 : i32
      %dma_start3A_26 = arith.constant 0 : i32
      %dma_start3A_27 = tpu.memref_slice %arg3[%add3A, %dma_start3A, %dma_start3A_26] : memref<32x79x128xi32, #tpu.memory_space<hbm>> -> memref<1x79x128xi32, #tpu.memory_space<hbm>>
      %dma_start3A_28 = tpu.memref_squeeze %dma_start3A_27 : memref<1x79x128xi32, #tpu.memory_space<hbm>> -> memref<79x128xi32, #tpu.memory_space<hbm>>
      %dma_start3A_29 = arith.constant 0 : i32
      %dma_start3A_30 = arith.constant 0 : i32
      %dma_start3A_31 = tpu.memref_slice %arg3[%add3A, %dma_start3A_29, %dma_start3A_30] : memref<32x79x128xi32, #tpu.memory_space<hbm>> -> memref<1x79x128xi32, #tpu.memory_space<hbm>>
      %dma_start3A_32 = tpu.memref_squeeze %dma_start3A_31 : memref<1x79x128xi32, #tpu.memory_space<hbm>> -> memref<79x128xi32, #tpu.memory_space<hbm>>
      tpu.enqueue_dma source(%dma_start3A_32 : memref<79x128xi32, #tpu.memory_space<hbm>>) target(%arg6 : memref<79x128xi32, #tpu.memory_space<vmem>>) target_semaphore(%run_scoped3A : memref<!tpu.dma_semaphore, #tpu.memory_space<semaphore_mem>>)
      %dma_wait3A = arith.constant 0 : i32
      %dma_wait3A_33 = arith.constant 0 : i32
      %dma_wait3A_34 = tpu.memref_slice %arg3[%add3A, %dma_wait3A, %dma_wait3A_33] : memref<32x79x128xi32, #tpu.memory_space<hbm>> -> memref<1x79x128xi32, #tpu.memory_space<hbm>>
      %dma_wait3A_35 = tpu.memref_squeeze %dma_wait3A_34 : memref<1x79x128xi32, #tpu.memory_space<hbm>> -> memref<79x128xi32, #tpu.memory_space<hbm>>
      %dma_wait3A_36 = arith.constant 0 : i32
      %dma_wait3A_37 = arith.constant 0 : i32
      %dma_wait3A_38 = tpu.memref_slice %arg3[%add3A, %dma_wait3A_36, %dma_wait3A_37] : memref<32x79x128xi32, #tpu.memory_space<hbm>> -> memref<1x79x128xi32, #tpu.memory_space<hbm>>
      %dma_wait3A_39 = tpu.memref_squeeze %dma_wait3A_38 : memref<1x79x128xi32, #tpu.memory_space<hbm>> -> memref<79x128xi32, #tpu.memory_space<hbm>>
      tpu.wait_dma2 semaphore(%run_scoped3A : memref<!tpu.dma_semaphore, #tpu.memory_space<semaphore_mem>>) src(%dma_wait3A_39 : memref<79x128xi32, #tpu.memory_space<hbm>>) dst(%arg6 : memref<79x128xi32, #tpu.memory_space<vmem>>)
      tpu.yield
    }) : () -> ()
    "tpu.region"() ({
      %run_scoped3A = tpu.sem_alloc : memref<!tpu.dma_semaphore, #tpu.memory_space<semaphore_mem>>
      %dma_start3A = arith.constant 0 : i32
      %dma_start3A_26 = arith.constant 0 : i32
      %dma_start3A_27 = tpu.memref_slice %arg4[%add3A, %dma_start3A, %dma_start3A_26] : memref<32x79x128xi32, #tpu.memory_space<hbm>> -> memref<1x79x128xi32, #tpu.memory_space<hbm>>
      %dma_start3A_28 = tpu.memref_squeeze %dma_start3A_27 : memref<1x79x128xi32, #tpu.memory_space<hbm>> -> memref<79x128xi32, #tpu.memory_space<hbm>>
      %dma_start3A_29 = arith.constant 0 : i32
      %dma_start3A_30 = arith.constant 0 : i32
      %dma_start3A_31 = tpu.memref_slice %arg4[%add3A, %dma_start3A_29, %dma_start3A_30] : memref<32x79x128xi32, #tpu.memory_space<hbm>> -> memref<1x79x128xi32, #tpu.memory_space<hbm>>
      %dma_start3A_32 = tpu.memref_squeeze %dma_start3A_31 : memref<1x79x128xi32, #tpu.memory_space<hbm>> -> memref<79x128xi32, #tpu.memory_space<hbm>>
      tpu.enqueue_dma source(%dma_start3A_32 : memref<79x128xi32, #tpu.memory_space<hbm>>) target(%arg7 : memref<79x128xi32, #tpu.memory_space<vmem>>) target_semaphore(%run_scoped3A : memref<!tpu.dma_semaphore, #tpu.memory_space<semaphore_mem>>)
      %dma_wait3A = arith.constant 0 : i32
      %dma_wait3A_33 = arith.constant 0 : i32
      %dma_wait3A_34 = tpu.memref_slice %arg4[%add3A, %dma_wait3A, %dma_wait3A_33] : memref<32x79x128xi32, #tpu.memory_space<hbm>> -> memref<1x79x128xi32, #tpu.memory_space<hbm>>
      %dma_wait3A_35 = tpu.memref_squeeze %dma_wait3A_34 : memref<1x79x128xi32, #tpu.memory_space<hbm>> -> memref<79x128xi32, #tpu.memory_space<hbm>>
      %dma_wait3A_36 = arith.constant 0 : i32
      %dma_wait3A_37 = arith.constant 0 : i32
      %dma_wait3A_38 = tpu.memref_slice %arg4[%add3A, %dma_wait3A_36, %dma_wait3A_37] : memref<32x79x128xi32, #tpu.memory_space<hbm>> -> memref<1x79x128xi32, #tpu.memory_space<hbm>>
      %dma_wait3A_39 = tpu.memref_squeeze %dma_wait3A_38 : memref<1x79x128xi32, #tpu.memory_space<hbm>> -> memref<79x128xi32, #tpu.memory_space<hbm>>
      tpu.wait_dma2 semaphore(%run_scoped3A : memref<!tpu.dma_semaphore, #tpu.memory_space<semaphore_mem>>) src(%dma_wait3A_39 : memref<79x128xi32, #tpu.memory_space<hbm>>) dst(%arg7 : memref<79x128xi32, #tpu.memory_space<vmem>>)
      tpu.yield
    }) : () -> ()
    %broadcast_in_dim3A = arith.constant 0.000000e+00 : f32
    %broadcast_in_dim3A_1 = vector.broadcast %broadcast_in_dim3A : f32 to vector<16xf32>
    %scan3A = arith.constant 0 : i32
    %scan3A_2 = arith.constant 0 : i32
    %scan3A_3 = arith.constant 128 : i32
    %scan3A_4 = arith.addi %scan3A_2, %scan3A_3 : i32
    %scan3A_5 = arith.constant 1 : i32
    scf.for %scan3A_26 = %scan3A_2 to %scan3A_4 step %scan3A_5  : i32 {
      %swap3A = arith.index_cast %scan3A_26 : i32 to index
      %swap3A_27 = arith.constant 0 : index
      %swap3A_28 = tpu.vector_load %arg8[%swap3A, %swap3A_27] {strides = array<i32>} : memref<128x128xf32, #tpu.memory_space<vmem>>, vector<1x16xf32>,
      %swap3A_29 = vector.shape_cast %swap3A_28 : vector<1x16xf32> to vector<16xf32>
      %swap3A_30 = vector.shape_cast %broadcast_in_dim3A_1 : vector<16xf32> to vector<1x16xf32>
      tpu.vector_store %arg8[%swap3A, %swap3A_27], %swap3A_30 {strides = array<i32>} : memref<128x128xf32, #tpu.memory_space<vmem>>, vector<1x16xf32>,
      %swap3A_31 = arith.index_cast %scan3A_26 : i32 to index
      %swap3A_32 = arith.constant 16 : index
      %swap3A_33 = tpu.vector_load %arg8[%swap3A_31, %swap3A_32] {strides = array<i32>} : memref<128x128xf32, #tpu.memory_space<vmem>>, vector<1x16xf32>,
      %swap3A_34 = vector.shape_cast %swap3A_33 : vector<1x16xf32> to vector<16xf32>
      %swap3A_35 = vector.shape_cast %broadcast_in_dim3A_1 : vector<16xf32> to vector<1x16xf32>
      tpu.vector_store %arg8[%swap3A_31, %swap3A_32], %swap3A_35 {strides = array<i32>} : memref<128x128xf32, #tpu.memory_space<vmem>>, vector<1x16xf32>,
      %swap3A_36 = arith.index_cast %scan3A_26 : i32 to index
      %swap3A_37 = arith.constant 32 : index
      %swap3A_38 = tpu.vector_load %arg8[%swap3A_36, %swap3A_37] {strides = array<i32>} : memref<128x128xf32, #tpu.memory_space<vmem>>, vector<1x16xf32>,
      %swap3A_39 = vector.shape_cast %swap3A_38 : vector<1x16xf32> to vector<16xf32>
      %swap3A_40 = vector.shape_cast %broadcast_in_dim3A_1 : vector<16xf32> to vector<1x16xf32>
      tpu.vector_store %arg8[%swap3A_36, %swap3A_37], %swap3A_40 {strides = array<i32>} : memref<128x128xf32, #tpu.memory_space<vmem>>, vector<1x16xf32>,
      %swap3A_41 = arith.index_cast %scan3A_26 : i32 to index
      %swap3A_42 = arith.constant 48 : index
      %swap3A_43 = tpu.vector_load %arg8[%swap3A_41, %swap3A_42] {strides = array<i32>} : memref<128x128xf32, #tpu.memory_space<vmem>>, vector<1x16xf32>,
      %swap3A_44 = vector.shape_cast %swap3A_43 : vector<1x16xf32> to vector<16xf32>
      %swap3A_45 = vector.shape_cast %broadcast_in_dim3A_1 : vector<16xf32> to vector<1x16xf32>
      tpu.vector_store %arg8[%swap3A_41, %swap3A_42], %swap3A_45 {strides = array<i32>} : memref<128x128xf32, #tpu.memory_space<vmem>>, vector<1x16xf32>,
      %swap3A_46 = arith.index_cast %scan3A_26 : i32 to index
      %swap3A_47 = arith.constant 64 : index
      %swap3A_48 = tpu.vector_load %arg8[%swap3A_46, %swap3A_47] {strides = array<i32>} : memref<128x128xf32, #tpu.memory_space<vmem>>, vector<1x16xf32>,
      %swap3A_49 = vector.shape_cast %swap3A_48 : vector<1x16xf32> to vector<16xf32>
      %swap3A_50 = vector.shape_cast %broadcast_in_dim3A_1 : vector<16xf32> to vector<1x16xf32>
      tpu.vector_store %arg8[%swap3A_46, %swap3A_47], %swap3A_50 {strides = array<i32>} : memref<128x128xf32, #tpu.memory_space<vmem>>, vector<1x16xf32>,
      %swap3A_51 = arith.index_cast %scan3A_26 : i32 to index
      %swap3A_52 = arith.constant 80 : index
      %swap3A_53 = tpu.vector_load %arg8[%swap3A_51, %swap3A_52] {strides = array<i32>} : memref<128x128xf32, #tpu.memory_space<vmem>>, vector<1x16xf32>,
      %swap3A_54 = vector.shape_cast %swap3A_53 : vector<1x16xf32> to vector<16xf32>
      %swap3A_55 = vector.shape_cast %broadcast_in_dim3A_1 : vector<16xf32> to vector<1x16xf32>
      tpu.vector_store %arg8[%swap3A_51, %swap3A_52], %swap3A_55 {strides = array<i32>} : memref<128x128xf32, #tpu.memory_space<vmem>>, vector<1x16xf32>,
      %swap3A_56 = arith.index_cast %scan3A_26 : i32 to index
      %swap3A_57 = arith.constant 96 : index
      %swap3A_58 = tpu.vector_load %arg8[%swap3A_56, %swap3A_57] {strides = array<i32>} : memref<128x128xf32, #tpu.memory_space<vmem>>, vector<1x16xf32>,
      %swap3A_59 = vector.shape_cast %swap3A_58 : vector<1x16xf32> to vector<16xf32>
      %swap3A_60 = vector.shape_cast %broadcast_in_dim3A_1 : vector<16xf32> to vector<1x16xf32>
      tpu.vector_store %arg8[%swap3A_56, %swap3A_57], %swap3A_60 {strides = array<i32>} : memref<128x128xf32, #tpu.memory_space<vmem>>, vector<1x16xf32>,
      %swap3A_61 = arith.index_cast %scan3A_26 : i32 to index
      %swap3A_62 = arith.constant 112 : index
      %swap3A_63 = tpu.vector_load %arg8[%swap3A_61, %swap3A_62] {strides = array<i32>} : memref<128x128xf32, #tpu.memory_space<vmem>>, vector<1x16xf32>,
      %swap3A_64 = vector.shape_cast %swap3A_63 : vector<1x16xf32> to vector<16xf32>
      %swap3A_65 = vector.shape_cast %broadcast_in_dim3A_1 : vector<16xf32> to vector<1x16xf32>
      tpu.vector_store %arg8[%swap3A_61, %swap3A_62], %swap3A_65 {strides = array<i32>} : memref<128x128xf32, #tpu.memory_space<vmem>>, vector<1x16xf32>,
    }
    %scan3A_6 = arith.constant 128 : i32
    %mul3A_7 = arith.constant 640 : i32
    %mul3A_8 = arith.muli %arg1, %mul3A_7 : i32
    %add3A_9 = arith.constant 0 : i32
    %add3A_10 = arith.addi %mul3A_8, %add3A_9 : i32
    "tpu.region"() ({
      %run_scoped3A = tpu.sem_alloc : memref<!tpu.dma_semaphore, #tpu.memory_space<semaphore_mem>>
      %dma_start3A = arith.constant 0 : i32
      %dma_start3A_26 = tpu.memref_slice %arg9[%add3A_10, %dma_start3A] : memref<10240x128xf32, #tpu.memory_space<vmem_shared>> -> memref<128x128xf32, #tpu.memory_space<vmem_shared>>
      %dma_start3A_27 = arith.constant 0 : i32
      %dma_start3A_28 = tpu.memref_slice %arg9[%add3A_10, %dma_start3A_27] : memref<10240x128xf32, #tpu.memory_space<vmem_shared>> -> memref<128x128xf32, #tpu.memory_space<vmem_shared>>
      tpu.enqueue_dma source(%arg8 : memref<128x128xf32, #tpu.memory_space<vmem>>) target(%dma_start3A_28 : memref<128x128xf32, #tpu.memory_space<vmem_shared>>) target_semaphore(%run_scoped3A : memref<!tpu.dma_semaphore, #tpu.memory_space<semaphore_mem>>)
      %dma_wait3A = arith.constant 0 : i32
      %dma_wait3A_29 = tpu.memref_slice %arg9[%add3A_10, %dma_wait3A] : memref<10240x128xf32, #tpu.memory_space<vmem_shared>> -> memref<128x128xf32, #tpu.memory_space<vmem_shared>>
      %dma_wait3A_30 = arith.constant 0 : i32
      %dma_wait3A_31 = tpu.memref_slice %arg9[%add3A_10, %dma_wait3A_30] : memref<10240x128xf32, #tpu.memory_space<vmem_shared>> -> memref<128x128xf32, #tpu.memory_space<vmem_shared>>
      tpu.wait_dma2 semaphore(%run_scoped3A : memref<!tpu.dma_semaphore, #tpu.memory_space<semaphore_mem>>) src(%arg8 : memref<128x128xf32, #tpu.memory_space<vmem>>) dst(%dma_wait3A_31 : memref<128x128xf32, #tpu.memory_space<vmem_shared>>)
      tpu.yield
    }) : () -> ()
    %add3A_11 = arith.constant 128 : i32
    %add3A_12 = arith.addi %mul3A_8, %add3A_11 : i32
    "tpu.region"() ({
      %run_scoped3A = tpu.sem_alloc : memref<!tpu.dma_semaphore, #tpu.memory_space<semaphore_mem>>
      %dma_start3A = arith.constant 0 : i32
      %dma_start3A_26 = tpu.memref_slice %arg9[%add3A_12, %dma_start3A] : memref<10240x128xf32, #tpu.memory_space<vmem_shared>> -> memref<128x128xf32, #tpu.memory_space<vmem_shared>>
      %dma_start3A_27 = arith.constant 0 : i32
      %dma_start3A_28 = tpu.memref_slice %arg9[%add3A_12, %dma_start3A_27] : memref<10240x128xf32, #tpu.memory_space<vmem_shared>> -> memref<128x128xf32, #tpu.memory_space<vmem_shared>>
      tpu.enqueue_dma source(%arg8 : memref<128x128xf32, #tpu.memory_space<vmem>>) target(%dma_start3A_28 : memref<128x128xf32, #tpu.memory_space<vmem_shared>>) target_semaphore(%run_scoped3A : memref<!tpu.dma_semaphore, #tpu.memory_space<semaphore_mem>>)
      %dma_wait3A = arith.constant 0 : i32
      %dma_wait3A_29 = tpu.memref_slice %arg9[%add3A_12, %dma_wait3A] : memref<10240x128xf32, #tpu.memory_space<vmem_shared>> -> memref<128x128xf32, #tpu.memory_space<vmem_shared>>
      %dma_wait3A_30 = arith.constant 0 : i32
      %dma_wait3A_31 = tpu.memref_slice %arg9[%add3A_12, %dma_wait3A_30] : memref<10240x128xf32, #tpu.memory_space<vmem_shared>> -> memref<128x128xf32, #tpu.memory_space<vmem_shared>>
      tpu.wait_dma2 semaphore(%run_scoped3A : memref<!tpu.dma_semaphore, #tpu.memory_space<semaphore_mem>>) src(%arg8 : memref<128x128xf32, #tpu.memory_space<vmem>>) dst(%dma_wait3A_31 : memref<128x128xf32, #tpu.memory_space<vmem_shared>>)
      tpu.yield
    }) : () -> ()
    %add3A_13 = arith.constant 256 : i32
    %add3A_14 = arith.addi %mul3A_8, %add3A_13 : i32
    "tpu.region"() ({
      %run_scoped3A = tpu.sem_alloc : memref<!tpu.dma_semaphore, #tpu.memory_space<semaphore_mem>>
      %dma_start3A = arith.constant 0 : i32
      %dma_start3A_26 = tpu.memref_slice %arg9[%add3A_14, %dma_start3A] : memref<10240x128xf32, #tpu.memory_space<vmem_shared>> -> memref<128x128xf32, #tpu.memory_space<vmem_shared>>
      %dma_start3A_27 = arith.constant 0 : i32
      %dma_start3A_28 = tpu.memref_slice %arg9[%add3A_14, %dma_start3A_27] : memref<10240x128xf32, #tpu.memory_space<vmem_shared>> -> memref<128x128xf32, #tpu.memory_space<vmem_shared>>
      tpu.enqueue_dma source(%arg8 : memref<128x128xf32, #tpu.memory_space<vmem>>) target(%dma_start3A_28 : memref<128x128xf32, #tpu.memory_space<vmem_shared>>) target_semaphore(%run_scoped3A : memref<!tpu.dma_semaphore, #tpu.memory_space<semaphore_mem>>)
      %dma_wait3A = arith.constant 0 : i32
      %dma_wait3A_29 = tpu.memref_slice %arg9[%add3A_14, %dma_wait3A] : memref<10240x128xf32, #tpu.memory_space<vmem_shared>> -> memref<128x128xf32, #tpu.memory_space<vmem_shared>>
      %dma_wait3A_30 = arith.constant 0 : i32
      %dma_wait3A_31 = tpu.memref_slice %arg9[%add3A_14, %dma_wait3A_30] : memref<10240x128xf32, #tpu.memory_space<vmem_shared>> -> memref<128x128xf32, #tpu.memory_space<vmem_shared>>
      tpu.wait_dma2 semaphore(%run_scoped3A : memref<!tpu.dma_semaphore, #tpu.memory_space<semaphore_mem>>) src(%arg8 : memref<128x128xf32, #tpu.memory_space<vmem>>) dst(%dma_wait3A_31 : memref<128x128xf32, #tpu.memory_space<vmem_shared>>)
      tpu.yield
    }) : () -> ()
    %add3A_15 = arith.constant 384 : i32
    %add3A_16 = arith.addi %mul3A_8, %add3A_15 : i32
    "tpu.region"() ({
      %run_scoped3A = tpu.sem_alloc : memref<!tpu.dma_semaphore, #tpu.memory_space<semaphore_mem>>
      %dma_start3A = arith.constant 0 : i32
      %dma_start3A_26 = tpu.memref_slice %arg9[%add3A_16, %dma_start3A] : memref<10240x128xf32, #tpu.memory_space<vmem_shared>> -> memref<128x128xf32, #tpu.memory_space<vmem_shared>>
      %dma_start3A_27 = arith.constant 0 : i32
      %dma_start3A_28 = tpu.memref_slice %arg9[%add3A_16, %dma_start3A_27] : memref<10240x128xf32, #tpu.memory_space<vmem_shared>> -> memref<128x128xf32, #tpu.memory_space<vmem_shared>>
      tpu.enqueue_dma source(%arg8 : memref<128x128xf32, #tpu.memory_space<vmem>>) target(%dma_start3A_28 : memref<128x128xf32, #tpu.memory_space<vmem_shared>>) target_semaphore(%run_scoped3A : memref<!tpu.dma_semaphore, #tpu.memory_space<semaphore_mem>>)
      %dma_wait3A = arith.constant 0 : i32
      %dma_wait3A_29 = tpu.memref_slice %arg9[%add3A_16, %dma_wait3A] : memref<10240x128xf32, #tpu.memory_space<vmem_shared>> -> memref<128x128xf32, #tpu.memory_space<vmem_shared>>
      %dma_wait3A_30 = arith.constant 0 : i32
      %dma_wait3A_31 = tpu.memref_slice %arg9[%add3A_16, %dma_wait3A_30] : memref<10240x128xf32, #tpu.memory_space<vmem_shared>> -> memref<128x128xf32, #tpu.memory_space<vmem_shared>>
      tpu.wait_dma2 semaphore(%run_scoped3A : memref<!tpu.dma_semaphore, #tpu.memory_space<semaphore_mem>>) src(%arg8 : memref<128x128xf32, #tpu.memory_space<vmem>>) dst(%dma_wait3A_31 : memref<128x128xf32, #tpu.memory_space<vmem_shared>>)
      tpu.yield
    }) : () -> ()
    %add3A_17 = arith.constant 512 : i32
    %add3A_18 = arith.addi %mul3A_8, %add3A_17 : i32
    "tpu.region"() ({
      %run_scoped3A = tpu.sem_alloc : memref<!tpu.dma_semaphore, #tpu.memory_space<semaphore_mem>>
      %dma_start3A = arith.constant 0 : i32
      %dma_start3A_26 = tpu.memref_slice %arg9[%add3A_18, %dma_start3A] : memref<10240x128xf32, #tpu.memory_space<vmem_shared>> -> memref<128x128xf32, #tpu.memory_space<vmem_shared>>
      %dma_start3A_27 = arith.constant 0 : i32
      %dma_start3A_28 = tpu.memref_slice %arg9[%add3A_18, %dma_start3A_27] : memref<10240x128xf32, #tpu.memory_space<vmem_shared>> -> memref<128x128xf32, #tpu.memory_space<vmem_shared>>
      tpu.enqueue_dma source(%arg8 : memref<128x128xf32, #tpu.memory_space<vmem>>) target(%dma_start3A_28 : memref<128x128xf32, #tpu.memory_space<vmem_shared>>) target_semaphore(%run_scoped3A : memref<!tpu.dma_semaphore, #tpu.memory_space<semaphore_mem>>)
      %dma_wait3A = arith.constant 0 : i32
      %dma_wait3A_29 = tpu.memref_slice %arg9[%add3A_18, %dma_wait3A] : memref<10240x128xf32, #tpu.memory_space<vmem_shared>> -> memref<128x128xf32, #tpu.memory_space<vmem_shared>>
      %dma_wait3A_30 = arith.constant 0 : i32
      %dma_wait3A_31 = tpu.memref_slice %arg9[%add3A_18, %dma_wait3A_30] : memref<10240x128xf32, #tpu.memory_space<vmem_shared>> -> memref<128x128xf32, #tpu.memory_space<vmem_shared>>
      tpu.wait_dma2 semaphore(%run_scoped3A : memref<!tpu.dma_semaphore, #tpu.memory_space<semaphore_mem>>) src(%arg8 : memref<128x128xf32, #tpu.memory_space<vmem>>) dst(%dma_wait3A_31 : memref<128x128xf32, #tpu.memory_space<vmem_shared>>)
      tpu.yield
    }) : () -> ()
    %barrier3A = arith.constant 0 : index
    tpu.barrier barrier_id(%barrier3A)
    %scan3A_19 = arith.constant 0 : i32
    %scan3A_20 = arith.constant 0 : i32
    %scan3A_21 = arith.constant 79 : i32
    %scan3A_22 = arith.addi %scan3A_20, %scan3A_21 : i32
    %scan3A_23 = arith.constant 1 : i32
    scf.for %scan3A_26 = %scan3A_20 to %scan3A_22 step %scan3A_23  : i32 {
      %dma_start3A = arith.constant 0 : i32
      %dma_start3A_27 = tpu.memref_slice %arg6[%scan3A_26, %dma_start3A] : memref<79x128xi32, #tpu.memory_space<vmem>> -> memref<1x128xi32, #tpu.memory_space<vmem>>
      %dma_start3A_28 = tpu.memref_squeeze %dma_start3A_27 : memref<1x128xi32, #tpu.memory_space<vmem>> -> memref<128xi32, #tpu.memory_space<vmem>>
      %dma_start3A_29 = arith.constant 0 : i32
      %dma_start3A_30 = arith.constant 0 : i32
      %dma_start3A_31 = tpu.memref_slice %arg2[%dma_start3A_29, %dma_start3A_30] : memref<10240x128xf32, #tpu.memory_space<hbm>> -> memref<10240x128xf32, #tpu.memory_space<hbm>>
      tpu.enqueue_indirect_dma source(%dma_start3A_31 : memref<10240x128xf32, #tpu.memory_space<hbm>>) target(%arg8 : memref<128x128xf32, #tpu.memory_space<vmem>>) offsets(%dma_start3A_28 : memref<128xi32, #tpu.memory_space<vmem>>) semaphore(%arg10 : memref<!tpu.dma_semaphore, #tpu.memory_space<semaphore_mem>>)
      %dma_wait3A = arith.constant 0 : i32
      %dma_wait3A_32 = tpu.memref_slice %arg6[%scan3A_26, %dma_wait3A] : memref<79x128xi32, #tpu.memory_space<vmem>> -> memref<1x128xi32, #tpu.memory_space<vmem>>
      %dma_wait3A_33 = tpu.memref_squeeze %dma_wait3A_32 : memref<1x128xi32, #tpu.memory_space<vmem>> -> memref<128xi32, #tpu.memory_space<vmem>>
      %dma_wait3A_34 = arith.constant 0 : i32
      %dma_wait3A_35 = arith.constant 0 : i32
      %dma_wait3A_36 = tpu.memref_slice %arg2[%dma_wait3A_34, %dma_wait3A_35] : memref<10240x128xf32, #tpu.memory_space<hbm>> -> memref<10240x128xf32, #tpu.memory_space<hbm>>
      tpu.wait_indirect_dma semaphore(%arg10 : memref<!tpu.dma_semaphore, #tpu.memory_space<semaphore_mem>>) src(%dma_wait3A_36 : memref<10240x128xf32, #tpu.memory_space<hbm>>) dst(%arg8 : memref<128x128xf32, #tpu.memory_space<vmem>>)
      "tpu.region"() ({
        %run_scoped3A = tpu.sem_alloc : memref<!tpu.dma_semaphore, #tpu.memory_space<semaphore_mem>>
        %dma_start3A_37 = arith.constant 0 : i32
        %dma_start3A_38 = tpu.memref_slice %arg7[%scan3A_26, %dma_start3A_37] : memref<79x128xi32, #tpu.memory_space<vmem>> -> memref<1x128xi32, #tpu.memory_space<vmem>>
        %dma_start3A_39 = tpu.memref_squeeze %dma_start3A_38 : memref<1x128xi32, #tpu.memory_space<vmem>> -> memref<128xi32, #tpu.memory_space<vmem>>
        %dma_start3A_40 = arith.constant 0 : i32
        %dma_start3A_41 = arith.constant 0 : i32
        %dma_start3A_42 = tpu.memref_slice %arg9[%dma_start3A_40, %dma_start3A_41] : memref<10240x128xf32, #tpu.memory_space<vmem_shared>> -> memref<10240x128xf32, #tpu.memory_space<vmem_shared>>
        tpu.enqueue_indirect_dma source(%arg8 : memref<128x128xf32, #tpu.memory_space<vmem>>) target(%dma_start3A_42 : memref<10240x128xf32, #tpu.memory_space<vmem_shared>>) offsets(%dma_start3A_39 : memref<128xi32, #tpu.memory_space<vmem>>) semaphore(%run_scoped3A : memref<!tpu.dma_semaphore, #tpu.memory_space<semaphore_mem>>) {add = true}
        %dma_wait3A_43 = arith.constant 0 : i32
        %dma_wait3A_44 = tpu.memref_slice %arg7[%scan3A_26, %dma_wait3A_43] : memref<79x128xi32, #tpu.memory_space<vmem>> -> memref<1x128xi32, #tpu.memory_space<vmem>>
        %dma_wait3A_45 = tpu.memref_squeeze %dma_wait3A_44 : memref<1x128xi32, #tpu.memory_space<vmem>> -> memref<128xi32, #tpu.memory_space<vmem>>
        %dma_wait3A_46 = arith.constant 0 : i32
        %dma_wait3A_47 = arith.constant 0 : i32
        %dma_wait3A_48 = tpu.memref_slice %arg9[%dma_wait3A_46, %dma_wait3A_47] : memref<10240x128xf32, #tpu.memory_space<vmem_shared>> -> memref<10240x128xf32, #tpu.memory_space<vmem_shared>>
        tpu.wait_indirect_dma semaphore(%run_scoped3A : memref<!tpu.dma_semaphore, #tpu.memory_space<semaphore_mem>>) src(%arg8 : memref<128x128xf32, #tpu.memory_space<vmem>>) dst(%dma_wait3A_48 : memref<10240x128xf32, #tpu.memory_space<vmem_shared>>)
        tpu.yield
      }) : () -> ()
    }
    %scan3A_24 = arith.constant 79 : i32
    %barrier3A_25 = arith.constant 0 : index
    tpu.barrier barrier_id(%barrier3A_25)
    "tpu.region"() ({
      %run_scoped3A = tpu.sem_alloc : memref<!tpu.dma_semaphore, #tpu.memory_space<semaphore_mem>>
      %dma_start3A = arith.constant 0 : i32
      %dma_start3A_26 = tpu.memref_slice %arg5[%arg0, %mul3A_8, %dma_start3A] : memref<2x10240x128xf32, #tpu.memory_space<hbm>> -> memref<1x640x128xf32, #tpu.memory_space<hbm>>
      %dma_start3A_27 = tpu.memref_squeeze %dma_start3A_26 : memref<1x640x128xf32, #tpu.memory_space<hbm>> -> memref<640x128xf32, #tpu.memory_space<hbm>>
      %dma_start3A_28 = arith.constant 0 : i32
      %dma_start3A_29 = tpu.memref_slice %arg9[%mul3A_8, %dma_start3A_28] : memref<10240x128xf32, #tpu.memory_space<vmem_shared>> -> memref<640x128xf32, #tpu.memory_space<vmem_shared>>
      tpu.enqueue_dma source(%dma_start3A_29 : memref<640x128xf32, #tpu.memory_space<vmem_shared>>) target(%dma_start3A_27 : memref<640x128xf32, #tpu.memory_space<hbm>>) target_semaphore(%run_scoped3A : memref<!tpu.dma_semaphore, #tpu.memory_space<semaphore_mem>>)
      %dma_wait3A = arith.constant 0 : i32
      %dma_wait3A_30 = tpu.memref_slice %arg5[%arg0, %mul3A_8, %dma_wait3A] : memref<2x10240x128xf32, #tpu.memory_space<hbm>> -> memref<1x640x128xf32, #tpu.memory_space<hbm>>
      %dma_wait3A_31 = tpu.memref_squeeze %dma_wait3A_30 : memref<1x640x128xf32, #tpu.memory_space<hbm>> -> memref<640x128xf32, #tpu.memory_space<hbm>>
      %dma_wait3A_32 = arith.constant 0 : i32
      %dma_wait3A_33 = tpu.memref_slice %arg9[%mul3A_8, %dma_wait3A_32] : memref<10240x128xf32, #tpu.memory_space<vmem_shared>> -> memref<640x128xf32, #tpu.memory_space<vmem_shared>>
      tpu.wait_dma2 semaphore(%run_scoped3A : memref<!tpu.dma_semaphore, #tpu.memory_space<semaphore_mem>>) src(%dma_wait3A_33 : memref<640x128xf32, #tpu.memory_space<vmem_shared>>) dst(%dma_wait3A_31 : memref<640x128xf32, #tpu.memory_space<hbm>>)
      tpu.yield
    }) : () -> ()
    return
  }
}

#map = affine_map<(d0, d1) -> (0, 0)>
#map1 = affine_map<(d0, d1) -> (0, 0, 0)>
module attributes {stable_mosaic.version = 14 : i64} {
  func.func @k(%arg0: i32, %arg1: i32, %arg2: memref<10240x128xf32, #tpu.memory_space<hbm>>, %arg3: memref<32x79x128xi32, #tpu.memory_space<hbm>>, %arg4: memref<32x79x128xi32, #tpu.memory_space<hbm>>, %arg5: memref<2x10240x128xf32, #tpu.memory_space<hbm>>, %arg6: memref<79x128xi32, #tpu.memory_space<vmem>>, %arg7: memref<79x128xi32, #tpu.memory_space<vmem>>, %arg8: memref<128x128xf32, #tpu.memory_space<vmem>>, %arg9: memref<10240x128xf32, #tpu.memory_space<vmem_shared>>, %arg10: memref<!tpu.dma_semaphore, #tpu.memory_space<semaphore_mem>>) attributes {dimension_semantics = [#tpu.dimension_semantics<core_parallel>, #tpu.dimension_semantics<subcore_parallel>], iteration_bounds = array<i64: 2, 16>, scalar_prefetch = 0 : i64, scratch_operands = 5 : i64, tpu.core_type = #tpu.core_type<sc_vector_subcore>, window_params = [{transform_indices = #map}, {transform_indices = #map1}, {transform_indices = #map1}, {transform_indices = #map1}]} {
    %mul3A = arith.constant 2 : i32
    %mul3A_0 = arith.muli %arg1, %mul3A : i32
    %add3A = arith.addi %mul3A_0, %arg0 : i32
    "tpu.region"() ({
      %run_scoped3A = tpu.sem_alloc : memref<!tpu.dma_semaphore, #tpu.memory_space<semaphore_mem>>
      %dma_start3A = arith.constant 0 : i32
      %dma_start3A_26 = arith.constant 0 : i32
      %dma_start3A_27 = tpu.memref_slice %arg3[%add3A, %dma_start3A, %dma_start3A_26] : memref<32x79x128xi32, #tpu.memory_space<hbm>> -> memref<1x79x128xi32, #tpu.memory_space<hbm>>
      %dma_start3A_28 = tpu.memref_squeeze %dma_start3A_27 : memref<1x79x128xi32, #tpu.memory_space<hbm>> -> memref<79x128xi32, #tpu.memory_space<hbm>>
      %dma_start3A_29 = arith.constant 0 : i32
      %dma_start3A_30 = arith.constant 0 : i32
      %dma_start3A_31 = tpu.memref_slice %arg3[%add3A, %dma_start3A_29, %dma_start3A_30] : memref<32x79x128xi32, #tpu.memory_space<hbm>> -> memref<1x79x128xi32, #tpu.memory_space<hbm>>
      %dma_start3A_32 = tpu.memref_squeeze %dma_start3A_31 : memref<1x79x128xi32, #tpu.memory_space<hbm>> -> memref<79x128xi32, #tpu.memory_space<hbm>>
      tpu.enqueue_dma source(%dma_start3A_32 : memref<79x128xi32, #tpu.memory_space<hbm>>) target(%arg6 : memref<79x128xi32, #tpu.memory_space<vmem>>) target_semaphore(%run_scoped3A : memref<!tpu.dma_semaphore, #tpu.memory_space<semaphore_mem>>)
      %dma_wait3A = arith.constant 0 : i32
      %dma_wait3A_33 = arith.constant 0 : i32
      %dma_wait3A_34 = tpu.memref_slice %arg3[%add3A, %dma_wait3A, %dma_wait3A_33] : memref<32x79x128xi32, #tpu.memory_space<hbm>> -> memref<1x79x128xi32, #tpu.memory_space<hbm>>
      %dma_wait3A_35 = tpu.memref_squeeze %dma_wait3A_34 : memref<1x79x128xi32, #tpu.memory_space<hbm>> -> memref<79x128xi32, #tpu.memory_space<hbm>>
      %dma_wait3A_36 = arith.constant 0 : i32
      %dma_wait3A_37 = arith.constant 0 : i32
      %dma_wait3A_38 = tpu.memref_slice %arg3[%add3A, %dma_wait3A_36, %dma_wait3A_37] : memref<32x79x128xi32, #tpu.memory_space<hbm>> -> memref<1x79x128xi32, #tpu.memory_space<hbm>>
      %dma_wait3A_39 = tpu.memref_squeeze %dma_wait3A_38 : memref<1x79x128xi32, #tpu.memory_space<hbm>> -> memref<79x128xi32, #tpu.memory_space<hbm>>
      tpu.wait_dma2 semaphore(%run_scoped3A : memref<!tpu.dma_semaphore, #tpu.memory_space<semaphore_mem>>) src(%dma_wait3A_39 : memref<79x128xi32, #tpu.memory_space<hbm>>) dst(%arg6 : memref<79x128xi32, #tpu.memory_space<vmem>>)
      tpu.yield
    }) : () -> ()
    "tpu.region"() ({
      %run_scoped3A = tpu.sem_alloc : memref<!tpu.dma_semaphore, #tpu.memory_space<semaphore_mem>>
      %dma_start3A = arith.constant 0 : i32
      %dma_start3A_26 = arith.constant 0 : i32
      %dma_start3A_27 = tpu.memref_slice %arg4[%add3A, %dma_start3A, %dma_start3A_26] : memref<32x79x128xi32, #tpu.memory_space<hbm>> -> memref<1x79x128xi32, #tpu.memory_space<hbm>>
      %dma_start3A_28 = tpu.memref_squeeze %dma_start3A_27 : memref<1x79x128xi32, #tpu.memory_space<hbm>> -> memref<79x128xi32, #tpu.memory_space<hbm>>
      %dma_start3A_29 = arith.constant 0 : i32
      %dma_start3A_30 = arith.constant 0 : i32
      %dma_start3A_31 = tpu.memref_slice %arg4[%add3A, %dma_start3A_29, %dma_start3A_30] : memref<32x79x128xi32, #tpu.memory_space<hbm>> -> memref<1x79x128xi32, #tpu.memory_space<hbm>>
      %dma_start3A_32 = tpu.memref_squeeze %dma_start3A_31 : memref<1x79x128xi32, #tpu.memory_space<hbm>> -> memref<79x128xi32, #tpu.memory_space<hbm>>
      tpu.enqueue_dma source(%dma_start3A_32 : memref<79x128xi32, #tpu.memory_space<hbm>>) target(%arg7 : memref<79x128xi32, #tpu.memory_space<vmem>>) target_semaphore(%run_scoped3A : memref<!tpu.dma_semaphore, #tpu.memory_space<semaphore_mem>>)
      %dma_wait3A = arith.constant 0 : i32
      %dma_wait3A_33 = arith.constant 0 : i32
      %dma_wait3A_34 = tpu.memref_slice %arg4[%add3A, %dma_wait3A, %dma_wait3A_33] : memref<32x79x128xi32, #tpu.memory_space<hbm>> -> memref<1x79x128xi32, #tpu.memory_space<hbm>>
      %dma_wait3A_35 = tpu.memref_squeeze %dma_wait3A_34 : memref<1x79x128xi32, #tpu.memory_space<hbm>> -> memref<79x128xi32, #tpu.memory_space<hbm>>
      %dma_wait3A_36 = arith.constant 0 : i32
      %dma_wait3A_37 = arith.constant 0 : i32
      %dma_wait3A_38 = tpu.memref_slice %arg4[%add3A, %dma_wait3A_36, %dma_wait3A_37] : memref<32x79x128xi32, #tpu.memory_space<hbm>> -> memref<1x79x128xi32, #tpu.memory_space<hbm>>
      %dma_wait3A_39 = tpu.memref_squeeze %dma_wait3A_38 : memref<1x79x128xi32, #tpu.memory_space<hbm>> -> memref<79x128xi32, #tpu.memory_space<hbm>>
      tpu.wait_dma2 semaphore(%run_scoped3A : memref<!tpu.dma_semaphore, #tpu.memory_space<semaphore_mem>>) src(%dma_wait3A_39 : memref<79x128xi32, #tpu.memory_space<hbm>>) dst(%arg7 : memref<79x128xi32, #tpu.memory_space<vmem>>)
      tpu.yield
    }) : () -> ()
    %broadcast_in_dim3A = arith.constant 0.000000e+00 : f32
    %broadcast_in_dim3A_1 = vector.broadcast %broadcast_in_dim3A : f32 to vector<16xf32>
    %scan3A = arith.constant 0 : i32
    %scan3A_2 = arith.constant 0 : i32
    %scan3A_3 = arith.constant 128 : i32
    %scan3A_4 = arith.addi %scan3A_2, %scan3A_3 : i32
    %scan3A_5 = arith.constant 1 : i32
    scf.for %scan3A_26 = %scan3A_2 to %scan3A_4 step %scan3A_5  : i32 {
      %swap3A = arith.index_cast %scan3A_26 : i32 to index
      %swap3A_27 = arith.constant 0 : index
      %swap3A_28 = tpu.vector_load %arg8[%swap3A, %swap3A_27] {strides = array<i32>} : memref<128x128xf32, #tpu.memory_space<vmem>>, vector<1x16xf32>,
      %swap3A_29 = vector.shape_cast %swap3A_28 : vector<1x16xf32> to vector<16xf32>
      %swap3A_30 = vector.shape_cast %broadcast_in_dim3A_1 : vector<16xf32> to vector<1x16xf32>
      tpu.vector_store %arg8[%swap3A, %swap3A_27], %swap3A_30 {strides = array<i32>} : memref<128x128xf32, #tpu.memory_space<vmem>>, vector<1x16xf32>,
      %swap3A_31 = arith.index_cast %scan3A_26 : i32 to index
      %swap3A_32 = arith.constant 16 : index
      %swap3A_33 = tpu.vector_load %arg8[%swap3A_31, %swap3A_32] {strides = array<i32>} : memref<128x128xf32, #tpu.memory_space<vmem>>, vector<1x16xf32>,
      %swap3A_34 = vector.shape_cast %swap3A_33 : vector<1x16xf32> to vector<16xf32>
      %swap3A_35 = vector.shape_cast %broadcast_in_dim3A_1 : vector<16xf32> to vector<1x16xf32>
      tpu.vector_store %arg8[%swap3A_31, %swap3A_32], %swap3A_35 {strides = array<i32>} : memref<128x128xf32, #tpu.memory_space<vmem>>, vector<1x16xf32>,
      %swap3A_36 = arith.index_cast %scan3A_26 : i32 to index
      %swap3A_37 = arith.constant 32 : index
      %swap3A_38 = tpu.vector_load %arg8[%swap3A_36, %swap3A_37] {strides = array<i32>} : memref<128x128xf32, #tpu.memory_space<vmem>>, vector<1x16xf32>,
      %swap3A_39 = vector.shape_cast %swap3A_38 : vector<1x16xf32> to vector<16xf32>
      %swap3A_40 = vector.shape_cast %broadcast_in_dim3A_1 : vector<16xf32> to vector<1x16xf32>
      tpu.vector_store %arg8[%swap3A_36, %swap3A_37], %swap3A_40 {strides = array<i32>} : memref<128x128xf32, #tpu.memory_space<vmem>>, vector<1x16xf32>,
      %swap3A_41 = arith.index_cast %scan3A_26 : i32 to index
      %swap3A_42 = arith.constant 48 : index
      %swap3A_43 = tpu.vector_load %arg8[%swap3A_41, %swap3A_42] {strides = array<i32>} : memref<128x128xf32, #tpu.memory_space<vmem>>, vector<1x16xf32>,
      %swap3A_44 = vector.shape_cast %swap3A_43 : vector<1x16xf32> to vector<16xf32>
      %swap3A_45 = vector.shape_cast %broadcast_in_dim3A_1 : vector<16xf32> to vector<1x16xf32>
      tpu.vector_store %arg8[%swap3A_41, %swap3A_42], %swap3A_45 {strides = array<i32>} : memref<128x128xf32, #tpu.memory_space<vmem>>, vector<1x16xf32>,
      %swap3A_46 = arith.index_cast %scan3A_26 : i32 to index
      %swap3A_47 = arith.constant 64 : index
      %swap3A_48 = tpu.vector_load %arg8[%swap3A_46, %swap3A_47] {strides = array<i32>} : memref<128x128xf32, #tpu.memory_space<vmem>>, vector<1x16xf32>,
      %swap3A_49 = vector.shape_cast %swap3A_48 : vector<1x16xf32> to vector<16xf32>
      %swap3A_50 = vector.shape_cast %broadcast_in_dim3A_1 : vector<16xf32> to vector<1x16xf32>
      tpu.vector_store %arg8[%swap3A_46, %swap3A_47], %swap3A_50 {strides = array<i32>} : memref<128x128xf32, #tpu.memory_space<vmem>>, vector<1x16xf32>,
      %swap3A_51 = arith.index_cast %scan3A_26 : i32 to index
      %swap3A_52 = arith.constant 80 : index
      %swap3A_53 = tpu.vector_load %arg8[%swap3A_51, %swap3A_52] {strides = array<i32>} : memref<128x128xf32, #tpu.memory_space<vmem>>, vector<1x16xf32>,
      %swap3A_54 = vector.shape_cast %swap3A_53 : vector<1x16xf32> to vector<16xf32>
      %swap3A_55 = vector.shape_cast %broadcast_in_dim3A_1 : vector<16xf32> to vector<1x16xf32>
      tpu.vector_store %arg8[%swap3A_51, %swap3A_52], %swap3A_55 {strides = array<i32>} : memref<128x128xf32, #tpu.memory_space<vmem>>, vector<1x16xf32>,
      %swap3A_56 = arith.index_cast %scan3A_26 : i32 to index
      %swap3A_57 = arith.constant 96 : index
      %swap3A_58 = tpu.vector_load %arg8[%swap3A_56, %swap3A_57] {strides = array<i32>} : memref<128x128xf32, #tpu.memory_space<vmem>>, vector<1x16xf32>,
      %swap3A_59 = vector.shape_cast %swap3A_58 : vector<1x16xf32> to vector<16xf32>
      %swap3A_60 = vector.shape_cast %broadcast_in_dim3A_1 : vector<16xf32> to vector<1x16xf32>
      tpu.vector_store %arg8[%swap3A_56, %swap3A_57], %swap3A_60 {strides = array<i32>} : memref<128x128xf32, #tpu.memory_space<vmem>>, vector<1x16xf32>,
      %swap3A_61 = arith.index_cast %scan3A_26 : i32 to index
      %swap3A_62 = arith.constant 112 : index
      %swap3A_63 = tpu.vector_load %arg8[%swap3A_61, %swap3A_62] {strides = array<i32>} : memref<128x128xf32, #tpu.memory_space<vmem>>, vector<1x16xf32>,
      %swap3A_64 = vector.shape_cast %swap3A_63 : vector<1x16xf32> to vector<16xf32>
      %swap3A_65 = vector.shape_cast %broadcast_in_dim3A_1 : vector<16xf32> to vector<1x16xf32>
      tpu.vector_store %arg8[%swap3A_61, %swap3A_62], %swap3A_65 {strides = array<i32>} : memref<128x128xf32, #tpu.memory_space<vmem>>, vector<1x16xf32>,
    }
    %scan3A_6 = arith.constant 128 : i32
    %mul3A_7 = arith.constant 640 : i32
    %mul3A_8 = arith.muli %arg1, %mul3A_7 : i32
    %add3A_9 = arith.constant 0 : i32
    %add3A_10 = arith.addi %mul3A_8, %add3A_9 : i32
    "tpu.region"() ({
      %run_scoped3A = tpu.sem_alloc : memref<!tpu.dma_semaphore, #tpu.memory_space<semaphore_mem>>
      %dma_start3A = arith.constant 0 : i32
      %dma_start3A_26 = tpu.memref_slice %arg9[%add3A_10, %dma_start3A] : memref<10240x128xf32, #tpu.memory_space<vmem_shared>> -> memref<128x128xf32, #tpu.memory_space<vmem_shared>>
      %dma_start3A_27 = arith.constant 0 : i32
      %dma_start3A_28 = tpu.memref_slice %arg9[%add3A_10, %dma_start3A_27] : memref<10240x128xf32, #tpu.memory_space<vmem_shared>> -> memref<128x128xf32, #tpu.memory_space<vmem_shared>>
      tpu.enqueue_dma source(%arg8 : memref<128x128xf32, #tpu.memory_space<vmem>>) target(%dma_start3A_28 : memref<128x128xf32, #tpu.memory_space<vmem_shared>>) target_semaphore(%run_scoped3A : memref<!tpu.dma_semaphore, #tpu.memory_space<semaphore_mem>>)
      %dma_wait3A = arith.constant 0 : i32
      %dma_wait3A_29 = tpu.memref_slice %arg9[%add3A_10, %dma_wait3A] : memref<10240x128xf32, #tpu.memory_space<vmem_shared>> -> memref<128x128xf32, #tpu.memory_space<vmem_shared>>
      %dma_wait3A_30 = arith.constant 0 : i32
      %dma_wait3A_31 = tpu.memref_slice %arg9[%add3A_10, %dma_wait3A_30] : memref<10240x128xf32, #tpu.memory_space<vmem_shared>> -> memref<128x128xf32, #tpu.memory_space<vmem_shared>>
      tpu.wait_dma2 semaphore(%run_scoped3A : memref<!tpu.dma_semaphore, #tpu.memory_space<semaphore_mem>>) src(%arg8 : memref<128x128xf32, #tpu.memory_space<vmem>>) dst(%dma_wait3A_31 : memref<128x128xf32, #tpu.memory_space<vmem_shared>>)
      tpu.yield
    }) : () -> ()
    %add3A_11 = arith.constant 128 : i32
    %add3A_12 = arith.addi %mul3A_8, %add3A_11 : i32
    "tpu.region"() ({
      %run_scoped3A = tpu.sem_alloc : memref<!tpu.dma_semaphore, #tpu.memory_space<semaphore_mem>>
      %dma_start3A = arith.constant 0 : i32
      %dma_start3A_26 = tpu.memref_slice %arg9[%add3A_12, %dma_start3A] : memref<10240x128xf32, #tpu.memory_space<vmem_shared>> -> memref<128x128xf32, #tpu.memory_space<vmem_shared>>
      %dma_start3A_27 = arith.constant 0 : i32
      %dma_start3A_28 = tpu.memref_slice %arg9[%add3A_12, %dma_start3A_27] : memref<10240x128xf32, #tpu.memory_space<vmem_shared>> -> memref<128x128xf32, #tpu.memory_space<vmem_shared>>
      tpu.enqueue_dma source(%arg8 : memref<128x128xf32, #tpu.memory_space<vmem>>) target(%dma_start3A_28 : memref<128x128xf32, #tpu.memory_space<vmem_shared>>) target_semaphore(%run_scoped3A : memref<!tpu.dma_semaphore, #tpu.memory_space<semaphore_mem>>)
      %dma_wait3A = arith.constant 0 : i32
      %dma_wait3A_29 = tpu.memref_slice %arg9[%add3A_12, %dma_wait3A] : memref<10240x128xf32, #tpu.memory_space<vmem_shared>> -> memref<128x128xf32, #tpu.memory_space<vmem_shared>>
      %dma_wait3A_30 = arith.constant 0 : i32
      %dma_wait3A_31 = tpu.memref_slice %arg9[%add3A_12, %dma_wait3A_30] : memref<10240x128xf32, #tpu.memory_space<vmem_shared>> -> memref<128x128xf32, #tpu.memory_space<vmem_shared>>
      tpu.wait_dma2 semaphore(%run_scoped3A : memref<!tpu.dma_semaphore, #tpu.memory_space<semaphore_mem>>) src(%arg8 : memref<128x128xf32, #tpu.memory_space<vmem>>) dst(%dma_wait3A_31 : memref<128x128xf32, #tpu.memory_space<vmem_shared>>)
      tpu.yield
    }) : () -> ()
    %add3A_13 = arith.constant 256 : i32
    %add3A_14 = arith.addi %mul3A_8, %add3A_13 : i32
    "tpu.region"() ({
      %run_scoped3A = tpu.sem_alloc : memref<!tpu.dma_semaphore, #tpu.memory_space<semaphore_mem>>
      %dma_start3A = arith.constant 0 : i32
      %dma_start3A_26 = tpu.memref_slice %arg9[%add3A_14, %dma_start3A] : memref<10240x128xf32, #tpu.memory_space<vmem_shared>> -> memref<128x128xf32, #tpu.memory_space<vmem_shared>>
      %dma_start3A_27 = arith.constant 0 : i32
      %dma_start3A_28 = tpu.memref_slice %arg9[%add3A_14, %dma_start3A_27] : memref<10240x128xf32, #tpu.memory_space<vmem_shared>> -> memref<128x128xf32, #tpu.memory_space<vmem_shared>>
      tpu.enqueue_dma source(%arg8 : memref<128x128xf32, #tpu.memory_space<vmem>>) target(%dma_start3A_28 : memref<128x128xf32, #tpu.memory_space<vmem_shared>>) target_semaphore(%run_scoped3A : memref<!tpu.dma_semaphore, #tpu.memory_space<semaphore_mem>>)
      %dma_wait3A = arith.constant 0 : i32
      %dma_wait3A_29 = tpu.memref_slice %arg9[%add3A_14, %dma_wait3A] : memref<10240x128xf32, #tpu.memory_space<vmem_shared>> -> memref<128x128xf32, #tpu.memory_space<vmem_shared>>
      %dma_wait3A_30 = arith.constant 0 : i32
      %dma_wait3A_31 = tpu.memref_slice %arg9[%add3A_14, %dma_wait3A_30] : memref<10240x128xf32, #tpu.memory_space<vmem_shared>> -> memref<128x128xf32, #tpu.memory_space<vmem_shared>>
      tpu.wait_dma2 semaphore(%run_scoped3A : memref<!tpu.dma_semaphore, #tpu.memory_space<semaphore_mem>>) src(%arg8 : memref<128x128xf32, #tpu.memory_space<vmem>>) dst(%dma_wait3A_31 : memref<128x128xf32, #tpu.memory_space<vmem_shared>>)
      tpu.yield
    }) : () -> ()
    %add3A_15 = arith.constant 384 : i32
    %add3A_16 = arith.addi %mul3A_8, %add3A_15 : i32
    "tpu.region"() ({
      %run_scoped3A = tpu.sem_alloc : memref<!tpu.dma_semaphore, #tpu.memory_space<semaphore_mem>>
      %dma_start3A = arith.constant 0 : i32
      %dma_start3A_26 = tpu.memref_slice %arg9[%add3A_16, %dma_start3A] : memref<10240x128xf32, #tpu.memory_space<vmem_shared>> -> memref<128x128xf32, #tpu.memory_space<vmem_shared>>
      %dma_start3A_27 = arith.constant 0 : i32
      %dma_start3A_28 = tpu.memref_slice %arg9[%add3A_16, %dma_start3A_27] : memref<10240x128xf32, #tpu.memory_space<vmem_shared>> -> memref<128x128xf32, #tpu.memory_space<vmem_shared>>
      tpu.enqueue_dma source(%arg8 : memref<128x128xf32, #tpu.memory_space<vmem>>) target(%dma_start3A_28 : memref<128x128xf32, #tpu.memory_space<vmem_shared>>) target_semaphore(%run_scoped3A : memref<!tpu.dma_semaphore, #tpu.memory_space<semaphore_mem>>)
      %dma_wait3A = arith.constant 0 : i32
      %dma_wait3A_29 = tpu.memref_slice %arg9[%add3A_16, %dma_wait3A] : memref<10240x128xf32, #tpu.memory_space<vmem_shared>> -> memref<128x128xf32, #tpu.memory_space<vmem_shared>>
      %dma_wait3A_30 = arith.constant 0 : i32
      %dma_wait3A_31 = tpu.memref_slice %arg9[%add3A_16, %dma_wait3A_30] : memref<10240x128xf32, #tpu.memory_space<vmem_shared>> -> memref<128x128xf32, #tpu.memory_space<vmem_shared>>
      tpu.wait_dma2 semaphore(%run_scoped3A : memref<!tpu.dma_semaphore, #tpu.memory_space<semaphore_mem>>) src(%arg8 : memref<128x128xf32, #tpu.memory_space<vmem>>) dst(%dma_wait3A_31 : memref<128x128xf32, #tpu.memory_space<vmem_shared>>)
      tpu.yield
    }) : () -> ()
    %add3A_17 = arith.constant 512 : i32
    %add3A_18 = arith.addi %mul3A_8, %add3A_17 : i32
    "tpu.region"() ({
      %run_scoped3A = tpu.sem_alloc : memref<!tpu.dma_semaphore, #tpu.memory_space<semaphore_mem>>
      %dma_start3A = arith.constant 0 : i32
      %dma_start3A_26 = tpu.memref_slice %arg9[%add3A_18, %dma_start3A] : memref<10240x128xf32, #tpu.memory_space<vmem_shared>> -> memref<128x128xf32, #tpu.memory_space<vmem_shared>>
      %dma_start3A_27 = arith.constant 0 : i32
      %dma_start3A_28 = tpu.memref_slice %arg9[%add3A_18, %dma_start3A_27] : memref<10240x128xf32, #tpu.memory_space<vmem_shared>> -> memref<128x128xf32, #tpu.memory_space<vmem_shared>>
      tpu.enqueue_dma source(%arg8 : memref<128x128xf32, #tpu.memory_space<vmem>>) target(%dma_start3A_28 : memref<128x128xf32, #tpu.memory_space<vmem_shared>>) target_semaphore(%run_scoped3A : memref<!tpu.dma_semaphore, #tpu.memory_space<semaphore_mem>>)
      %dma_wait3A = arith.constant 0 : i32
      %dma_wait3A_29 = tpu.memref_slice %arg9[%add3A_18, %dma_wait3A] : memref<10240x128xf32, #tpu.memory_space<vmem_shared>> -> memref<128x128xf32, #tpu.memory_space<vmem_shared>>
      %dma_wait3A_30 = arith.constant 0 : i32
      %dma_wait3A_31 = tpu.memref_slice %arg9[%add3A_18, %dma_wait3A_30] : memref<10240x128xf32, #tpu.memory_space<vmem_shared>> -> memref<128x128xf32, #tpu.memory_space<vmem_shared>>
      tpu.wait_dma2 semaphore(%run_scoped3A : memref<!tpu.dma_semaphore, #tpu.memory_space<semaphore_mem>>) src(%arg8 : memref<128x128xf32, #tpu.memory_space<vmem>>) dst(%dma_wait3A_31 : memref<128x128xf32, #tpu.memory_space<vmem_shared>>)
      tpu.yield
    }) : () -> ()
    %barrier3A = arith.constant 0 : index
    tpu.barrier barrier_id(%barrier3A)
    %scan3A_19 = arith.constant 0 : i32
    %scan3A_20 = arith.constant 0 : i32
    %scan3A_21 = arith.constant 79 : i32
    %scan3A_22 = arith.addi %scan3A_20, %scan3A_21 : i32
    %scan3A_23 = arith.constant 1 : i32
    scf.for %scan3A_26 = %scan3A_20 to %scan3A_22 step %scan3A_23  : i32 {
      %dma_start3A = arith.constant 0 : i32
      %dma_start3A_27 = tpu.memref_slice %arg6[%scan3A_26, %dma_start3A] : memref<79x128xi32, #tpu.memory_space<vmem>> -> memref<1x128xi32, #tpu.memory_space<vmem>>
      %dma_start3A_28 = tpu.memref_squeeze %dma_start3A_27 : memref<1x128xi32, #tpu.memory_space<vmem>> -> memref<128xi32, #tpu.memory_space<vmem>>
      %dma_start3A_29 = arith.constant 0 : i32
      %dma_start3A_30 = arith.constant 0 : i32
      %dma_start3A_31 = tpu.memref_slice %arg2[%dma_start3A_29, %dma_start3A_30] : memref<10240x128xf32, #tpu.memory_space<hbm>> -> memref<10240x128xf32, #tpu.memory_space<hbm>>
      tpu.enqueue_indirect_dma source(%dma_start3A_31 : memref<10240x128xf32, #tpu.memory_space<hbm>>) target(%arg8 : memref<128x128xf32, #tpu.memory_space<vmem>>) offsets(%dma_start3A_28 : memref<128xi32, #tpu.memory_space<vmem>>) semaphore(%arg10 : memref<!tpu.dma_semaphore, #tpu.memory_space<semaphore_mem>>)
      %dma_wait3A = arith.constant 0 : i32
      %dma_wait3A_32 = tpu.memref_slice %arg6[%scan3A_26, %dma_wait3A] : memref<79x128xi32, #tpu.memory_space<vmem>> -> memref<1x128xi32, #tpu.memory_space<vmem>>
      %dma_wait3A_33 = tpu.memref_squeeze %dma_wait3A_32 : memref<1x128xi32, #tpu.memory_space<vmem>> -> memref<128xi32, #tpu.memory_space<vmem>>
      %dma_wait3A_34 = arith.constant 0 : i32
      %dma_wait3A_35 = arith.constant 0 : i32
      %dma_wait3A_36 = tpu.memref_slice %arg2[%dma_wait3A_34, %dma_wait3A_35] : memref<10240x128xf32, #tpu.memory_space<hbm>> -> memref<10240x128xf32, #tpu.memory_space<hbm>>
      tpu.wait_indirect_dma semaphore(%arg10 : memref<!tpu.dma_semaphore, #tpu.memory_space<semaphore_mem>>) src(%dma_wait3A_36 : memref<10240x128xf32, #tpu.memory_space<hbm>>) dst(%arg8 : memref<128x128xf32, #tpu.memory_space<vmem>>)
      "tpu.region"() ({
        %run_scoped3A = tpu.sem_alloc : memref<!tpu.dma_semaphore, #tpu.memory_space<semaphore_mem>>
        %dma_start3A_37 = arith.constant 0 : i32
        %dma_start3A_38 = tpu.memref_slice %arg7[%scan3A_26, %dma_start3A_37] : memref<79x128xi32, #tpu.memory_space<vmem>> -> memref<1x128xi32, #tpu.memory_space<vmem>>
        %dma_start3A_39 = tpu.memref_squeeze %dma_start3A_38 : memref<1x128xi32, #tpu.memory_space<vmem>> -> memref<128xi32, #tpu.memory_space<vmem>>
        %dma_start3A_40 = arith.constant 0 : i32
        %dma_start3A_41 = arith.constant 0 : i32
        %dma_start3A_42 = tpu.memref_slice %arg9[%dma_start3A_40, %dma_start3A_41] : memref<10240x128xf32, #tpu.memory_space<vmem_shared>> -> memref<10240x128xf32, #tpu.memory_space<vmem_shared>>
        tpu.enqueue_indirect_dma source(%arg8 : memref<128x128xf32, #tpu.memory_space<vmem>>) target(%dma_start3A_42 : memref<10240x128xf32, #tpu.memory_space<vmem_shared>>) offsets(%dma_start3A_39 : memref<128xi32, #tpu.memory_space<vmem>>) semaphore(%run_scoped3A : memref<!tpu.dma_semaphore, #tpu.memory_space<semaphore_mem>>) {add = true}
        %dma_wait3A_43 = arith.constant 0 : i32
        %dma_wait3A_44 = tpu.memref_slice %arg7[%scan3A_26, %dma_wait3A_43] : memref<79x128xi32, #tpu.memory_space<vmem>> -> memref<1x128xi32, #tpu.memory_space<vmem>>
        %dma_wait3A_45 = tpu.memref_squeeze %dma_wait3A_44 : memref<1x128xi32, #tpu.memory_space<vmem>> -> memref<128xi32, #tpu.memory_space<vmem>>
        %dma_wait3A_46 = arith.constant 0 : i32
        %dma_wait3A_47 = arith.constant 0 : i32
        %dma_wait3A_48 = tpu.memref_slice %arg9[%dma_wait3A_46, %dma_wait3A_47] : memref<10240x128xf32, #tpu.memory_space<vmem_shared>> -> memref<10240x128xf32, #tpu.memory_space<vmem_shared>>
        tpu.wait_indirect_dma semaphore(%run_scoped3A : memref<!tpu.dma_semaphore, #tpu.memory_space<semaphore_mem>>) src(%arg8 : memref<128x128xf32, #tpu.memory_space<vmem>>) dst(%dma_wait3A_48 : memref<10240x128xf32, #tpu.memory_space<vmem_shared>>)
        tpu.yield
      }) : () -> ()
    }
    %scan3A_24 = arith.constant 79 : i32
    %barrier3A_25 = arith.constant 0 : index
    tpu.barrier barrier_id(%barrier3A_25)
    "tpu.region"() ({
      %run_scoped3A = tpu.sem_alloc : memref<!tpu.dma_semaphore, #tpu.memory_space<semaphore_mem>>
      %dma_start3A = arith.constant 0 : i32
      %dma_start3A_26 = tpu.memref_slice %arg5[%arg0, %mul3A_8, %dma_start3A] : memref<2x10240x128xf32, #tpu.memory_space<hbm>> -> memref<1x640x128xf32, #tpu.memory_space<hbm>>
      %dma_start3A_27 = tpu.memref_squeeze %dma_start3A_26 : memref<1x640x128xf32, #tpu.memory_space<hbm>> -> memref<640x128xf32, #tpu.memory_space<hbm>>
      %dma_start3A_28 = arith.constant 0 : i32
      %dma_start3A_29 = tpu.memref_slice %arg9[%mul3A_8, %dma_start3A_28] : memref<10240x128xf32, #tpu.memory_space<vmem_shared>> -> memref<640x128xf32, #tpu.memory_space<vmem_shared>>
      tpu.enqueue_dma source(%dma_start3A_29 : memref<640x128xf32, #tpu.memory_space<vmem_shared>>) target(%dma_start3A_27 : memref<640x128xf32, #tpu.memory_space<hbm>>) target_semaphore(%run_scoped3A : memref<!tpu.dma_semaphore, #tpu.memory_space<semaphore_mem>>)
      %dma_wait3A = arith.constant 0 : i32
      %dma_wait3A_30 = tpu.memref_slice %arg5[%arg0, %mul3A_8, %dma_wait3A] : memref<2x10240x128xf32, #tpu.memory_space<hbm>> -> memref<1x640x128xf32, #tpu.memory_space<hbm>>
      %dma_wait3A_31 = tpu.memref_squeeze %dma_wait3A_30 : memref<1x640x128xf32, #tpu.memory_space<hbm>> -> memref<640x128xf32, #tpu.memory_space<hbm>>
      %dma_wait3A_32 = arith.constant 0 : i32
      %dma_wait3A_33 = tpu.memref_slice %arg9[%mul3A_8, %dma_wait3A_32] : memref<10240x128xf32, #tpu.memory_space<vmem_shared>> -> memref<640x128xf32, #tpu.memory_space<vmem_shared>>
      tpu.wait_dma2 semaphore(%run_scoped3A : memref<!tpu.dma_semaphore, #tpu.memory_space<semaphore_mem>>) src(%dma_wait3A_33 : memref<640x128xf32, #tpu.memory_space<vmem_shared>>) dst(%dma_wait3A_31 : memref<640x128xf32, #tpu.memory_space<hbm>>)
      tpu.yield
    }) : () -> ()
    return
  }
}

#map = affine_map<(d0, d1) -> (0, 0)>
#map1 = affine_map<(d0, d1) -> (0, 0, 0)>
module attributes {stable_mosaic.version = 14 : i64} {
  func.func @k(%arg0: i32, %arg1: i32, %arg2: memref<10240x128xf32, #tpu.memory_space<hbm>>, %arg3: memref<32x79x128xi32, #tpu.memory_space<hbm>>, %arg4: memref<32x79x128xi32, #tpu.memory_space<hbm>>, %arg5: memref<2x10240x128xf32, #tpu.memory_space<hbm>>, %arg6: memref<79x128xi32, #tpu.memory_space<vmem>>, %arg7: memref<79x128xi32, #tpu.memory_space<vmem>>, %arg8: memref<128x128xf32, #tpu.memory_space<vmem>>, %arg9: memref<10240x128xf32, #tpu.memory_space<vmem_shared>>, %arg10: memref<!tpu.dma_semaphore, #tpu.memory_space<semaphore_mem>>) attributes {dimension_semantics = [#tpu.dimension_semantics<core_parallel>, #tpu.dimension_semantics<subcore_parallel>], iteration_bounds = array<i64: 2, 16>, scalar_prefetch = 0 : i64, scratch_operands = 5 : i64, tpu.core_type = #tpu.core_type<sc_vector_subcore>, window_params = [{transform_indices = #map}, {transform_indices = #map1}, {transform_indices = #map1}, {transform_indices = #map1}]} {
    %mul3A = arith.constant 2 : i32
    %mul3A_0 = arith.muli %arg1, %mul3A : i32
    %add3A = arith.addi %mul3A_0, %arg0 : i32
    "tpu.region"() ({
      %run_scoped3A = tpu.sem_alloc : memref<!tpu.dma_semaphore, #tpu.memory_space<semaphore_mem>>
      %dma_start3A = arith.constant 0 : i32
      %dma_start3A_26 = arith.constant 0 : i32
      %dma_start3A_27 = tpu.memref_slice %arg3[%add3A, %dma_start3A, %dma_start3A_26] : memref<32x79x128xi32, #tpu.memory_space<hbm>> -> memref<1x79x128xi32, #tpu.memory_space<hbm>>
      %dma_start3A_28 = tpu.memref_squeeze %dma_start3A_27 : memref<1x79x128xi32, #tpu.memory_space<hbm>> -> memref<79x128xi32, #tpu.memory_space<hbm>>
      %dma_start3A_29 = arith.constant 0 : i32
      %dma_start3A_30 = arith.constant 0 : i32
      %dma_start3A_31 = tpu.memref_slice %arg3[%add3A, %dma_start3A_29, %dma_start3A_30] : memref<32x79x128xi32, #tpu.memory_space<hbm>> -> memref<1x79x128xi32, #tpu.memory_space<hbm>>
      %dma_start3A_32 = tpu.memref_squeeze %dma_start3A_31 : memref<1x79x128xi32, #tpu.memory_space<hbm>> -> memref<79x128xi32, #tpu.memory_space<hbm>>
      tpu.enqueue_dma source(%dma_start3A_32 : memref<79x128xi32, #tpu.memory_space<hbm>>) target(%arg6 : memref<79x128xi32, #tpu.memory_space<vmem>>) target_semaphore(%run_scoped3A : memref<!tpu.dma_semaphore, #tpu.memory_space<semaphore_mem>>)
      %dma_wait3A = arith.constant 0 : i32
      %dma_wait3A_33 = arith.constant 0 : i32
      %dma_wait3A_34 = tpu.memref_slice %arg3[%add3A, %dma_wait3A, %dma_wait3A_33] : memref<32x79x128xi32, #tpu.memory_space<hbm>> -> memref<1x79x128xi32, #tpu.memory_space<hbm>>
      %dma_wait3A_35 = tpu.memref_squeeze %dma_wait3A_34 : memref<1x79x128xi32, #tpu.memory_space<hbm>> -> memref<79x128xi32, #tpu.memory_space<hbm>>
      %dma_wait3A_36 = arith.constant 0 : i32
      %dma_wait3A_37 = arith.constant 0 : i32
      %dma_wait3A_38 = tpu.memref_slice %arg3[%add3A, %dma_wait3A_36, %dma_wait3A_37] : memref<32x79x128xi32, #tpu.memory_space<hbm>> -> memref<1x79x128xi32, #tpu.memory_space<hbm>>
      %dma_wait3A_39 = tpu.memref_squeeze %dma_wait3A_38 : memref<1x79x128xi32, #tpu.memory_space<hbm>> -> memref<79x128xi32, #tpu.memory_space<hbm>>
      tpu.wait_dma2 semaphore(%run_scoped3A : memref<!tpu.dma_semaphore, #tpu.memory_space<semaphore_mem>>) src(%dma_wait3A_39 : memref<79x128xi32, #tpu.memory_space<hbm>>) dst(%arg6 : memref<79x128xi32, #tpu.memory_space<vmem>>)
      tpu.yield
    }) : () -> ()
    "tpu.region"() ({
      %run_scoped3A = tpu.sem_alloc : memref<!tpu.dma_semaphore, #tpu.memory_space<semaphore_mem>>
      %dma_start3A = arith.constant 0 : i32
      %dma_start3A_26 = arith.constant 0 : i32
      %dma_start3A_27 = tpu.memref_slice %arg4[%add3A, %dma_start3A, %dma_start3A_26] : memref<32x79x128xi32, #tpu.memory_space<hbm>> -> memref<1x79x128xi32, #tpu.memory_space<hbm>>
      %dma_start3A_28 = tpu.memref_squeeze %dma_start3A_27 : memref<1x79x128xi32, #tpu.memory_space<hbm>> -> memref<79x128xi32, #tpu.memory_space<hbm>>
      %dma_start3A_29 = arith.constant 0 : i32
      %dma_start3A_30 = arith.constant 0 : i32
      %dma_start3A_31 = tpu.memref_slice %arg4[%add3A, %dma_start3A_29, %dma_start3A_30] : memref<32x79x128xi32, #tpu.memory_space<hbm>> -> memref<1x79x128xi32, #tpu.memory_space<hbm>>
      %dma_start3A_32 = tpu.memref_squeeze %dma_start3A_31 : memref<1x79x128xi32, #tpu.memory_space<hbm>> -> memref<79x128xi32, #tpu.memory_space<hbm>>
      tpu.enqueue_dma source(%dma_start3A_32 : memref<79x128xi32, #tpu.memory_space<hbm>>) target(%arg7 : memref<79x128xi32, #tpu.memory_space<vmem>>) target_semaphore(%run_scoped3A : memref<!tpu.dma_semaphore, #tpu.memory_space<semaphore_mem>>)
      %dma_wait3A = arith.constant 0 : i32
      %dma_wait3A_33 = arith.constant 0 : i32
      %dma_wait3A_34 = tpu.memref_slice %arg4[%add3A, %dma_wait3A, %dma_wait3A_33] : memref<32x79x128xi32, #tpu.memory_space<hbm>> -> memref<1x79x128xi32, #tpu.memory_space<hbm>>
      %dma_wait3A_35 = tpu.memref_squeeze %dma_wait3A_34 : memref<1x79x128xi32, #tpu.memory_space<hbm>> -> memref<79x128xi32, #tpu.memory_space<hbm>>
      %dma_wait3A_36 = arith.constant 0 : i32
      %dma_wait3A_37 = arith.constant 0 : i32
      %dma_wait3A_38 = tpu.memref_slice %arg4[%add3A, %dma_wait3A_36, %dma_wait3A_37] : memref<32x79x128xi32, #tpu.memory_space<hbm>> -> memref<1x79x128xi32, #tpu.memory_space<hbm>>
      %dma_wait3A_39 = tpu.memref_squeeze %dma_wait3A_38 : memref<1x79x128xi32, #tpu.memory_space<hbm>> -> memref<79x128xi32, #tpu.memory_space<hbm>>
      tpu.wait_dma2 semaphore(%run_scoped3A : memref<!tpu.dma_semaphore, #tpu.memory_space<semaphore_mem>>) src(%dma_wait3A_39 : memref<79x128xi32, #tpu.memory_space<hbm>>) dst(%arg7 : memref<79x128xi32, #tpu.memory_space<vmem>>)
      tpu.yield
    }) : () -> ()
    %broadcast_in_dim3A = arith.constant 0.000000e+00 : f32
    %broadcast_in_dim3A_1 = vector.broadcast %broadcast_in_dim3A : f32 to vector<16xf32>
    %scan3A = arith.constant 0 : i32
    %scan3A_2 = arith.constant 0 : i32
    %scan3A_3 = arith.constant 128 : i32
    %scan3A_4 = arith.addi %scan3A_2, %scan3A_3 : i32
    %scan3A_5 = arith.constant 1 : i32
    scf.for %scan3A_26 = %scan3A_2 to %scan3A_4 step %scan3A_5  : i32 {
      %swap3A = arith.index_cast %scan3A_26 : i32 to index
      %swap3A_27 = arith.constant 0 : index
      %swap3A_28 = tpu.vector_load %arg8[%swap3A, %swap3A_27] {strides = array<i32>} : memref<128x128xf32, #tpu.memory_space<vmem>>, vector<1x16xf32>,
      %swap3A_29 = vector.shape_cast %swap3A_28 : vector<1x16xf32> to vector<16xf32>
      %swap3A_30 = vector.shape_cast %broadcast_in_dim3A_1 : vector<16xf32> to vector<1x16xf32>
      tpu.vector_store %arg8[%swap3A, %swap3A_27], %swap3A_30 {strides = array<i32>} : memref<128x128xf32, #tpu.memory_space<vmem>>, vector<1x16xf32>,
      %swap3A_31 = arith.index_cast %scan3A_26 : i32 to index
      %swap3A_32 = arith.constant 16 : index
      %swap3A_33 = tpu.vector_load %arg8[%swap3A_31, %swap3A_32] {strides = array<i32>} : memref<128x128xf32, #tpu.memory_space<vmem>>, vector<1x16xf32>,
      %swap3A_34 = vector.shape_cast %swap3A_33 : vector<1x16xf32> to vector<16xf32>
      %swap3A_35 = vector.shape_cast %broadcast_in_dim3A_1 : vector<16xf32> to vector<1x16xf32>
      tpu.vector_store %arg8[%swap3A_31, %swap3A_32], %swap3A_35 {strides = array<i32>} : memref<128x128xf32, #tpu.memory_space<vmem>>, vector<1x16xf32>,
      %swap3A_36 = arith.index_cast %scan3A_26 : i32 to index
      %swap3A_37 = arith.constant 32 : index
      %swap3A_38 = tpu.vector_load %arg8[%swap3A_36, %swap3A_37] {strides = array<i32>} : memref<128x128xf32, #tpu.memory_space<vmem>>, vector<1x16xf32>,
      %swap3A_39 = vector.shape_cast %swap3A_38 : vector<1x16xf32> to vector<16xf32>
      %swap3A_40 = vector.shape_cast %broadcast_in_dim3A_1 : vector<16xf32> to vector<1x16xf32>
      tpu.vector_store %arg8[%swap3A_36, %swap3A_37], %swap3A_40 {strides = array<i32>} : memref<128x128xf32, #tpu.memory_space<vmem>>, vector<1x16xf32>,
      %swap3A_41 = arith.index_cast %scan3A_26 : i32 to index
      %swap3A_42 = arith.constant 48 : index
      %swap3A_43 = tpu.vector_load %arg8[%swap3A_41, %swap3A_42] {strides = array<i32>} : memref<128x128xf32, #tpu.memory_space<vmem>>, vector<1x16xf32>,
      %swap3A_44 = vector.shape_cast %swap3A_43 : vector<1x16xf32> to vector<16xf32>
      %swap3A_45 = vector.shape_cast %broadcast_in_dim3A_1 : vector<16xf32> to vector<1x16xf32>
      tpu.vector_store %arg8[%swap3A_41, %swap3A_42], %swap3A_45 {strides = array<i32>} : memref<128x128xf32, #tpu.memory_space<vmem>>, vector<1x16xf32>,
      %swap3A_46 = arith.index_cast %scan3A_26 : i32 to index
      %swap3A_47 = arith.constant 64 : index
      %swap3A_48 = tpu.vector_load %arg8[%swap3A_46, %swap3A_47] {strides = array<i32>} : memref<128x128xf32, #tpu.memory_space<vmem>>, vector<1x16xf32>,
      %swap3A_49 = vector.shape_cast %swap3A_48 : vector<1x16xf32> to vector<16xf32>
      %swap3A_50 = vector.shape_cast %broadcast_in_dim3A_1 : vector<16xf32> to vector<1x16xf32>
      tpu.vector_store %arg8[%swap3A_46, %swap3A_47], %swap3A_50 {strides = array<i32>} : memref<128x128xf32, #tpu.memory_space<vmem>>, vector<1x16xf32>,
      %swap3A_51 = arith.index_cast %scan3A_26 : i32 to index
      %swap3A_52 = arith.constant 80 : index
      %swap3A_53 = tpu.vector_load %arg8[%swap3A_51, %swap3A_52] {strides = array<i32>} : memref<128x128xf32, #tpu.memory_space<vmem>>, vector<1x16xf32>,
      %swap3A_54 = vector.shape_cast %swap3A_53 : vector<1x16xf32> to vector<16xf32>
      %swap3A_55 = vector.shape_cast %broadcast_in_dim3A_1 : vector<16xf32> to vector<1x16xf32>
      tpu.vector_store %arg8[%swap3A_51, %swap3A_52], %swap3A_55 {strides = array<i32>} : memref<128x128xf32, #tpu.memory_space<vmem>>, vector<1x16xf32>,
      %swap3A_56 = arith.index_cast %scan3A_26 : i32 to index
      %swap3A_57 = arith.constant 96 : index
      %swap3A_58 = tpu.vector_load %arg8[%swap3A_56, %swap3A_57] {strides = array<i32>} : memref<128x128xf32, #tpu.memory_space<vmem>>, vector<1x16xf32>,
      %swap3A_59 = vector.shape_cast %swap3A_58 : vector<1x16xf32> to vector<16xf32>
      %swap3A_60 = vector.shape_cast %broadcast_in_dim3A_1 : vector<16xf32> to vector<1x16xf32>
      tpu.vector_store %arg8[%swap3A_56, %swap3A_57], %swap3A_60 {strides = array<i32>} : memref<128x128xf32, #tpu.memory_space<vmem>>, vector<1x16xf32>,
      %swap3A_61 = arith.index_cast %scan3A_26 : i32 to index
      %swap3A_62 = arith.constant 112 : index
      %swap3A_63 = tpu.vector_load %arg8[%swap3A_61, %swap3A_62] {strides = array<i32>} : memref<128x128xf32, #tpu.memory_space<vmem>>, vector<1x16xf32>,
      %swap3A_64 = vector.shape_cast %swap3A_63 : vector<1x16xf32> to vector<16xf32>
      %swap3A_65 = vector.shape_cast %broadcast_in_dim3A_1 : vector<16xf32> to vector<1x16xf32>
      tpu.vector_store %arg8[%swap3A_61, %swap3A_62], %swap3A_65 {strides = array<i32>} : memref<128x128xf32, #tpu.memory_space<vmem>>, vector<1x16xf32>,
    }
    %scan3A_6 = arith.constant 128 : i32
    %mul3A_7 = arith.constant 640 : i32
    %mul3A_8 = arith.muli %arg1, %mul3A_7 : i32
    %add3A_9 = arith.constant 0 : i32
    %add3A_10 = arith.addi %mul3A_8, %add3A_9 : i32
    "tpu.region"() ({
      %run_scoped3A = tpu.sem_alloc : memref<!tpu.dma_semaphore, #tpu.memory_space<semaphore_mem>>
      %dma_start3A = arith.constant 0 : i32
      %dma_start3A_26 = tpu.memref_slice %arg9[%add3A_10, %dma_start3A] : memref<10240x128xf32, #tpu.memory_space<vmem_shared>> -> memref<128x128xf32, #tpu.memory_space<vmem_shared>>
      %dma_start3A_27 = arith.constant 0 : i32
      %dma_start3A_28 = tpu.memref_slice %arg9[%add3A_10, %dma_start3A_27] : memref<10240x128xf32, #tpu.memory_space<vmem_shared>> -> memref<128x128xf32, #tpu.memory_space<vmem_shared>>
      tpu.enqueue_dma source(%arg8 : memref<128x128xf32, #tpu.memory_space<vmem>>) target(%dma_start3A_28 : memref<128x128xf32, #tpu.memory_space<vmem_shared>>) target_semaphore(%run_scoped3A : memref<!tpu.dma_semaphore, #tpu.memory_space<semaphore_mem>>)
      %dma_wait3A = arith.constant 0 : i32
      %dma_wait3A_29 = tpu.memref_slice %arg9[%add3A_10, %dma_wait3A] : memref<10240x128xf32, #tpu.memory_space<vmem_shared>> -> memref<128x128xf32, #tpu.memory_space<vmem_shared>>
      %dma_wait3A_30 = arith.constant 0 : i32
      %dma_wait3A_31 = tpu.memref_slice %arg9[%add3A_10, %dma_wait3A_30] : memref<10240x128xf32, #tpu.memory_space<vmem_shared>> -> memref<128x128xf32, #tpu.memory_space<vmem_shared>>
      tpu.wait_dma2 semaphore(%run_scoped3A : memref<!tpu.dma_semaphore, #tpu.memory_space<semaphore_mem>>) src(%arg8 : memref<128x128xf32, #tpu.memory_space<vmem>>) dst(%dma_wait3A_31 : memref<128x128xf32, #tpu.memory_space<vmem_shared>>)
      tpu.yield
    }) : () -> ()
    %add3A_11 = arith.constant 128 : i32
    %add3A_12 = arith.addi %mul3A_8, %add3A_11 : i32
    "tpu.region"() ({
      %run_scoped3A = tpu.sem_alloc : memref<!tpu.dma_semaphore, #tpu.memory_space<semaphore_mem>>
      %dma_start3A = arith.constant 0 : i32
      %dma_start3A_26 = tpu.memref_slice %arg9[%add3A_12, %dma_start3A] : memref<10240x128xf32, #tpu.memory_space<vmem_shared>> -> memref<128x128xf32, #tpu.memory_space<vmem_shared>>
      %dma_start3A_27 = arith.constant 0 : i32
      %dma_start3A_28 = tpu.memref_slice %arg9[%add3A_12, %dma_start3A_27] : memref<10240x128xf32, #tpu.memory_space<vmem_shared>> -> memref<128x128xf32, #tpu.memory_space<vmem_shared>>
      tpu.enqueue_dma source(%arg8 : memref<128x128xf32, #tpu.memory_space<vmem>>) target(%dma_start3A_28 : memref<128x128xf32, #tpu.memory_space<vmem_shared>>) target_semaphore(%run_scoped3A : memref<!tpu.dma_semaphore, #tpu.memory_space<semaphore_mem>>)
      %dma_wait3A = arith.constant 0 : i32
      %dma_wait3A_29 = tpu.memref_slice %arg9[%add3A_12, %dma_wait3A] : memref<10240x128xf32, #tpu.memory_space<vmem_shared>> -> memref<128x128xf32, #tpu.memory_space<vmem_shared>>
      %dma_wait3A_30 = arith.constant 0 : i32
      %dma_wait3A_31 = tpu.memref_slice %arg9[%add3A_12, %dma_wait3A_30] : memref<10240x128xf32, #tpu.memory_space<vmem_shared>> -> memref<128x128xf32, #tpu.memory_space<vmem_shared>>
      tpu.wait_dma2 semaphore(%run_scoped3A : memref<!tpu.dma_semaphore, #tpu.memory_space<semaphore_mem>>) src(%arg8 : memref<128x128xf32, #tpu.memory_space<vmem>>) dst(%dma_wait3A_31 : memref<128x128xf32, #tpu.memory_space<vmem_shared>>)
      tpu.yield
    }) : () -> ()
    %add3A_13 = arith.constant 256 : i32
    %add3A_14 = arith.addi %mul3A_8, %add3A_13 : i32
    "tpu.region"() ({
      %run_scoped3A = tpu.sem_alloc : memref<!tpu.dma_semaphore, #tpu.memory_space<semaphore_mem>>
      %dma_start3A = arith.constant 0 : i32
      %dma_start3A_26 = tpu.memref_slice %arg9[%add3A_14, %dma_start3A] : memref<10240x128xf32, #tpu.memory_space<vmem_shared>> -> memref<128x128xf32, #tpu.memory_space<vmem_shared>>
      %dma_start3A_27 = arith.constant 0 : i32
      %dma_start3A_28 = tpu.memref_slice %arg9[%add3A_14, %dma_start3A_27] : memref<10240x128xf32, #tpu.memory_space<vmem_shared>> -> memref<128x128xf32, #tpu.memory_space<vmem_shared>>
      tpu.enqueue_dma source(%arg8 : memref<128x128xf32, #tpu.memory_space<vmem>>) target(%dma_start3A_28 : memref<128x128xf32, #tpu.memory_space<vmem_shared>>) target_semaphore(%run_scoped3A : memref<!tpu.dma_semaphore, #tpu.memory_space<semaphore_mem>>)
      %dma_wait3A = arith.constant 0 : i32
      %dma_wait3A_29 = tpu.memref_slice %arg9[%add3A_14, %dma_wait3A] : memref<10240x128xf32, #tpu.memory_space<vmem_shared>> -> memref<128x128xf32, #tpu.memory_space<vmem_shared>>
      %dma_wait3A_30 = arith.constant 0 : i32
      %dma_wait3A_31 = tpu.memref_slice %arg9[%add3A_14, %dma_wait3A_30] : memref<10240x128xf32, #tpu.memory_space<vmem_shared>> -> memref<128x128xf32, #tpu.memory_space<vmem_shared>>
      tpu.wait_dma2 semaphore(%run_scoped3A : memref<!tpu.dma_semaphore, #tpu.memory_space<semaphore_mem>>) src(%arg8 : memref<128x128xf32, #tpu.memory_space<vmem>>) dst(%dma_wait3A_31 : memref<128x128xf32, #tpu.memory_space<vmem_shared>>)
      tpu.yield
    }) : () -> ()
    %add3A_15 = arith.constant 384 : i32
    %add3A_16 = arith.addi %mul3A_8, %add3A_15 : i32
    "tpu.region"() ({
      %run_scoped3A = tpu.sem_alloc : memref<!tpu.dma_semaphore, #tpu.memory_space<semaphore_mem>>
      %dma_start3A = arith.constant 0 : i32
      %dma_start3A_26 = tpu.memref_slice %arg9[%add3A_16, %dma_start3A] : memref<10240x128xf32, #tpu.memory_space<vmem_shared>> -> memref<128x128xf32, #tpu.memory_space<vmem_shared>>
      %dma_start3A_27 = arith.constant 0 : i32
      %dma_start3A_28 = tpu.memref_slice %arg9[%add3A_16, %dma_start3A_27] : memref<10240x128xf32, #tpu.memory_space<vmem_shared>> -> memref<128x128xf32, #tpu.memory_space<vmem_shared>>
      tpu.enqueue_dma source(%arg8 : memref<128x128xf32, #tpu.memory_space<vmem>>) target(%dma_start3A_28 : memref<128x128xf32, #tpu.memory_space<vmem_shared>>) target_semaphore(%run_scoped3A : memref<!tpu.dma_semaphore, #tpu.memory_space<semaphore_mem>>)
      %dma_wait3A = arith.constant 0 : i32
      %dma_wait3A_29 = tpu.memref_slice %arg9[%add3A_16, %dma_wait3A] : memref<10240x128xf32, #tpu.memory_space<vmem_shared>> -> memref<128x128xf32, #tpu.memory_space<vmem_shared>>
      %dma_wait3A_30 = arith.constant 0 : i32
      %dma_wait3A_31 = tpu.memref_slice %arg9[%add3A_16, %dma_wait3A_30] : memref<10240x128xf32, #tpu.memory_space<vmem_shared>> -> memref<128x128xf32, #tpu.memory_space<vmem_shared>>
      tpu.wait_dma2 semaphore(%run_scoped3A : memref<!tpu.dma_semaphore, #tpu.memory_space<semaphore_mem>>) src(%arg8 : memref<128x128xf32, #tpu.memory_space<vmem>>) dst(%dma_wait3A_31 : memref<128x128xf32, #tpu.memory_space<vmem_shared>>)
      tpu.yield
    }) : () -> ()
    %add3A_17 = arith.constant 512 : i32
    %add3A_18 = arith.addi %mul3A_8, %add3A_17 : i32
    "tpu.region"() ({
      %run_scoped3A = tpu.sem_alloc : memref<!tpu.dma_semaphore, #tpu.memory_space<semaphore_mem>>
      %dma_start3A = arith.constant 0 : i32
      %dma_start3A_26 = tpu.memref_slice %arg9[%add3A_18, %dma_start3A] : memref<10240x128xf32, #tpu.memory_space<vmem_shared>> -> memref<128x128xf32, #tpu.memory_space<vmem_shared>>
      %dma_start3A_27 = arith.constant 0 : i32
      %dma_start3A_28 = tpu.memref_slice %arg9[%add3A_18, %dma_start3A_27] : memref<10240x128xf32, #tpu.memory_space<vmem_shared>> -> memref<128x128xf32, #tpu.memory_space<vmem_shared>>
      tpu.enqueue_dma source(%arg8 : memref<128x128xf32, #tpu.memory_space<vmem>>) target(%dma_start3A_28 : memref<128x128xf32, #tpu.memory_space<vmem_shared>>) target_semaphore(%run_scoped3A : memref<!tpu.dma_semaphore, #tpu.memory_space<semaphore_mem>>)
      %dma_wait3A = arith.constant 0 : i32
      %dma_wait3A_29 = tpu.memref_slice %arg9[%add3A_18, %dma_wait3A] : memref<10240x128xf32, #tpu.memory_space<vmem_shared>> -> memref<128x128xf32, #tpu.memory_space<vmem_shared>>
      %dma_wait3A_30 = arith.constant 0 : i32
      %dma_wait3A_31 = tpu.memref_slice %arg9[%add3A_18, %dma_wait3A_30] : memref<10240x128xf32, #tpu.memory_space<vmem_shared>> -> memref<128x128xf32, #tpu.memory_space<vmem_shared>>
      tpu.wait_dma2 semaphore(%run_scoped3A : memref<!tpu.dma_semaphore, #tpu.memory_space<semaphore_mem>>) src(%arg8 : memref<128x128xf32, #tpu.memory_space<vmem>>) dst(%dma_wait3A_31 : memref<128x128xf32, #tpu.memory_space<vmem_shared>>)
      tpu.yield
    }) : () -> ()
    %barrier3A = arith.constant 0 : index
    tpu.barrier barrier_id(%barrier3A)
    %scan3A_19 = arith.constant 0 : i32
    %scan3A_20 = arith.constant 0 : i32
    %scan3A_21 = arith.constant 79 : i32
    %scan3A_22 = arith.addi %scan3A_20, %scan3A_21 : i32
    %scan3A_23 = arith.constant 1 : i32
    scf.for %scan3A_26 = %scan3A_20 to %scan3A_22 step %scan3A_23  : i32 {
      %dma_start3A = arith.constant 0 : i32
      %dma_start3A_27 = tpu.memref_slice %arg6[%scan3A_26, %dma_start3A] : memref<79x128xi32, #tpu.memory_space<vmem>> -> memref<1x128xi32, #tpu.memory_space<vmem>>
      %dma_start3A_28 = tpu.memref_squeeze %dma_start3A_27 : memref<1x128xi32, #tpu.memory_space<vmem>> -> memref<128xi32, #tpu.memory_space<vmem>>
      %dma_start3A_29 = arith.constant 0 : i32
      %dma_start3A_30 = arith.constant 0 : i32
      %dma_start3A_31 = tpu.memref_slice %arg2[%dma_start3A_29, %dma_start3A_30] : memref<10240x128xf32, #tpu.memory_space<hbm>> -> memref<10240x128xf32, #tpu.memory_space<hbm>>
      tpu.enqueue_indirect_dma source(%dma_start3A_31 : memref<10240x128xf32, #tpu.memory_space<hbm>>) target(%arg8 : memref<128x128xf32, #tpu.memory_space<vmem>>) offsets(%dma_start3A_28 : memref<128xi32, #tpu.memory_space<vmem>>) semaphore(%arg10 : memref<!tpu.dma_semaphore, #tpu.memory_space<semaphore_mem>>)
      %dma_wait3A = arith.constant 0 : i32
      %dma_wait3A_32 = tpu.memref_slice %arg6[%scan3A_26, %dma_wait3A] : memref<79x128xi32, #tpu.memory_space<vmem>> -> memref<1x128xi32, #tpu.memory_space<vmem>>
      %dma_wait3A_33 = tpu.memref_squeeze %dma_wait3A_32 : memref<1x128xi32, #tpu.memory_space<vmem>> -> memref<128xi32, #tpu.memory_space<vmem>>
      %dma_wait3A_34 = arith.constant 0 : i32
      %dma_wait3A_35 = arith.constant 0 : i32
      %dma_wait3A_36 = tpu.memref_slice %arg2[%dma_wait3A_34, %dma_wait3A_35] : memref<10240x128xf32, #tpu.memory_space<hbm>> -> memref<10240x128xf32, #tpu.memory_space<hbm>>
      tpu.wait_indirect_dma semaphore(%arg10 : memref<!tpu.dma_semaphore, #tpu.memory_space<semaphore_mem>>) src(%dma_wait3A_36 : memref<10240x128xf32, #tpu.memory_space<hbm>>) dst(%arg8 : memref<128x128xf32, #tpu.memory_space<vmem>>)
      "tpu.region"() ({
        %run_scoped3A = tpu.sem_alloc : memref<!tpu.dma_semaphore, #tpu.memory_space<semaphore_mem>>
        %dma_start3A_37 = arith.constant 0 : i32
        %dma_start3A_38 = tpu.memref_slice %arg7[%scan3A_26, %dma_start3A_37] : memref<79x128xi32, #tpu.memory_space<vmem>> -> memref<1x128xi32, #tpu.memory_space<vmem>>
        %dma_start3A_39 = tpu.memref_squeeze %dma_start3A_38 : memref<1x128xi32, #tpu.memory_space<vmem>> -> memref<128xi32, #tpu.memory_space<vmem>>
        %dma_start3A_40 = arith.constant 0 : i32
        %dma_start3A_41 = arith.constant 0 : i32
        %dma_start3A_42 = tpu.memref_slice %arg9[%dma_start3A_40, %dma_start3A_41] : memref<10240x128xf32, #tpu.memory_space<vmem_shared>> -> memref<10240x128xf32, #tpu.memory_space<vmem_shared>>
        tpu.enqueue_indirect_dma source(%arg8 : memref<128x128xf32, #tpu.memory_space<vmem>>) target(%dma_start3A_42 : memref<10240x128xf32, #tpu.memory_space<vmem_shared>>) offsets(%dma_start3A_39 : memref<128xi32, #tpu.memory_space<vmem>>) semaphore(%run_scoped3A : memref<!tpu.dma_semaphore, #tpu.memory_space<semaphore_mem>>) {add = true}
        %dma_wait3A_43 = arith.constant 0 : i32
        %dma_wait3A_44 = tpu.memref_slice %arg7[%scan3A_26, %dma_wait3A_43] : memref<79x128xi32, #tpu.memory_space<vmem>> -> memref<1x128xi32, #tpu.memory_space<vmem>>
        %dma_wait3A_45 = tpu.memref_squeeze %dma_wait3A_44 : memref<1x128xi32, #tpu.memory_space<vmem>> -> memref<128xi32, #tpu.memory_space<vmem>>
        %dma_wait3A_46 = arith.constant 0 : i32
        %dma_wait3A_47 = arith.constant 0 : i32
        %dma_wait3A_48 = tpu.memref_slice %arg9[%dma_wait3A_46, %dma_wait3A_47] : memref<10240x128xf32, #tpu.memory_space<vmem_shared>> -> memref<10240x128xf32, #tpu.memory_space<vmem_shared>>
        tpu.wait_indirect_dma semaphore(%run_scoped3A : memref<!tpu.dma_semaphore, #tpu.memory_space<semaphore_mem>>) src(%arg8 : memref<128x128xf32, #tpu.memory_space<vmem>>) dst(%dma_wait3A_48 : memref<10240x128xf32, #tpu.memory_space<vmem_shared>>)
        tpu.yield
      }) : () -> ()
    }
    %scan3A_24 = arith.constant 79 : i32
    %barrier3A_25 = arith.constant 0 : index
    tpu.barrier barrier_id(%barrier3A_25)
    "tpu.region"() ({
      %run_scoped3A = tpu.sem_alloc : memref<!tpu.dma_semaphore, #tpu.memory_space<semaphore_mem>>
      %dma_start3A = arith.constant 0 : i32
      %dma_start3A_26 = tpu.memref_slice %arg5[%arg0, %mul3A_8, %dma_start3A] : memref<2x10240x128xf32, #tpu.memory_space<hbm>> -> memref<1x640x128xf32, #tpu.memory_space<hbm>>
      %dma_start3A_27 = tpu.memref_squeeze %dma_start3A_26 : memref<1x640x128xf32, #tpu.memory_space<hbm>> -> memref<640x128xf32, #tpu.memory_space<hbm>>
      %dma_start3A_28 = arith.constant 0 : i32
      %dma_start3A_29 = tpu.memref_slice %arg9[%mul3A_8, %dma_start3A_28] : memref<10240x128xf32, #tpu.memory_space<vmem_shared>> -> memref<640x128xf32, #tpu.memory_space<vmem_shared>>
      tpu.enqueue_dma source(%dma_start3A_29 : memref<640x128xf32, #tpu.memory_space<vmem_shared>>) target(%dma_start3A_27 : memref<640x128xf32, #tpu.memory_space<hbm>>) target_semaphore(%run_scoped3A : memref<!tpu.dma_semaphore, #tpu.memory_space<semaphore_mem>>)
      %dma_wait3A = arith.constant 0 : i32
      %dma_wait3A_30 = tpu.memref_slice %arg5[%arg0, %mul3A_8, %dma_wait3A] : memref<2x10240x128xf32, #tpu.memory_space<hbm>> -> memref<1x640x128xf32, #tpu.memory_space<hbm>>
      %dma_wait3A_31 = tpu.memref_squeeze %dma_wait3A_30 : memref<1x640x128xf32, #tpu.memory_space<hbm>> -> memref<640x128xf32, #tpu.memory_space<hbm>>
      %dma_wait3A_32 = arith.constant 0 : i32
      %dma_wait3A_33 = tpu.memref_slice %arg9[%mul3A_8, %dma_wait3A_32] : memref<10240x128xf32, #tpu.memory_space<vmem_shared>> -> memref<640x128xf32, #tpu.memory_space<vmem_shared>>
      tpu.wait_dma2 semaphore(%run_scoped3A : memref<!tpu.dma_semaphore, #tpu.memory_space<semaphore_mem>>) src(%dma_wait3A_33 : memref<640x128xf32, #tpu.memory_space<vmem_shared>>) dst(%dma_wait3A_31 : memref<640x128xf32, #tpu.memory_space<hbm>>)
      tpu.yield
    }) : () -> ()
    return
  }
}

module attributes {stable_mosaic.version = 14 : i64} {
  func.func @body(%arg0: i32, %arg1: memref<512x128xf32, #tpu.memory_space<vmem>>, %arg2: memref<128x128xf32, #tpu.memory_space<vmem>>, %arg3: memref<128x1xf32, #tpu.memory_space<vmem>>, %arg4: memref<512x1xf32, #tpu.memory_space<vmem>>, %arg5: memref<512x128xf32, #tpu.memory_space<vmem>>) attributes {dimension_semantics = [#tpu.dimension_semantics<arbitrary>], iteration_bounds = array<i64: 20>, scalar_prefetch = 0 : i64, scratch_operands = 0 : i64, tpu.core_type = #tpu.core_type<tc>, window_params = [{transform_indices = @transform_0, window_bounds = array<i64: 512, 128>}, {pipeline_mode = #tpu.pipeline_mode<synchronous>, transform_indices = @transform_1, window_bounds = array<i64: 128, 128>}, {pipeline_mode = #tpu.pipeline_mode<synchronous>, transform_indices = @transform_2, window_bounds = array<i64: 128, 1>}, {transform_indices = @transform_3, window_bounds = array<i64: 512, 1>}, {transform_indices = @transform_4, window_bounds = array<i64: 512, 128>}]} {
    %get3A = arith.constant 0 : index
    %get3A_0 = arith.constant 0 : index
    %get3A_1 = vector.load %arg2[%get3A, %get3A_0] : memref<128x128xf32, #tpu.memory_space<vmem>>, vector<128x128xf32>
    %get3A_2 = arith.constant 0 : index
    %get3A_3 = arith.constant 0 : index
    %get3A_4 = vector.load %arg3[%get3A_2, %get3A_3] : memref<128x1xf32, #tpu.memory_space<vmem>>, vector<128x1xf32>
    %mul3A = vector.broadcast %get3A_4 : vector<128x1xf32> to vector<128x128xf32>
    %mul3A_5 = arith.mulf %get3A_1, %mul3A : vector<128x128xf32>
    %get3A_6 = arith.constant 0 : index
    %get3A_7 = arith.constant 0 : index
    %get3A_8 = vector.load %arg1[%get3A_6, %get3A_7] : memref<512x128xf32, #tpu.memory_space<vmem>>, vector<512x128xf32>
    %dot_general3A = arith.constant dense<0.000000e+00> : vector<512x128xf32>
    %dot_general3A_9 = tpu.matmul %get3A_8, %mul3A_5, %dot_general3A {dimension_numbers = #tpu.dot_dimension_numbers<[1], [0], [0], [1], [0, 0, 1, 1], [], []>, transpose_lhs_hint = false} : vector<512x128xf32>, vector<128x128xf32>, vector<512x128xf32> -> vector<512x128xf32>
    %get3A_10 = arith.constant 0 : index
    %get3A_11 = arith.constant 0 : index
    %get3A_12 = vector.load %arg4[%get3A_10, %get3A_11] : memref<512x1xf32, #tpu.memory_space<vmem>>, vector<512x1xf32>
    %max3A = arith.constant 1.000000e+00 : f32
    %max3A_13 = vector.broadcast %max3A : f32 to vector<512x1xf32>
    %max3A_14 = arith.maximumf %get3A_12, %max3A_13 : vector<512x1xf32>
    %rsqrt3A = math.rsqrt %max3A_14 : vector<512x1xf32>
    %mul3A_15 = vector.broadcast %rsqrt3A : vector<512x1xf32> to vector<512x128xf32>
    %mul3A_16 = arith.mulf %dot_general3A_9, %mul3A_15 : vector<512x128xf32>
    %swap3A = arith.constant 0 : index
    %swap3A_17 = arith.constant 0 : index
    %swap3A_18 = vector.load %arg5[%swap3A, %swap3A_17] : memref<512x128xf32, #tpu.memory_space<vmem>>, vector<512x128xf32>
    tpu.vector_store %arg5[%swap3A, %swap3A_17], %mul3A_16 {strides = array<i32>} : memref<512x128xf32, #tpu.memory_space<vmem>>, vector<512x128xf32>,
    return
  }
  func.func @transform_0(%arg0: i32) -> (i32, i32) {
    %c0_i32 = arith.constant 0 : i32
    %c0_i32_0 = arith.constant 0 : i32
    return %arg0, %c0_i32 : i32, i32
  }
  func.func @transform_1(%arg0: i32) -> (i32, i32) {
    %c0_i32 = arith.constant 0 : i32
    %c0_i32_0 = arith.constant 0 : i32
    %c0_i32_1 = arith.constant 0 : i32
    return %c0_i32, %c0_i32_0 : i32, i32
  }
  func.func @transform_2(%arg0: i32) -> (i32, i32) {
    %c0_i32 = arith.constant 0 : i32
    %c0_i32_0 = arith.constant 0 : i32
    %c0_i32_1 = arith.constant 0 : i32
    return %c0_i32, %c0_i32_0 : i32, i32
  }
  func.func @transform_3(%arg0: i32) -> (i32, i32) {
    %c0_i32 = arith.constant 0 : i32
    %c0_i32_0 = arith.constant 0 : i32
    return %arg0, %c0_i32 : i32, i32
  }
  func.func @transform_4(%arg0: i32) -> (i32, i32) {
    %c0_i32 = arith.constant 0 : i32
    %c0_i32_0 = arith.constant 0 : i32
    return %arg0, %c0_i32 : i32, i32
  }
}

module attributes {stable_mosaic.version = 14 : i64} {
  func.func @body(%arg0: i32, %arg1: memref<512x128xf32, #tpu.memory_space<vmem>>, %arg2: memref<512x128xf32, #tpu.memory_space<vmem>>, %arg3: memref<512x1xf32, #tpu.memory_space<vmem>>, %arg4: memref<512x1xf32, #tpu.memory_space<vmem>>, %arg5: memref<128x128xf32, #tpu.memory_space<vmem>>, %arg6: memref<1x128xf32, #tpu.memory_space<vmem>>, %arg7: memref<512x128xf32, #tpu.memory_space<vmem>>) attributes {dimension_semantics = [#tpu.dimension_semantics<arbitrary>], iteration_bounds = array<i64: 20>, scalar_prefetch = 0 : i64, scratch_operands = 0 : i64, tpu.core_type = #tpu.core_type<tc>, window_params = [{transform_indices = @transform_0, window_bounds = array<i64: 512, 128>}, {transform_indices = @transform_1, window_bounds = array<i64: 512, 128>}, {transform_indices = @transform_2, window_bounds = array<i64: 512, 1>}, {transform_indices = @transform_3, window_bounds = array<i64: 512, 1>}, {pipeline_mode = #tpu.pipeline_mode<synchronous>, transform_indices = @transform_4, window_bounds = array<i64: 128, 128>}, {pipeline_mode = #tpu.pipeline_mode<synchronous>, transform_indices = @transform_5, window_bounds = array<i64: 1, 128>}, {transform_indices = @transform_6, window_bounds = array<i64: 512, 128>}]} {
    %get3A = arith.constant 0 : index
    %get3A_0 = arith.constant 0 : index
    %get3A_1 = vector.load %arg3[%get3A, %get3A_0] : memref<512x1xf32, #tpu.memory_space<vmem>>, vector<512x1xf32>
    %max3A = arith.constant 1.000000e+00 : f32
    %max3A_2 = vector.broadcast %max3A : f32 to vector<512x1xf32>
    %max3A_3 = arith.maximumf %get3A_1, %max3A_2 : vector<512x1xf32>
    %rsqrt3A = math.rsqrt %max3A_3 : vector<512x1xf32>
    %get3A_4 = arith.constant 0 : index
    %get3A_5 = arith.constant 0 : index
    %get3A_6 = vector.load %arg1[%get3A_4, %get3A_5] : memref<512x128xf32, #tpu.memory_space<vmem>>, vector<512x128xf32>
    %get3A_7 = arith.constant 0 : index
    %get3A_8 = arith.constant 0 : index
    %get3A_9 = vector.load %arg2[%get3A_7, %get3A_8] : memref<512x128xf32, #tpu.memory_space<vmem>>, vector<512x128xf32>
    %add3A = arith.addf %get3A_6, %get3A_9 : vector<512x128xf32>
    %mul3A = vector.broadcast %rsqrt3A : vector<512x1xf32> to vector<512x128xf32>
    %mul3A_10 = arith.mulf %add3A, %mul3A : vector<512x128xf32>
    %get3A_11 = arith.constant 0 : index
    %get3A_12 = arith.constant 0 : index
    %get3A_13 = vector.load %arg6[%get3A_11, %get3A_12] : memref<1x128xf32, #tpu.memory_space<vmem>>, vector<1x128xf32>
    %add3A_14 = vector.broadcast %get3A_13 : vector<1x128xf32> to vector<512x128xf32>
    %add3A_15 = arith.addf %mul3A_10, %add3A_14 : vector<512x128xf32>
    %max3A_16 = arith.constant 0.000000e+00 : f32
    %max3A_17 = vector.broadcast %max3A_16 : f32 to vector<512x128xf32>
    %max3A_18 = arith.maximumf %add3A_15, %max3A_17 : vector<512x128xf32>
    %get3A_19 = arith.constant 0 : index
    %get3A_20 = arith.constant 0 : index
    %get3A_21 = vector.load %arg5[%get3A_19, %get3A_20] : memref<128x128xf32, #tpu.memory_space<vmem>>, vector<128x128xf32>
    %dot_general3A = arith.constant dense<0.000000e+00> : vector<512x128xf32>
    %dot_general3A_22 = tpu.matmul %max3A_18, %get3A_21, %dot_general3A {dimension_numbers = #tpu.dot_dimension_numbers<[1], [0], [0], [1], [0, 0, 1, 1], [], []>, transpose_lhs_hint = false} : vector<512x128xf32>, vector<128x128xf32>, vector<512x128xf32> -> vector<512x128xf32>
    %get3A_23 = arith.constant 0 : index
    %get3A_24 = arith.constant 0 : index
    %get3A_25 = vector.load %arg4[%get3A_23, %get3A_24] : memref<512x1xf32, #tpu.memory_space<vmem>>, vector<512x1xf32>
    %max3A_26 = arith.constant 1.000000e+00 : f32
    %max3A_27 = vector.broadcast %max3A_26 : f32 to vector<512x1xf32>
    %max3A_28 = arith.maximumf %get3A_25, %max3A_27 : vector<512x1xf32>
    %rsqrt3A_29 = math.rsqrt %max3A_28 : vector<512x1xf32>
    %mul3A_30 = vector.broadcast %rsqrt3A_29 : vector<512x1xf32> to vector<512x128xf32>
    %mul3A_31 = arith.mulf %dot_general3A_22, %mul3A_30 : vector<512x128xf32>
    %swap3A = arith.constant 0 : index
    %swap3A_32 = arith.constant 0 : index
    %swap3A_33 = vector.load %arg7[%swap3A, %swap3A_32] : memref<512x128xf32, #tpu.memory_space<vmem>>, vector<512x128xf32>
    tpu.vector_store %arg7[%swap3A, %swap3A_32], %mul3A_31 {strides = array<i32>} : memref<512x128xf32, #tpu.memory_space<vmem>>, vector<512x128xf32>,
    return
  }
  func.func @transform_0(%arg0: i32) -> (i32, i32) {
    %c0_i32 = arith.constant 0 : i32
    %c0_i32_0 = arith.constant 0 : i32
    return %arg0, %c0_i32 : i32, i32
  }
  func.func @transform_1(%arg0: i32) -> (i32, i32) {
    %c0_i32 = arith.constant 0 : i32
    %c0_i32_0 = arith.constant 0 : i32
    return %arg0, %c0_i32 : i32, i32
  }
  func.func @transform_2(%arg0: i32) -> (i32, i32) {
    %c0_i32 = arith.constant 0 : i32
    %c0_i32_0 = arith.constant 0 : i32
    return %arg0, %c0_i32 : i32, i32
  }
  func.func @transform_3(%arg0: i32) -> (i32, i32) {
    %c0_i32 = arith.constant 0 : i32
    %c0_i32_0 = arith.constant 0 : i32
    return %arg0, %c0_i32 : i32, i32
  }
  func.func @transform_4(%arg0: i32) -> (i32, i32) {
    %c0_i32 = arith.constant 0 : i32
    %c0_i32_0 = arith.constant 0 : i32
    %c0_i32_1 = arith.constant 0 : i32
    return %c0_i32, %c0_i32_0 : i32, i32
  }
  func.func @transform_5(%arg0: i32) -> (i32, i32) {
    %c0_i32 = arith.constant 0 : i32
    %c0_i32_0 = arith.constant 0 : i32
    %c0_i32_1 = arith.constant 0 : i32
    return %c0_i32, %c0_i32_0 : i32, i32
  }
  func.func @transform_6(%arg0: i32) -> (i32, i32) {
    %c0_i32 = arith.constant 0 : i32
    %c0_i32_0 = arith.constant 0 : i32
    return %arg0, %c0_i32 : i32, i32
  }
}

module attributes {stable_mosaic.version = 14 : i64} {
  func.func @body(%arg0: i32, %arg1: memref<512x128xf32, #tpu.memory_space<vmem>>, %arg2: memref<512x128xf32, #tpu.memory_space<vmem>>, %arg3: memref<512x1xf32, #tpu.memory_space<vmem>>, %arg4: memref<1x128xf32, #tpu.memory_space<vmem>>, %arg5: memref<128x128xf32, #tpu.memory_space<vmem>>, %arg6: memref<1x128xf32, #tpu.memory_space<vmem>>, %arg7: memref<128x128xf32, #tpu.memory_space<vmem>>, %arg8: memref<1x128xf32, #tpu.memory_space<vmem>>, %arg9: memref<512x128xf32, #tpu.memory_space<vmem>>) attributes {dimension_semantics = [#tpu.dimension_semantics<arbitrary>], iteration_bounds = array<i64: 20>, scalar_prefetch = 0 : i64, scratch_operands = 0 : i64, tpu.core_type = #tpu.core_type<tc>, window_params = [{transform_indices = @transform_0, window_bounds = array<i64: 512, 128>}, {transform_indices = @transform_1, window_bounds = array<i64: 512, 128>}, {transform_indices = @transform_2, window_bounds = array<i64: 512, 1>}, {pipeline_mode = #tpu.pipeline_mode<synchronous>, transform_indices = @transform_3, window_bounds = array<i64: 1, 128>}, {pipeline_mode = #tpu.pipeline_mode<synchronous>, transform_indices = @transform_4, window_bounds = array<i64: 128, 128>}, {pipeline_mode = #tpu.pipeline_mode<synchronous>, transform_indices = @transform_5, window_bounds = array<i64: 1, 128>}, {pipeline_mode = #tpu.pipeline_mode<synchronous>, transform_indices = @transform_6, window_bounds = array<i64: 128, 128>}, {pipeline_mode = #tpu.pipeline_mode<synchronous>, transform_indices = @transform_7, window_bounds = array<i64: 1, 128>}, {transform_indices = @transform_8, window_bounds = array<i64: 512, 128>}]} {
    %get3A = arith.constant 0 : index
    %get3A_0 = arith.constant 0 : index
    %get3A_1 = vector.load %arg3[%get3A, %get3A_0] : memref<512x1xf32, #tpu.memory_space<vmem>>, vector<512x1xf32>
    %max3A = arith.constant 1.000000e+00 : f32
    %max3A_2 = vector.broadcast %max3A : f32 to vector<512x1xf32>
    %max3A_3 = arith.maximumf %get3A_1, %max3A_2 : vector<512x1xf32>
    %rsqrt3A = math.rsqrt %max3A_3 : vector<512x1xf32>
    %get3A_4 = arith.constant 0 : index
    %get3A_5 = arith.constant 0 : index
    %get3A_6 = vector.load %arg1[%get3A_4, %get3A_5] : memref<512x128xf32, #tpu.memory_space<vmem>>, vector<512x128xf32>
    %get3A_7 = arith.constant 0 : index
    %get3A_8 = arith.constant 0 : index
    %get3A_9 = vector.load %arg2[%get3A_7, %get3A_8] : memref<512x128xf32, #tpu.memory_space<vmem>>, vector<512x128xf32>
    %add3A = arith.addf %get3A_6, %get3A_9 : vector<512x128xf32>
    %mul3A = vector.broadcast %rsqrt3A : vector<512x1xf32> to vector<512x128xf32>
    %mul3A_10 = arith.mulf %add3A, %mul3A : vector<512x128xf32>
    %get3A_11 = arith.constant 0 : index
    %get3A_12 = arith.constant 0 : index
    %get3A_13 = vector.load %arg4[%get3A_11, %get3A_12] : memref<1x128xf32, #tpu.memory_space<vmem>>, vector<1x128xf32>
    %add3A_14 = vector.broadcast %get3A_13 : vector<1x128xf32> to vector<512x128xf32>
    %add3A_15 = arith.addf %mul3A_10, %add3A_14 : vector<512x128xf32>
    %get3A_16 = arith.constant 0 : index
    %get3A_17 = arith.constant 0 : index
    %get3A_18 = vector.load %arg5[%get3A_16, %get3A_17] : memref<128x128xf32, #tpu.memory_space<vmem>>, vector<128x128xf32>
    %dot_general3A = arith.constant dense<0.000000e+00> : vector<512x128xf32>
    %dot_general3A_19 = tpu.matmul %add3A_15, %get3A_18, %dot_general3A {dimension_numbers = #tpu.dot_dimension_numbers<[1], [0], [0], [1], [0, 0, 1, 1], [], []>, transpose_lhs_hint = false} : vector<512x128xf32>, vector<128x128xf32>, vector<512x128xf32> -> vector<512x128xf32>
    %get3A_20 = arith.constant 0 : index
    %get3A_21 = arith.constant 0 : index
    %get3A_22 = vector.load %arg6[%get3A_20, %get3A_21] : memref<1x128xf32, #tpu.memory_space<vmem>>, vector<1x128xf32>
    %add3A_23 = vector.broadcast %get3A_22 : vector<1x128xf32> to vector<512x128xf32>
    %add3A_24 = arith.addf %dot_general3A_19, %add3A_23 : vector<512x128xf32>
    %gt3A = arith.constant 0.000000e+00 : f32
    %gt3A_25 = vector.broadcast %gt3A : f32 to vector<512x128xf32>
    %gt3A_26 = arith.cmpf ogt, %add3A_24, %gt3A_25 : vector<512x128xf32>
    %exp3A = math.exp %add3A_24 : vector<512x128xf32>
    %sub3A = arith.constant 1.000000e+00 : f32
    %sub3A_27 = vector.broadcast %sub3A : f32 to vector<512x128xf32>
    %sub3A_28 = arith.subf %exp3A, %sub3A_27 : vector<512x128xf32>
    %select_n3A = arith.select %gt3A_26, %add3A_24, %sub3A_28 : vector<512x128xi1>, vector<512x128xf32>
    %get3A_29 = arith.constant 0 : index
    %get3A_30 = arith.constant 0 : index
    %get3A_31 = vector.load %arg7[%get3A_29, %get3A_30] : memref<128x128xf32, #tpu.memory_space<vmem>>, vector<128x128xf32>
    %dot_general3A_32 = arith.constant dense<0.000000e+00> : vector<512x128xf32>
    %dot_general3A_33 = tpu.matmul %select_n3A, %get3A_31, %dot_general3A_32 {dimension_numbers = #tpu.dot_dimension_numbers<[1], [0], [0], [1], [0, 0, 1, 1], [], []>, transpose_lhs_hint = false} : vector<512x128xf32>, vector<128x128xf32>, vector<512x128xf32> -> vector<512x128xf32>
    %get3A_34 = arith.constant 0 : index
    %get3A_35 = arith.constant 0 : index
    %get3A_36 = vector.load %arg8[%get3A_34, %get3A_35] : memref<1x128xf32, #tpu.memory_space<vmem>>, vector<1x128xf32>
    %add3A_37 = vector.broadcast %get3A_36 : vector<1x128xf32> to vector<512x128xf32>
    %add3A_38 = arith.addf %dot_general3A_33, %add3A_37 : vector<512x128xf32>
    %mul3A_39 = arith.mulf %add3A_38, %add3A_38 : vector<512x128xf32>
    %reduce_sum3A = arith.constant dense<0.000000e+00> : vector<512xf32>
    %reduce_sum3A_40 = vector.multi_reduction <add>, %mul3A_39, %reduce_sum3A [1] : vector<512x128xf32> to vector<512xf32>
    %broadcast_in_dim3A = vector.shape_cast %reduce_sum3A_40 : vector<512xf32> to vector<512x1xf32>
    %sqrt3A = math.sqrt %broadcast_in_dim3A : vector<512x1xf32>
    %add3A_41 = arith.constant 9.99999993E-9 : f32
    %add3A_42 = vector.broadcast %add3A_41 : f32 to vector<512x1xf32>
    %add3A_43 = arith.addf %sqrt3A, %add3A_42 : vector<512x1xf32>
    %div3A = vector.broadcast %add3A_43 : vector<512x1xf32> to vector<512x128xf32>
    %div3A_44 = arith.divf %add3A_38, %div3A : vector<512x128xf32>
    %swap3A = arith.constant 0 : index
    %swap3A_45 = arith.constant 0 : index
    %swap3A_46 = vector.load %arg9[%swap3A, %swap3A_45] : memref<512x128xf32, #tpu.memory_space<vmem>>, vector<512x128xf32>
    tpu.vector_store %arg9[%swap3A, %swap3A_45], %div3A_44 {strides = array<i32>} : memref<512x128xf32, #tpu.memory_space<vmem>>, vector<512x128xf32>,
    return
  }
  func.func @transform_0(%arg0: i32) -> (i32, i32) {
    %c0_i32 = arith.constant 0 : i32
    %c0_i32_0 = arith.constant 0 : i32
    return %arg0, %c0_i32 : i32, i32
  }
  func.func @transform_1(%arg0: i32) -> (i32, i32) {
    %c0_i32 = arith.constant 0 : i32
    %c0_i32_0 = arith.constant 0 : i32
    return %arg0, %c0_i32 : i32, i32
  }
  func.func @transform_2(%arg0: i32) -> (i32, i32) {
    %c0_i32 = arith.constant 0 : i32
    %c0_i32_0 = arith.constant 0 : i32
    return %arg0, %c0_i32 : i32, i32
  }
  func.func @transform_3(%arg0: i32) -> (i32, i32) {
    %c0_i32 = arith.constant 0 : i32
    %c0_i32_0 = arith.constant 0 : i32
    %c0_i32_1 = arith.constant 0 : i32
    return %c0_i32, %c0_i32_0 : i32, i32
  }
  func.func @transform_4(%arg0: i32) -> (i32, i32) {
    %c0_i32 = arith.constant 0 : i32
    %c0_i32_0 = arith.constant 0 : i32
    %c0_i32_1 = arith.constant 0 : i32
    return %c0_i32, %c0_i32_0 : i32, i32
  }
  func.func @transform_5(%arg0: i32) -> (i32, i32) {
    %c0_i32 = arith.constant 0 : i32
    %c0_i32_0 = arith.constant 0 : i32
    %c0_i32_1 = arith.constant 0 : i32
    return %c0_i32, %c0_i32_0 : i32, i32
  }
  func.func @transform_6(%arg0: i32) -> (i32, i32) {
    %c0_i32 = arith.constant 0 : i32
    %c0_i32_0 = arith.constant 0 : i32
    %c0_i32_1 = arith.constant 0 : i32
    return %c0_i32, %c0_i32_0 : i32, i32
  }
  func.func @transform_7(%arg0: i32) -> (i32, i32) {
    %c0_i32 = arith.constant 0 : i32
    %c0_i32_0 = arith.constant 0 : i32
    %c0_i32_1 = arith.constant 0 : i32
    return %c0_i32, %c0_i32_0 : i32, i32
  }
  func.func @transform_8(%arg0: i32) -> (i32, i32) {
    %c0_i32 = arith.constant 0 : i32
    %c0_i32_0 = arith.constant 0 : i32
    return %arg0, %c0_i32 : i32, i32
  }
}

module attributes {stable_mosaic.version = 14 : i64} {
  func.func @body(%arg0: i32, %arg1: i32, %arg2: memref<400x128xf32, #tpu.memory_space<vmem>>, %arg3: memref<400x128xf32, #tpu.memory_space<vmem>>, %arg4: memref<400x128xf32, #tpu.memory_space<vmem>>, %arg5: memref<400x128xf32, #tpu.memory_space<vmem>>, %arg6: memref<400x8xf32, #tpu.memory_space<vmem>>) attributes {dimension_semantics = [#tpu.dimension_semantics<arbitrary>, #tpu.dimension_semantics<arbitrary>], iteration_bounds = array<i64: 25, 25>, scalar_prefetch = 0 : i64, scratch_operands = 0 : i64, tpu.core_type = #tpu.core_type<tc>, window_params = [{transform_indices = @transform_0, window_bounds = array<i64: 400, 128>}, {transform_indices = @transform_1, window_bounds = array<i64: 400, 128>}, {transform_indices = @transform_2, window_bounds = array<i64: 400, 128>}, {transform_indices = @transform_3, window_bounds = array<i64: 400, 128>}, {transform_indices = @transform_4, window_bounds = array<i64: 400, 8>}]} {
    %eq3A = arith.constant 0 : i32
    %eq3A_0 = arith.cmpi eq, %arg1, %eq3A : i32
    %convert_element_type3A = arith.extui %eq3A_0 : i1 to i32
    %cond3A = arith.constant 0 : i32
    %cond3A_1 = arith.cmpi ne, %convert_element_type3A, %cond3A : i32
    scf.if %cond3A_1 {
      %broadcast_in_dim3A_51 = arith.constant 0.000000e+00 : f32
      %broadcast_in_dim3A_52 = vector.broadcast %broadcast_in_dim3A_51 : f32 to vector<400x8xf32>
      %swap3A_53 = arith.constant 0 : index
      %swap3A_54 = arith.constant 0 : index
      %swap3A_55 = vector.load %arg6[%swap3A_53, %swap3A_54] : memref<400x8xf32, #tpu.memory_space<vmem>>, vector<400x8xf32>
      tpu.vector_store %arg6[%swap3A_53, %swap3A_54], %broadcast_in_dim3A_52 {strides = array<i32>} : memref<400x8xf32, #tpu.memory_space<vmem>>, vector<400x8xf32>,
    } else {
    }
    %get3A = arith.constant 0 : index
    %get3A_2 = arith.constant 0 : index
    %get3A_3 = vector.load %arg2[%get3A, %get3A_2] : memref<400x128xf32, #tpu.memory_space<vmem>>, vector<400x128xf32>
    %get3A_4 = arith.constant 0 : index
    %get3A_5 = arith.constant 0 : index
    %get3A_6 = vector.load %arg3[%get3A_4, %get3A_5] : memref<400x128xf32, #tpu.memory_space<vmem>>, vector<400x128xf32>
    %get3A_7 = arith.constant 0 : index
    %get3A_8 = arith.constant 0 : index
    %get3A_9 = vector.load %arg4[%get3A_7, %get3A_8] : memref<400x128xf32, #tpu.memory_space<vmem>>, vector<400x128xf32>
    %get3A_10 = arith.constant 0 : index
    %get3A_11 = arith.constant 0 : index
    %get3A_12 = vector.load %arg5[%get3A_10, %get3A_11] : memref<400x128xf32, #tpu.memory_space<vmem>>, vector<400x128xf32>
    %dot_general3A = arith.constant dense<0.000000e+00> : vector<400x400xf32>
    %dot_general3A_13 = tpu.matmul %get3A_3, %get3A_9, %dot_general3A {dimension_numbers = #tpu.dot_dimension_numbers<[1], [1], [0], [0], [0, 0, 1, 0], [], []>, transpose_lhs_hint = false} : vector<400x128xf32>, vector<400x128xf32>, vector<400x400xf32> -> vector<400x400xf32>
    %mul3A = arith.constant 2.000000e+00 : f32
    %mul3A_14 = vector.broadcast %mul3A : f32 to vector<400x400xf32>
    %mul3A_15 = arith.mulf %mul3A_14, %dot_general3A_13 : vector<400x400xf32>
    %exp3A = math.exp %mul3A_15 : vector<400x400xf32>
    %reduce_sum3A = arith.constant dense<0.000000e+00> : vector<400xf32>
    %reduce_sum3A_16 = vector.multi_reduction <add>, %exp3A, %reduce_sum3A [1] : vector<400x400xf32> to vector<400xf32>
    %broadcast_in_dim3A = vector.shape_cast %reduce_sum3A_16 : vector<400xf32> to vector<400x1xf32>
    %dot_general3A_17 = arith.constant dense<0.000000e+00> : vector<400x400xf32>
    %dot_general3A_18 = tpu.matmul %get3A_6, %get3A_12, %dot_general3A_17 {dimension_numbers = #tpu.dot_dimension_numbers<[1], [1], [0], [0], [0, 0, 1, 0], [], []>, transpose_lhs_hint = false} : vector<400x128xf32>, vector<400x128xf32>, vector<400x400xf32> -> vector<400x400xf32>
    %mul3A_19 = arith.constant 2.000000e+00 : f32
    %mul3A_20 = vector.broadcast %mul3A_19 : f32 to vector<400x400xf32>
    %mul3A_21 = arith.mulf %mul3A_20, %dot_general3A_18 : vector<400x400xf32>
    %exp3A_22 = math.exp %mul3A_21 : vector<400x400xf32>
    %reduce_sum3A_23 = arith.constant dense<0.000000e+00> : vector<400xf32>
    %reduce_sum3A_24 = vector.multi_reduction <add>, %exp3A_22, %reduce_sum3A_23 [1] : vector<400x400xf32> to vector<400xf32>
    %broadcast_in_dim3A_25 = vector.shape_cast %reduce_sum3A_24 : vector<400xf32> to vector<400x1xf32>
    %dot_general3A_26 = arith.constant dense<0.000000e+00> : vector<400x400xf32>
    %dot_general3A_27 = tpu.matmul %get3A_3, %get3A_12, %dot_general3A_26 {dimension_numbers = #tpu.dot_dimension_numbers<[1], [1], [0], [0], [0, 0, 1, 0], [], []>, transpose_lhs_hint = false} : vector<400x128xf32>, vector<400x128xf32>, vector<400x400xf32> -> vector<400x400xf32>
    %mul3A_28 = arith.constant 2.000000e+00 : f32
    %mul3A_29 = vector.broadcast %mul3A_28 : f32 to vector<400x400xf32>
    %mul3A_30 = arith.mulf %mul3A_29, %dot_general3A_27 : vector<400x400xf32>
    %exp3A_31 = math.exp %mul3A_30 : vector<400x400xf32>
    %reduce_sum3A_32 = arith.constant dense<0.000000e+00> : vector<400xf32>
    %reduce_sum3A_33 = vector.multi_reduction <add>, %exp3A_31, %reduce_sum3A_32 [1] : vector<400x400xf32> to vector<400xf32>
    %broadcast_in_dim3A_34 = vector.shape_cast %reduce_sum3A_33 : vector<400xf32> to vector<400x1xf32>
    %dot_general3A_35 = arith.constant dense<0.000000e+00> : vector<400x400xf32>
    %dot_general3A_36 = tpu.matmul %get3A_6, %get3A_9, %dot_general3A_35 {dimension_numbers = #tpu.dot_dimension_numbers<[1], [1], [0], [0], [0, 0, 1, 0], [], []>, transpose_lhs_hint = false} : vector<400x128xf32>, vector<400x128xf32>, vector<400x400xf32> -> vector<400x400xf32>
    %mul3A_37 = arith.constant 2.000000e+00 : f32
    %mul3A_38 = vector.broadcast %mul3A_37 : f32 to vector<400x400xf32>
    %mul3A_39 = arith.mulf %mul3A_38, %dot_general3A_36 : vector<400x400xf32>
    %exp3A_40 = math.exp %mul3A_39 : vector<400x400xf32>
    %reduce_sum3A_41 = arith.constant dense<0.000000e+00> : vector<400xf32>
    %reduce_sum3A_42 = vector.multi_reduction <add>, %exp3A_40, %reduce_sum3A_41 [1] : vector<400x400xf32> to vector<400xf32>
    %broadcast_in_dim3A_43 = vector.shape_cast %reduce_sum3A_42 : vector<400xf32> to vector<400x1xf32>
    %broadcast_in_dim3A_44 = arith.constant 0.000000e+00 : f32
    %broadcast_in_dim3A_45 = vector.broadcast %broadcast_in_dim3A_44 : f32 to vector<400x4xf32>
    %concatenate3A = tpu.concatenate %broadcast_in_dim3A, %broadcast_in_dim3A_25, %broadcast_in_dim3A_34, %broadcast_in_dim3A_43, %broadcast_in_dim3A_45 in 1 : vector<400x1xf32>, vector<400x1xf32>, vector<400x1xf32>, vector<400x1xf32>, vector<400x4xf32> -> vector<400x8xf32>
    %get3A_46 = arith.constant 0 : index
    %get3A_47 = arith.constant 0 : index
    %get3A_48 = vector.load %arg6[%get3A_46, %get3A_47] : memref<400x8xf32, #tpu.memory_space<vmem>>, vector<400x8xf32>
    %add3A = arith.addf %get3A_48, %concatenate3A : vector<400x8xf32>
    %swap3A = arith.constant 0 : index
    %swap3A_49 = arith.constant 0 : index
    %swap3A_50 = vector.load %arg6[%swap3A, %swap3A_49] : memref<400x8xf32, #tpu.memory_space<vmem>>, vector<400x8xf32>
    tpu.vector_store %arg6[%swap3A, %swap3A_49], %add3A {strides = array<i32>} : memref<400x8xf32, #tpu.memory_space<vmem>>, vector<400x8xf32>,
    return
  }
  func.func @transform_0(%arg0: i32, %arg1: i32) -> (i32, i32) {
    %c0_i32 = arith.constant 0 : i32
    %c0_i32_0 = arith.constant 0 : i32
    return %arg0, %c0_i32 : i32, i32
  }
  func.func @transform_1(%arg0: i32, %arg1: i32) -> (i32, i32) {
    %c0_i32 = arith.constant 0 : i32
    %c0_i32_0 = arith.constant 0 : i32
    return %arg0, %c0_i32 : i32, i32
  }
  func.func @transform_2(%arg0: i32, %arg1: i32) -> (i32, i32) {
    %c0_i32 = arith.constant 0 : i32
    %c0_i32_0 = arith.constant 0 : i32
    return %arg1, %c0_i32 : i32, i32
  }
  func.func @transform_3(%arg0: i32, %arg1: i32) -> (i32, i32) {
    %c0_i32 = arith.constant 0 : i32
    %c0_i32_0 = arith.constant 0 : i32
    return %arg1, %c0_i32 : i32, i32
  }
  func.func @transform_4(%arg0: i32, %arg1: i32) -> (i32, i32) {
    %c0_i32 = arith.constant 0 : i32
    %c0_i32_0 = arith.constant 0 : i32
    return %arg0, %c0_i32 : i32, i32
  }
}

module attributes {stable_mosaic.version = 14 : i64} {
  func.func @body(%arg0: i32, %arg1: memref<400x128xf32, #tpu.memory_space<vmem>>, %arg2: memref<400x128xf32, #tpu.memory_space<vmem>>, %arg3: memref<400x8xf32, #tpu.memory_space<vmem>>, %arg4: memref<1x1xf32, #tpu.memory_space<vmem>>) attributes {dimension_semantics = [#tpu.dimension_semantics<arbitrary>], iteration_bounds = array<i64: 25>, scalar_prefetch = 0 : i64, scratch_operands = 0 : i64, tpu.core_type = #tpu.core_type<tc>, window_params = [{transform_indices = @transform_0, window_bounds = array<i64: 400, 128>}, {transform_indices = @transform_1, window_bounds = array<i64: 400, 128>}, {transform_indices = @transform_2, window_bounds = array<i64: 400, 8>}, {pipeline_mode = #tpu.pipeline_mode<synchronous>, transform_indices = @transform_3, window_bounds = array<i64: 1, 1>}]} {
    %eq3A = arith.constant 0 : i32
    %eq3A_0 = arith.cmpi eq, %arg0, %eq3A : i32
    %convert_element_type3A = arith.extui %eq3A_0 : i1 to i32
    %cond3A = arith.constant 0 : i32
    %cond3A_1 = arith.cmpi ne, %convert_element_type3A, %cond3A : i32
    scf.if %cond3A_1 {
      %broadcast_in_dim3A = arith.constant 0.000000e+00 : f32
      %broadcast_in_dim3A_52 = vector.broadcast %broadcast_in_dim3A : f32 to vector<1x1xf32>
      %swap3A_53 = arith.constant 0 : index
      %swap3A_54 = arith.constant 0 : index
      %swap3A_55 = vector.load %arg4[%swap3A_53, %swap3A_54] : memref<1x1xf32, #tpu.memory_space<vmem>>, vector<1x1xf32>
      tpu.vector_store %arg4[%swap3A_53, %swap3A_54], %broadcast_in_dim3A_52 {strides = array<i32>} : memref<1x1xf32, #tpu.memory_space<vmem>>, vector<1x1xf32>,
    } else {
    }
    %get3A = arith.constant 0 : index
    %get3A_2 = arith.constant 0 : index
    %get3A_3 = vector.load %arg1[%get3A, %get3A_2] : memref<400x128xf32, #tpu.memory_space<vmem>>, vector<400x128xf32>
    %get3A_4 = arith.constant 0 : index
    %get3A_5 = arith.constant 0 : index
    %get3A_6 = vector.load %arg2[%get3A_4, %get3A_5] : memref<400x128xf32, #tpu.memory_space<vmem>>, vector<400x128xf32>
    %get3A_7 = arith.constant 0 : index
    %get3A_8 = arith.constant 0 : index
    %get3A_9 = vector.load %arg3[%get3A_7, %get3A_8] : memref<400x8xf32, #tpu.memory_space<vmem>>, vector<400x8xf32>
    %mul3A = arith.mulf %get3A_3, %get3A_3 : vector<400x128xf32>
    %reduce_sum3A = arith.constant dense<0.000000e+00> : vector<400xf32>
    %reduce_sum3A_10 = vector.multi_reduction <add>, %mul3A, %reduce_sum3A [1] : vector<400x128xf32> to vector<400xf32>
    %mul3A_11 = arith.mulf %get3A_6, %get3A_6 : vector<400x128xf32>
    %reduce_sum3A_12 = arith.constant dense<0.000000e+00> : vector<400xf32>
    %reduce_sum3A_13 = vector.multi_reduction <add>, %mul3A_11, %reduce_sum3A_12 [1] : vector<400x128xf32> to vector<400xf32>
    %mul3A_14 = arith.mulf %get3A_3, %get3A_6 : vector<400x128xf32>
    %reduce_sum3A_15 = arith.constant dense<0.000000e+00> : vector<400xf32>
    %reduce_sum3A_16 = vector.multi_reduction <add>, %mul3A_14, %reduce_sum3A_15 [1] : vector<400x128xf32> to vector<400xf32>
    %slice3A = vector.extract_strided_slice %get3A_9 {offsets = [0, 0], sizes = [400, 1], strides = [1, 1]} : vector<400x8xf32> to vector<400x1xf32>
    %squeeze3A = vector.shape_cast %slice3A : vector<400x1xf32> to vector<400xf32>
    %mul3A_17 = arith.constant 2.000000e+00 : f32
    %mul3A_18 = vector.broadcast %mul3A_17 : f32 to vector<400xf32>
    %mul3A_19 = arith.mulf %mul3A_18, %reduce_sum3A_10 : vector<400xf32>
    %exp3A = math.exp %mul3A_19 : vector<400xf32>
    %sub3A = arith.subf %squeeze3A, %exp3A : vector<400xf32>
    %slice3A_20 = vector.extract_strided_slice %get3A_9 {offsets = [0, 2], sizes = [400, 1], strides = [1, 1]} : vector<400x8xf32> to vector<400x1xf32>
    %squeeze3A_21 = vector.shape_cast %slice3A_20 : vector<400x1xf32> to vector<400xf32>
    %add3A = arith.addf %sub3A, %squeeze3A_21 : vector<400xf32>
    %slice3A_22 = vector.extract_strided_slice %get3A_9 {offsets = [0, 1], sizes = [400, 1], strides = [1, 1]} : vector<400x8xf32> to vector<400x1xf32>
    %squeeze3A_23 = vector.shape_cast %slice3A_22 : vector<400x1xf32> to vector<400xf32>
    %mul3A_24 = arith.constant 2.000000e+00 : f32
    %mul3A_25 = vector.broadcast %mul3A_24 : f32 to vector<400xf32>
    %mul3A_26 = arith.mulf %mul3A_25, %reduce_sum3A_13 : vector<400xf32>
    %exp3A_27 = math.exp %mul3A_26 : vector<400xf32>
    %sub3A_28 = arith.subf %squeeze3A_23, %exp3A_27 : vector<400xf32>
    %slice3A_29 = vector.extract_strided_slice %get3A_9 {offsets = [0, 3], sizes = [400, 1], strides = [1, 1]} : vector<400x8xf32> to vector<400x1xf32>
    %squeeze3A_30 = vector.shape_cast %slice3A_29 : vector<400x1xf32> to vector<400xf32>
    %add3A_31 = arith.addf %sub3A_28, %squeeze3A_30 : vector<400xf32>
    %log3A = math.log %add3A : vector<400xf32>
    %log3A_32 = math.log %add3A_31 : vector<400xf32>
    %add3A_33 = arith.addf %log3A, %log3A_32 : vector<400xf32>
    %mul3A_34 = arith.constant 4.000000e+00 : f32
    %mul3A_35 = vector.broadcast %mul3A_34 : f32 to vector<400xf32>
    %mul3A_36 = arith.mulf %mul3A_35, %reduce_sum3A_16 : vector<400xf32>
    %sub3A_37 = arith.subf %add3A_33, %mul3A_36 : vector<400xf32>
    %get3A_38 = arith.constant 0 : index
    %get3A_39 = arith.constant 0 : index
    %get3A_40 = vector.load %arg4[%get3A_38, %get3A_39] : memref<1x1xf32, #tpu.memory_space<vmem>>, vector<1x1xf32>
    %reduce_sum3A_41 = vector.shape_cast %sub3A_37 : vector<400xf32> to vector<1x400xf32>
    %reduce_sum3A_42 = arith.constant dense<0.000000e+00> : vector<1xf32>
    %reduce_sum3A_43 = vector.multi_reduction <add>, %reduce_sum3A_41, %reduce_sum3A_42 [1] : vector<1x400xf32> to vector<1xf32>
    %reduce_sum3A_44 = vector.shape_cast %reduce_sum3A_43 : vector<1xf32> to vector<1x1xf32>
    %reduce_sum3A_45 = vector.extract %reduce_sum3A_44[0, 0] : f32 from vector<1x1xf32>
    %reshape3A = vector.broadcast %reduce_sum3A_45 : f32 to vector<1x1xf32>
    %mul3A_46 = arith.constant 5.000000e-05 : f32
    %mul3A_47 = vector.broadcast %mul3A_46 : f32 to vector<1x1xf32>
    %mul3A_48 = arith.mulf %reshape3A, %mul3A_47 : vector<1x1xf32>
    %add3A_49 = arith.addf %get3A_40, %mul3A_48 : vector<1x1xf32>
    %swap3A = arith.constant 0 : index
    %swap3A_50 = arith.constant 0 : index
    %swap3A_51 = vector.load %arg4[%swap3A, %swap3A_50] : memref<1x1xf32, #tpu.memory_space<vmem>>, vector<1x1xf32>
    tpu.vector_store %arg4[%swap3A, %swap3A_50], %add3A_49 {strides = array<i32>} : memref<1x1xf32, #tpu.memory_space<vmem>>, vector<1x1xf32>,
    return
  }
  func.func @transform_0(%arg0: i32) -> (i32, i32) {
    %c0_i32 = arith.constant 0 : i32
    %c0_i32_0 = arith.constant 0 : i32
    return %arg0, %c0_i32 : i32, i32
  }
  func.func @transform_1(%arg0: i32) -> (i32, i32) {
    %c0_i32 = arith.constant 0 : i32
    %c0_i32_0 = arith.constant 0 : i32
    return %arg0, %c0_i32 : i32, i32
  }
  func.func @transform_2(%arg0: i32) -> (i32, i32) {
    %c0_i32 = arith.constant 0 : i32
    %c0_i32_0 = arith.constant 0 : i32
    return %arg0, %c0_i32 : i32, i32
  }
  func.func @transform_3(%arg0: i32) -> (i32, i32) {
    %c0_i32 = arith.constant 0 : i32
    %c0_i32_0 = arith.constant 0 : i32
    %c0_i32_1 = arith.constant 0 : i32
    return %c0_i32, %c0_i32_0 : i32, i32
  }
}

</mosaic_0001>

<sc_bundles>
// kernel: kernel.17.cloned.1.call-start
scs
__scs_entry_jumppad:
0x0: {  	(pc) =	sbr.rel $0x88, $3  }
0x1: {  	(tag) =	ssettag $0x0;
	lr =	simm.s32 $0x1  }
0x2: {  	[smem:$0x3F97] =	sst lr;
	_ =	strace $0xD0000000  }
0x3: {  	_ = 	snop  }
0x4: {  	_ = 	snop  }
0x5: {  	_ = 	snop  }
0x6: {  	_ = 	snop  }
0x7: {  	_ = 	snop  }
__scs_overlays_trampoline_lowered:
0x8: {  	[smem:$0x3FA6] =	sst s0  }
0x9: {  	[smem:$0x3FA7] =	sst s1  }
0xa: {  	[smem:$0x3FA8] =	sst s2  }
0xb: {  	[smem:$0x3FA9] =	sst s3  }
0xc: {  	[smem:$0x3FAA] =	sst s4  }
0xd: {  	[smem:$0x3FAB] =	sst s5  }
0xe: {  	[smem:$0x3FAC] =	sst s6  }
0xf: {  	[smem:$0x3FAD] =	sst s7  }
0x10: {  	[smem:$0x3FAE] =	sst s8  }
0x11: {  	[smem:$0x3FAF] =	sst s9;
	s0 =	simm.s32 @!p0 $0x0  }
0x12: {  	s1 =	sld [smem:$0x3F95];
	s0 =	simm.s32 @p0 $0x1  }
0x13: {  	[smem:$0x3FB0] =	sst s0;
	s0 =	simm.s32 @!p1 $0x0  }
0x14: {  	s2 =	sld [smem:$0x3F94];
	s0 =	simm.s32 @p1 $0x1  }
0x15: {  	[smem:$0x3FB1] =	sst s0;
	s0 =	simm.s32 @!p2 $0x0  }
0x16: {  	s3 =	sld [smem:$0x3FDB];
	s0 =	simm.s32 @p2 $0x1  }
0x17: {  	s4 =	simm.s32 $0x1BF5;
	[smem:$0x3FB3] =	sst s0  }
0x18: {  	s0 =	sld [smem:$0x3F96];
	_ =	swait.ge [sflag:s4], $0x0  }
0x19: {  	s7 =	sld [smem:$0x3F97]  }
0x1a: {  	s8 =	sadd.s32 $0xFFFFE003, lr  }
0x1b: {  	s9 =	sadd.s32 $0xFFFFFEF7, lr;
	s5 =	simm.s32 $0xFFFFFFFF;
	p2 =	slt.u32 s8, $0xFFFFF086  }
0x1c: {  	p1 =	slt.u32 s9, $0xF7A;
	s5 =	simm.s32 @!p2 $0x0  }
0x1d: {  	s5 =	simm.s32 @p1 $0x1;
	p0 =	seq.s32 s7, s2  }
0x1e: {  	s7 =	smul.u32 @!p0 $0xF7A, s2;
	p2 =	seq.s32 @!p0 s5, $0x0  }
0x1f: {  	s9 =	smul.u32 $0xF7A, s1;
	s8 =	simm.s32 @!p0 $0x1BF5;
	p2 =	por !p2, p0  }
0x20: {  	[sflag:s8] =	ssyncset.s32 @!p0 $0xFFFFF086;
	s6 =	sadd.s32 @!p0 s3, s7;
	s7 =	simm.s32 @!p0 $0x108  }
0x21: {  	s3 =	sadd.s32 s3, s9;
	s6 =	sadd.s32 @!p0 $0x88, s6;
	s7 =	simm.s32 @p2 $0x1082  }
0x22: {  	[simem:s7], [sflag:s8] =	dma.local @!p0 [hbm:s6], $0xF7A  }
0x23: {  	s9 =	sor.u32 $0xD0000000, s2;
	s6 =	simm.s32 $0x108;
	_ =	swait.ge @!p0 [sflag:s8], $0x0  }
0x24: {  	s3 =	sadd.s32 $0x88, s3;
	s6 =	simm.s32 @!p1 $0x1082;
	[sflag:s4] =	ssyncset.s32 $0xFFFFF086  }
0x25: {  	[simem:s6], [sflag:s4] =	dma.local [hbm:s3], $0xF7A  }
0x26: {  	[smem:$0x3F97] =	sst s1;
	(tag) =	ssettag s2;
	_ =	strace s9  }
0x27: {  	s1 =	sld [smem:$0x3FA7]  }
0x28: {  	s2 =	sld [smem:$0x3FA8]  }
0x29: {  	s4 =	sld [smem:$0x3FAA]  }
0x2a: {  	p0 =	seq.s32 s5, $0x0;
	s5 =	sld [smem:$0x3FAB]  }
0x2b: {  	s6 =	sld [smem:$0x3FAC]  }
0x2c: {  	s7 =	sld [smem:$0x3FAD]  }
0x2d: {  	s3 =	simm.s32 $0x108;
	s8 =	sld [smem:$0x3FAE]  }
0x2e: {  	s3 =	simm.s32 @!p0 $0x1082;
	s9 =	sld [smem:$0x3FAF]  }
0x2f: {  	lr =	sadd.s32 s0, s3;
	s0 =	sld [smem:$0x3FA6]  }
0x30: {  	s3 =	sld [smem:$0x3FA9]  }
0x31: {  	[smem:$0x3FB2] =	sst s10  }
0x32: {  	s10 =	sld [smem:$0x3FB0];
	_ =	sdelay $0x3  }
0x33: {  	p0 =	seq.s32 s10, $0x1;
	s10 =	sld [smem:$0x3FB2];
	_ =	sdelay $0x3  }
0x34: {  	[smem:$0x3FB2] =	sst s10  }
0x35: {  	s10 =	sld [smem:$0x3FB1];
	_ =	sdelay $0x3  }
0x36: {  	p1 =	seq.s32 s10, $0x1;
	s10 =	sld [smem:$0x3FB2];
	_ =	sdelay $0x3  }
0x37: {  	[smem:$0x3FB2] =	sst s10  }
0x38: {  	s10 =	sld [smem:$0x3FB3]  }
0x39: {  	_ = 	snop;
	(pc) =	sbr.ind lr, $3  }
0x3a: {  	_ = 	snop  }
0x3b: {  	_ = 	snop  }
0x3c: {  	p2 =	seq.s32 s10, $0x1;
	s10 =	sld [smem:$0x3FB2]  }
0x3d: {  	_ =	shalt  }
0x3e: {  	_ =	shalt  }
0x3f: {  	_ =	shalt  }
0x40: {  	_ =	shalt  }
0x41: {  	_ =	shalt  }
0x42: {  	_ =	shalt  }
0x43: {  	_ =	shalt  }
0x44: {  	_ =	shalt  }
0x45: {  	_ =	shalt  }
0x46: {  	_ =	shalt  }
0x47: {  	_ =	shalt  }
0x48: {  	_ =	shalt  }
0x49: {  	_ =	shalt  }
0x4a: {  	_ =	shalt  }
0x4b: {  	_ =	shalt  }
0x4c: {  	_ =	shalt  }
0x4d: {  	_ =	shalt  }
0x4e: {  	_ =	shalt  }
0x4f: {  	_ =	shalt  }
0x50: {  	_ =	shalt  }
0x51: {  	_ =	shalt  }
0x52: {  	_ =	shalt  }
0x53: {  	_ =	shalt  }
0x54: {  	_ =	shalt  }
0x55: {  	_ =	shalt  }
0x56: {  	_ =	shalt  }
0x57: {  	_ =	shalt  }
0x58: {  	_ =	shalt  }
0x59: {  	_ =	shalt  }
0x5a: {  	_ =	shalt  }
0x5b: {  	_ =	shalt  }
0x5c: {  	_ =	shalt  }
0x5d: {  	_ =	shalt  }
0x5e: {  	_ =	shalt  }
0x5f: {  	_ =	shalt  }
0x60: {  	_ =	shalt  }
0x61: {  	_ =	shalt  }
0x62: {  	_ =	shalt  }
0x63: {  	_ =	shalt  }
0x64: {  	_ =	shalt  }
0x65: {  	_ =	shalt  }
0x66: {  	_ =	shalt  }
0x67: {  	_ =	shalt  }
0x68: {  	_ =	shalt  }
0x69: {  	_ =	shalt  }
0x6a: {  	_ =	shalt  }
0x6b: {  	_ =	shalt  }
0x6c: {  	_ =	shalt  }
0x6d: {  	_ =	shalt  }
0x6e: {  	_ =	shalt  }
0x6f: {  	_ =	shalt  }
0x70: {  	_ =	shalt  }
0x71: {  	_ =	shalt  }
0x72: {  	_ =	shalt  }
0x73: {  	_ =	shalt  }
0x74: {  	_ =	shalt  }
0x75: {  	_ =	shalt  }
0x76: {  	_ =	shalt  }
0x77: {  	_ =	shalt  }
0x78: {  	_ =	shalt  }
0x79: {  	_ =	shalt  }
0x7a: {  	_ =	shalt  }
0x7b: {  	_ =	shalt  }
0x7c: {  	_ =	shalt  }
0x7d: {  	_ =	shalt  }
0x7e: {  	_ =	shalt  }
0x7f: {  	_ =	shalt  }
0x80: {  	_ =	shalt  }
0x81: {  	_ =	shalt  }
0x82: {  	_ =	shalt  }
0x83: {  	_ =	shalt  }
0x84: {  	_ =	shalt  }
0x85: {  	_ =	shalt  }
0x86: {  	_ =	shalt  }
0x87: {  	_ =	shalt  }
.Lfunc_end0:
.L_simem_size_0:
called_computation_lowered:
.L_overlay_start_0:
0x88: {  	s2 =	sld [smem:$0x3FD9]  }
0x89: {  	s3 =	sld [smem:$0x3FFE];
	_ =	sdelay $0x1  }
0x8a: {  	s1 =	srdreg.scid  }
0x8b: {  	s0 =	sand.u32 $0x1, s1  }
0x8c: {  	s16 =	sshll.u32 s0, $0xA;
	s2 =	sadd.s32 s3, s2  }
0x8d: {  	s2 =	sadd.s32 s2, s16  }
0x8e: {  	[smem:$0x3FBE] =	sst s2  }
0x8f: {  	_ = 	snop  }
0x90: {  	(tm) =	ssettm $0x1  }
0x91: {  	s17 =	sld [smem:$0x3FFB];
	_ =	sdelay $0x3  }
0x92: {  	_ =	strace s17  }
0x93: {  	s2 =	sld [smem:$0x3FFC];
	_ =	sdelay $0x3  }
0x94: {  	_ =	strace s2  }
0x95: {  	s2 =	sld [smem:$0x3FFD];
	_ =	sdelay $0x3  }
0x96: {  	_ =	strace s2  }
0x97: {  	_ =	strace $0x8FFFFFFF  }
0x98: {  	s18 =	sld [smem:$0x3FDB];
	_ =	sdelay $0x1  }
0x99: {  	s19 =	simm.s32 $_scs_section_size  }
0x9a: {  	s4 =	simm.s32 $_size__tile_overlayer_lowered;
	s5 =	simm.s32 $_tile_overlayer_lowered  }
0x9b: {  	s22 =	simm.s32 $0x1BFF;
	s21 =	sshll.u32 s5, $0x1;
	s2 =	sadd.s32 s19, s18  }
0x9c: {  	s6 =	simm.s32 $0x0;
	s20 =	sshll.u32 s4, $0x1;
	s4 =	sadd.s32 s21, s2  }
0x9d: {  	[timem:s6], [sflag:s22] =	dma.local [hbm:s4], s20  }
0x9e: {  	_ =	swait.ge [sflag:s22], s20  }
0x9f: {  	s3 =	ssub.s32 $0x0, s20;
	[sflag:s22] =	ssyncset.done $0x0  }
0xa0: {  	[sflag:s22] =	ssyncadd.s32 s3;
	_ =	sdelay $0x1  }
0xa1: {  	s23 =	simm.s32 $0x1B8B  }
0xa2: {  	_ =	swait.ge [sflag:s23], $0x1  }
0xa3: {  	[sflag:s23] =	ssyncset.done $0x0  }
0xa4: {  	s25 =	simm.s32 $0x1B8E;
	s24 =	sld [smem:$0x3FFE];
	[sflag:s23] =	ssyncadd.s32 $0xFFFFFFFF  }
0xa5: {  	s26 =	simm.s32 $execute0_lowered;
	[smem:$0x3FD2] =	sst s25  }
0xa6: {  	s4 =	sshll.u32 s26, $0x1;
	_ =	strace $0x80000046;
	[dreg:$0x1] =	wrdreg $0xFFFFFFFF  }
0xa7: {  	s28 =	simm.s32 $_size_execute0_lowered;
	s2 =	sadd.s32 s2, s4;
	[dreg:$0x0] =	wrdreg $0x0  }
0xa8: {  	s4 =	sshll.u32 s28, $0x1;
	[dreg:$0x2] =	wrdreg s2  }
0xa9: {  	[dreg:$0x3] =	wrdreg s4  }
0xaa: {  	[dreg:$0x4] =	wrdreg $0xC0  }
0xab: {  	_ =	task [dreg:s6], $0x5FFFF  }
0xac: {  	[dreg:$0x1] =	wrdreg $0xFFFFFFFF  }
0xad: {  	[dreg:$0x0] =	wrdreg $0x60  }
0xae: {  	[dreg:$0x2] =	wrdreg s24  }
0xaf: {  	[dreg:$0x3] =	wrdreg $0x152000  }
0xb0: {  	[dreg:$0x4] =	wrdreg $0x9  }
0xb1: {  	_ =	task.clear_ibuf [dreg:s6], $0x5FFFF;
	_ =	strace $0x90000046  }
0xb2: {  	s29 =	simm.s32 $0x9;
	_ =	strace $0x80000048  }
0xb3: {  	_ =	swait.ge [sflag:s29], $0x1  }
0xb4: {  	[sflag:s29] =	ssyncadd.s32 $0xFFFFFFFF  }
0xb5: {  	_ =	strace $0x90000048  }
0xb6: {  	_ =	sfence  }
0xb7: {  	s30 =	sld [smem:$0x0];
	_ =	sdelay $0x2  }
0xb8: {  	s31 =	sshll.u32 s1, $0xD;
	s1 =	sshrl.u32 s1, $0x2  }
0xb9: {  	s3 =	sand.u32 $0x4000, s31;
	s1 =	sadd.s32 s1, s30  }
0xba: {  	s0 =	sor.u32 s3, s0;
	s1 =	sshll.u32 s1, $0x11  }
0xbb: {  	s0 =	sor.u32 s1, s0  }
0xbc: {  	s0 =	sadd.s32 $0x8F2B, s0  }
0xbd: {  	[sflag:s0] =	ssyncadd.remote.s32 $0x1  }
0xbe: {  	_ =	sfence.sel $0xFFFF  }
0xbf: {  	[dreg:$0x0] =	wrdreg $0xFFFFFFFF;
	(pc) =	sbr.abs _section_cstart, $3  }
0xc0: {  	[dreg:$0x1] =	wrdreg $0xFFFFFFFF  }
0xc1: {  	_ =	task.clear_ibuf [dreg:s6], $0x2FFFF;
	_ =	strace $0x9FFFFFFF  }
0xc2: {  	(tm) =	ssettm $0x7FFFFFFF  }
0xc3: {  	_ =	shalt  }
tec
execute0_lowered:
.L_overlay_start_1:
0x0: {  	(tag) =	ssettag $0x1  }
0x1: {  	s0 =	rddreg [dreg:$0x0]  }
0x2: {  	s1 =	rddreg [dreg:$0x1]  }
0x3: {  	s2 =	srdreg.scid;
	s9 =	stileid.u32  }
0x4: {  	s14 =	simm.s32 $0x80;
	s15 =	simm.s32 $0x400;
	s16 =	simm.s32 $0x1  }
0x5: {  	s19 =	simm.s32 $0x7680;
	s20 =	simm.s32 $0x9E00;
	s21 =	simm.s32 $0xC600  }
0x6: {  	s22 =	simm.s32 $0xEE00;
	s23 =	simm.s32 $0x11600;
	s26 =	smul.u32 $0xA00, s9  }
0x7: {  	s28 =	simm.s32 $0x0;
	s3 =	sand.u32 $0x1, s2;
	s31 =	smul.u32 $0x28000, s9  }
0x8: {  	s24 =	sshrl.u32 s9, $0x2;
	s4 =	sshll.u32 s9, $0x8;
	s10 =	smul.u32 $0x2800, s9  }
0x9: {  	s2 =	simm.s32 $0x0;
	s5 =	smul.u32 $0x13C00, s24;
	s6 =	sshll.u32 s3, $0x7  }
0xa: {  	s4 =	sand.u32 $0x300, s4;
	s25 =	smul.u32 $0xA000, s3;
	[smem:$0x7FF] =	sst s2  }
0xb: {  	s3 =	ssub.s32 $0x2, s3;
	s24 =	simm.s32 $0x200;
	s4 =	sor.u32 s6, s4  }
0xc: {  	_ =	strace $0x80000047;
	s30 =	sshrl.u32 s3, $0x1;
	s8 =	sshrl.u32 s31, $0x2  }
0xd: {  	s11 =	sshrl.u32 s10, $0x2;
	s4 =	sor.u32 s5, s4;
	s29 =	sadd.s32 s26, s25  }
0xe: {  	s13 =	ssub.s32 s3, s30;
	s11 =	sadd.s32 s11, s1;
	s4 =	sshrl.u32 s4, $0x3  }
0xf: {  	s25 =	simm.s32 $0x14800;
	s7 =	sadd.s32 s4, s0;
	s4 =	sshrl.u32 s29, $0x3  }
0x10: {  	s0 =	sadd.s32 s4, s0;
	s3 =	sadd.s32 $0x4A00, s7;
	s4 =	sadd.s32 $0xE800, s7  }
0x11: {  	s5 =	sadd.s32 $0x18600, s7;
	s6 =	sadd.s32 $0x22400, s7;
	s7 =	sadd.s32 s8, s1  }
0x12: {  	s26 =	simm.s32 $0x13E00;
	s13 =	smax.u32 s13, $0x1;
	s8 =	sadd.s32 $0x80, s7  }
0x13: {  	v0 =	vimm.f32 $0.0e+00;
	s9 =	sadd.s32 $0x100, s7;
	s10 =	sadd.s32 $0x180, s7;
	s12 =	sadd.s32 $0x2C200, s0  }
.LBB2_1:
0x14: {  	[tilespmem:s2], [sflag:$0x1] =	stream.strided.gather [hbm4b:s3+s14], $0x2780, s15, s14, $0x38;
	[tilespmem:$0x1F200] =	vst v63  }
0x15: {  	_ =	swait.ge [sflag:s16], $0x2780  }
0x16: {  	[sflag:s16] =	ssyncset.done $0x0  }
0x17: {  	s0 =	simm.s32 $0x2780;
	[sflag:s16] =	ssyncadd.s32 $0xFFFFD880  }
0x18: {  	[tilespmem:s0], [sflag:$0x1] =	stream.strided.gather [hbm4b:s4+s14], $0x2780, s15, s14, $0x38;
	[tilespmem:$0x1F200] =	vst v63  }
0x19: {  	_ =	swait.ge [sflag:s16], $0x2780  }
0x1a: {  	[sflag:s16] =	ssyncset.done $0x0  }
0x1b: {  	s31 =	simm.s32 $0x4F00;
	[sflag:s16] =	ssyncadd.s32 $0xFFFFD880  }
0x1c: {  	[tilespmem:s31], [sflag:$0x1] =	stream.strided.gather [hbm4b:s5+s14], $0x2780, s15, s14, $0x38;
	[tilespmem:$0x1F200] =	vst v63  }
0x1d: {  	_ =	swait.ge [sflag:s16], $0x2780  }
0x1e: {  	[sflag:s16] =	ssyncset.done $0x0  }
0x1f: {  	[sflag:s16] =	ssyncadd.s32 $0xFFFFD880  }
0x20: {  	[tilespmem:s19], [sflag:$0x1] =	stream.strided.gather [hbm4b:s6+s14], $0x2780, s15, s14, $0x38;
	[tilespmem:$0x1F200] =	vst v63  }
0x21: {  	_ =	swait.ge [sflag:s16], $0x2780  }
0x22: {  	[sflag:s16] =	ssyncset.done $0x0  }
0x23: {  	s0 =	simm.s32 $0x0;
	[sflag:s16] =	ssyncadd.s32 $0xFFFFD880  }
.LBB2_2:
0x24: {  	p0 =	sne.s32 s0, $0x9FC0  }
.Ltmp0:
0x25: {  	s1 =	sshra.s32 s0, $0x2;
	(pc) =	sbr.rel @p0 .LBB2_2-.Ltmp0, $4  }
0x26: {  	[tilespmem:s1+$0x9E00] =	vst v0  }
0x27: {  	[tilespmem:s1+$0xC600] =	vst v0  }
0x28: {  	[tilespmem:s1+$0xEE00] =	vst v0  }
0x29: {  	s0 =	sadd.s32 $0x40, s0;
	[tilespmem:s1+$0x11600] =	vst v0  }
0x2a: {  	s0 =	simm.s32 $0x0  }
0x2b: {  	v3 =	vld [tilespmem:s0+$0x0]  }
0x2c: {  	v1 =	vld [tilespmem:s0+$0x2780];
	_ =	sdelay $0x1  }
0x2d: {  	v4 =	vld [tilespmem:s0+$0x4F00];
	_ =	sdelay $0x1  }
0x2e: {  	v2 =	vld [tilespmem:s0+$0x7680];
	_ =	sdelay $0x2  }
0x2f: {  	[tilespmem:v3+s20+$0x0] =	vst.idx.add.f32.msk $0xffff, v4  }
0x30: {  	[tilespmem:v1+s21+$0x0] =	vst.idx.add.f32.msk $0xffff, v4  }
0x31: {  	s1 =	simm.s32 $0x80;
	s0 =	simm.s32 $0x40;
	[tilespmem:v3+s22+$0x0] =	vst.idx.add.f32.msk $0xffff, v2  }
.LBB2_4:
0x32: {  	p0 =	sne.s32 s1, $0x9DC0  }
0x33: {  	s29 =	sshra.s32 s0, $0x2;
	[tilespmem:v1+s23+$0x0] =	vst.idx.add.f32.msk $0xffff, v2;
	s0 =	smov.u32 s1;
	s1 =	sadd.s32 $0x40, s1  }
0x34: {  	v3 =	vld [tilespmem:s29+$0x0]  }
0x35: {  	v1 =	vld [tilespmem:s29+$0x2780];
	_ =	sdelay $0x1  }
0x36: {  	v4 =	vld [tilespmem:s29+$0x4F00];
	_ =	sdelay $0x1  }
0x37: {  	v2 =	vld [tilespmem:s29+$0x7680]  }
.Ltmp1:
0x38: {  	(pc) =	sbr.rel @p0 .LBB2_4-.Ltmp1, $4  }
0x39: {  	_ = 	snop  }
0x3a: {  	[tilespmem:v3+s20+$0x0] =	vst.idx.add.f32.msk $0xffff, v4  }
0x3b: {  	[tilespmem:v1+s21+$0x0] =	vst.idx.add.f32.msk $0xffff, v4  }
0x3c: {  	[tilespmem:v3+s22+$0x0] =	vst.idx.add.f32.msk $0xffff, v2  }
0x3d: {  	_ =	sdelay $0x3  }
0x3e: {  	s0 =	sshra.s32 s0, $0x2;
	[tilespmem:v1+s23+$0x0] =	vst.idx.add.f32.msk $0xffff, v2  }
0x3f: {  	v1 =	vld [tilespmem:s0+$0x0]  }
0x40: {  	v2 =	vld [tilespmem:s0+$0x2780];
	_ =	sdelay $0x1  }
0x41: {  	v3 =	vld [tilespmem:s0+$0x4F00];
	_ =	sdelay $0x1  }
0x42: {  	v4 =	vld [tilespmem:s0+$0x7680];
	_ =	sdelay $0x2  }
0x43: {  	[tilespmem:v1+s20+$0x0] =	vst.idx.add.f32.msk $0xffff, v3  }
0x44: {  	[tilespmem:v2+s21+$0x0] =	vst.idx.add.f32.msk $0xffff, v3  }
0x45: {  	[tilespmem:v1+s22+$0x0] =	vst.idx.add.f32.msk $0xffff, v4  }
0x46: {  	[tilespmem:v2+s23+$0x0] =	vst.idx.add.f32.msk $0xffff, v4  }
0x47: {  	[spmem:s7] =	stream.strided.scatter [tilespmem:s20], [sflag:$0x1], $0x2800, s24, s14, $0x38;
	[tilespmem:$0x1F200] =	vst v63  }
0x48: {  	_ =	swait.ge [sflag:s16], $0x2800  }
0x49: {  	[sflag:s16] =	ssyncset.done $0x0  }
0x4a: {  	[sflag:s16] =	ssyncadd.s32 $0xFFFFD800  }
0x4b: {  	[spmem:s8] =	stream.strided.scatter [tilespmem:s21], [sflag:$0x1], $0x2800, s24, s14, $0x38;
	[tilespmem:$0x1F200] =	vst v63  }
0x4c: {  	_ =	swait.ge [sflag:s16], $0x2800  }
0x4d: {  	[sflag:s16] =	ssyncset.done $0x0  }
0x4e: {  	[sflag:s16] =	ssyncadd.s32 $0xFFFFD800  }
0x4f: {  	[spmem:s9] =	stream.strided.scatter [tilespmem:s22], [sflag:$0x1], $0x2800, s24, s14, $0x38;
	[tilespmem:$0x1F200] =	vst v63  }
0x50: {  	_ =	swait.ge [sflag:s16], $0x2800  }
0x51: {  	[sflag:s16] =	ssyncset.done $0x0  }
0x52: {  	[sflag:s16] =	ssyncadd.s32 $0xFFFFD800  }
0x53: {  	[spmem:s10] =	stream.strided.scatter [tilespmem:s23], [sflag:$0x1], $0x2800, s24, s14, $0x38;
	[tilespmem:$0x1F200] =	vst v63  }
0x54: {  	_ =	swait.ge [sflag:s16], $0x2800  }
0x55: {  	s29 =	simm.s32 $0x0;
	[sflag:s16] =	ssyncset.done $0x0  }
0x56: {  	s31 =	sand.u32 $0x70, s29;
	s1 =	sand.u32 $0xE00, s29;
	[sflag:s16] =	ssyncadd.s32 $0xFFFFD800  }
0x57: {  	s0 =	sor.u32 s31, s1;
	[bflag:$0x0] =	sbarrier.arrive $0xFFFF  }
0x58: {  	s30 =	sadd.s32 $0x13E00, s0;
	[tilespmem:s0+$0x13E00] =	vst v0  }
0x59: {  	[tilespmem:s30+$0x180] =	vst v0  }
0x5a: {  	s1 =	simm.s32 $0x0;
	s0 =	simm.s32 $0x10;
	[tilespmem:s30+$0x80] =	vst v0  }
.LBB2_6:
0x5b: {  	s31 =	sand.u32 $0x70, s0;
	[tilespmem:s30+$0x100] =	vst v0;
	s1 =	sadd.s32 $0x40, s1;
	p0 =	sne.s32 s0, $0x270  }
.Ltmp2:
0x5c: {  	s0 =	sadd.s32 $0x10, s0;
	s30 =	sand.u32 $0xE00, s1;
	(pc) =	sbr.rel @p0 .LBB2_6-.Ltmp2, $4  }
0x5d: {  	s31 =	sor.u32 s31, s30  }
0x5e: {  	s30 =	sadd.s32 $0x13E00, s31;
	[tilespmem:s31+$0x13E00] =	vst v0  }
0x5f: {  	[tilespmem:s30+$0x180] =	vst v0  }
0x60: {  	[tilespmem:s30+$0x80] =	vst v0  }
0x61: {  	[tilespmem:s30+$0x100] =	vst v0  }
.LBB2_8:
0x62: {  	s0 =	smul.u32 $0x28000, s29;
	_ =	sdelay $0x1  }
0x63: {  	s0 =	sshra.s32 s0, $0x2  }
0x64: {  	s0 =	sadd.s32 s0, s11  }
0x65: {  	[tilespmem:s25], [sflag:$0x1] =	stream.linear.gather [spmem:s0], $0xA00, $0x38;
	[tilespmem:$0x1F200] =	vst v63  }
0x66: {  	s18 =	simm.s32 $0x0;
	_ =	swait.ge [sflag:s16], $0xA00  }
0x67: {  	s1 =	sand.u32 $0x70, s18;
	s0 =	sand.u32 $0xE00, s18;
	[sflag:s16] =	ssyncset.done $0x0  }
0x68: {  	s31 =	sor.u32 s1, s0;
	[sflag:s16] =	ssyncadd.s32 $0xFFFFF600  }
0x69: {  	v1 =	vld [tilespmem:s31+$0x14800]  }
0x6a: {  	v5 =	vld [tilespmem:s31+$0x14880]  }
0x6b: {  	v6 =	vld [tilespmem:s31+$0x14900]  }
0x6c: {  	v7 =	vld [tilespmem:s31+$0x14980]  }
0x6d: {  	v3 =	vld [tilespmem:s31+$0x13E00]  }
0x6e: {  	s17 =	simm.s32 $0x40;
	s18 =	simm.s32 $0x10;
	v8 =	vld [tilespmem:s31+$0x13E80]  }
0x6f: {  	s1 =	sand.u32 $0x70, s18;
	s0 =	sand.u32 $0xE00, s17;
	v9 =	vld [tilespmem:s31+$0x13F00]  }
0x70: {  	s30 =	sor.u32 s1, s0;
	v10 =	vld [tilespmem:s31+$0x13F80]  }
0x71: {  	v4 =	vld [tilespmem:s30+$0x14800]  }
0x72: {  	v2 =	vld [tilespmem:s30+$0x14880];
	v11 =	vadd.f32 v1, v3  }
0x73: {  	v3 =	vld [tilespmem:s30+$0x14900];
	v8 =	vadd.f32 v5, v8  }
0x74: {  	v1 =	vld [tilespmem:s30+$0x14980];
	v9 =	vadd.f32 v6, v9;
	[tilespmem:s31+$0x13E00] =	vst v11  }
0x75: {  	v7 =	vadd.f32 v7, v10;
	[tilespmem:s31+$0x13E80] =	vst v8;
	v5 =	vld [tilespmem:s30+$0x13E00]  }
0x76: {  	s0 =	simm.s32 $0x80;
	s1 =	simm.s32 $0x20;
	[tilespmem:s31+$0x13F00] =	vst v9;
	v6 =	vld [tilespmem:s30+$0x13E80]  }
.LBB2_9:
0x77: {  	s17 =	sand.u32 $0x70, s1;
	s18 =	sand.u32 $0xE00, s0;
	p0 =	sne.s32 s1, $0x270;
	v8 =	vld [tilespmem:s30+$0x13F00];
	[tilespmem:s31+$0x13F80] =	vst v7;
	v7 =	vmov v2  }
0x78: {  	s31 =	smov.u32 s30;
	v9 =	vld [tilespmem:s30+$0x13F80];
	v10 =	vmov v3;
	s30 =	sor.u32 s17, s18  }
0x79: {  	v11 =	vld [tilespmem:s30+$0x14800];
	v12 =	vmov v1  }
.Ltmp3:
0x7a: {  	v2 =	vld [tilespmem:s30+$0x14880];
	v4 =	vadd.f32 v4, v5;
	(pc) =	sbr.rel @p0 .LBB2_9-.Ltmp3, $4  }
0x7b: {  	v3 =	vld [tilespmem:s30+$0x14900];
	v6 =	vadd.f32 v7, v6  }
0x7c: {  	v1 =	vld [tilespmem:s30+$0x14980];
	[tilespmem:s31+$0x13E00] =	vst v4;
	v8 =	vadd.f32 v10, v8  }
0x7d: {  	v5 =	vld [tilespmem:s30+$0x13E00];
	[tilespmem:s31+$0x13E80] =	vst v6;
	v7 =	vadd.f32 v12, v9  }
0x7e: {  	s0 =	sadd.s32 $0x40, s0;
	s1 =	sadd.s32 $0x10, s1;
	v6 =	vld [tilespmem:s30+$0x13E80];
	[tilespmem:s31+$0x13F00] =	vst v8;
	v4 =	vmov v11  }
0x7f: {  	v8 =	vld [tilespmem:s30+$0x13F00];
	[tilespmem:s31+$0x13F80] =	vst v7  }
0x80: {  	v7 =	vld [tilespmem:s30+$0x13F80]  }
0x81: {  	s29 =	sadd.s32 $0x1, s29  }
0x82: {  	p0 =	sne.s32 s29, $0x10;
	v4 =	vadd.f32 v4, v5  }
.Ltmp4:
0x83: {  	v2 =	vadd.f32 v2, v6;
	(pc) =	sbr.rel @p0 .LBB2_8-.Ltmp4, $4  }
0x84: {  	[tilespmem:s30+$0x13E00] =	vst v4;
	v3 =	vadd.f32 v3, v8  }
0x85: {  	[tilespmem:s30+$0x13E80] =	vst v2;
	v1 =	vadd.f32 v1, v7  }
0x86: {  	[tilespmem:s30+$0x13F00] =	vst v3  }
0x87: {  	[tilespmem:s30+$0x13F80] =	vst v1  }
0x88: {  	s28 =	sadd.s32 $0x1, s28  }
0x89: {  	p0 =	sne.s32 s28, s13  }
.Ltmp5:
0x8a: {  	_ = 	snop;
	(pc) =	sbr.rel @p0 .LBB2_1-.Ltmp5, $4  }
0x8b: {  	[hbm4b:s12+s2] =	stream.linear.scatter [tilespmem:s26], [sflag:$0x1], $0xA00, $0x38;
	[tilespmem:$0x1F200] =	vst v63  }
0x8c: {  	_ =	swait.ge [sflag:s16], $0xA00  }
0x8d: {  	[sflag:s16] =	ssyncset.done $0x0  }
0x8e: {  	[sflag:s16] =	ssyncadd.s32 $0xFFFFF600  }
0x8f: {  	_ =	sfence.sel $0x180000  }
0x90: {  	[bflag:$0x0] =	sbarrier.arrive $0xFFFF  }
0x91: {  	_ =	strace $0x90000047  }
0x92: {  	s0 =	stileid.u32;
	[bflag:$0x2] =	sbarrier.arrive $0xFFFF  }
0x93: {  	p0 =	sne.s32 s0, $0x0;
	s0 =	rddreg [dreg:$0x2]  }
0x94: {  	s0 =	sadd.s32 @!p0 $0x100000, s0  }
0x95: {  	[sflag:s0] =	ssyncadd.tile.s32 @!p0 $0x1;
	_ =	shalt  }
.Lfunc_end2:
_tile_overlayer_lowered:
.L_overlay_start_2:
0x96: {  	(tag) =	ssettag $0x2  }
0x97: {  	s0 =	rddreg [dreg:$0x0];
	s2 =	stileid.u32  }
0x98: {  	s1 =	rddreg [dreg:$0x1];
	p0 =	sne.s32 s2, $0x0  }
0x99: {  	s3 =	rddreg [dreg:$0x2];
	[bflag:$0x3] =	sbarrier.arrive $0xFFFF;
	s2 =	simm.s32 @!p0 $0x1C01  }
0x9a: {  	[timem:s3], [sflag:s2] =	dma.local @!p0 [hbm:s0], s1  }
0x9b: {  	s0 =	simm.s32 @!p0 $0x1  }
0x9c: {  	_ =	swait.ge @!p0 [sflag:s0], s1  }
0x9d: {  	s1 =	ssub.s32 @!p0 $0x0, s1;
	[sflag:s0] =	ssyncset.done @!p0 $0x0  }
0x9e: {  	[sflag:s0] =	ssyncadd.s32 @!p0 s1  }
0x9f: {  	[bflag:$0x3] =	sbarrier.arrive $0xFFFF  }
0xa0: {  	_ =	shalt  }

// kernel: kernel.20.cloned.1.call-start
scs
__scs_entry_jumppad:
0x0: {  	(pc) =	sbr.rel $0x88, $3  }
0x1: {  	(tag) =	ssettag $0x0;
	lr =	simm.s32 $0x1  }
0x2: {  	[smem:$0x3F97] =	sst lr;
	_ =	strace $0xD0000000  }
0x3: {  	_ = 	snop  }
0x4: {  	_ = 	snop  }
0x5: {  	_ = 	snop  }
0x6: {  	_ = 	snop  }
0x7: {  	_ = 	snop  }
__scs_overlays_trampoline_lowered:
0x8: {  	[smem:$0x3FA6] =	sst s0  }
0x9: {  	[smem:$0x3FA7] =	sst s1  }
0xa: {  	[smem:$0x3FA8] =	sst s2  }
0xb: {  	[smem:$0x3FA9] =	sst s3  }
0xc: {  	[smem:$0x3FAA] =	sst s4  }
0xd: {  	[smem:$0x3FAB] =	sst s5  }
0xe: {  	[smem:$0x3FAC] =	sst s6  }
0xf: {  	[smem:$0x3FAD] =	sst s7  }
0x10: {  	[smem:$0x3FAE] =	sst s8  }
0x11: {  	[smem:$0x3FAF] =	sst s9;
	s0 =	simm.s32 @!p0 $0x0  }
0x12: {  	s1 =	sld [smem:$0x3F95];
	s0 =	simm.s32 @p0 $0x1  }
0x13: {  	[smem:$0x3FB0] =	sst s0;
	s0 =	simm.s32 @!p1 $0x0  }
0x14: {  	s2 =	sld [smem:$0x3F94];
	s0 =	simm.s32 @p1 $0x1  }
0x15: {  	[smem:$0x3FB1] =	sst s0;
	s0 =	simm.s32 @!p2 $0x0  }
0x16: {  	s3 =	sld [smem:$0x3FDB];
	s0 =	simm.s32 @p2 $0x1  }
0x17: {  	s4 =	simm.s32 $0x1BF5;
	[smem:$0x3FB3] =	sst s0  }
0x18: {  	s0 =	sld [smem:$0x3F96];
	_ =	swait.ge [sflag:s4], $0x0  }
0x19: {  	s7 =	sld [smem:$0x3F97]  }
0x1a: {  	s8 =	sadd.s32 $0xFFFFE003, lr  }
0x1b: {  	s9 =	sadd.s32 $0xFFFFFEF7, lr;
	s5 =	simm.s32 $0xFFFFFFFF;
	p2 =	slt.u32 s8, $0xFFFFF086  }
0x1c: {  	p1 =	slt.u32 s9, $0xF7A;
	s5 =	simm.s32 @!p2 $0x0  }
0x1d: {  	s5 =	simm.s32 @p1 $0x1;
	p0 =	seq.s32 s7, s2  }
0x1e: {  	s7 =	smul.u32 @!p0 $0xF7A, s2;
	p2 =	seq.s32 @!p0 s5, $0x0  }
0x1f: {  	s9 =	smul.u32 $0xF7A, s1;
	s8 =	simm.s32 @!p0 $0x1BF5;
	p2 =	por !p2, p0  }
0x20: {  	[sflag:s8] =	ssyncset.s32 @!p0 $0xFFFFF086;
	s6 =	sadd.s32 @!p0 s3, s7;
	s7 =	simm.s32 @!p0 $0x108  }
0x21: {  	s3 =	sadd.s32 s3, s9;
	s6 =	sadd.s32 @!p0 $0x88, s6;
	s7 =	simm.s32 @p2 $0x1082  }
0x22: {  	[simem:s7], [sflag:s8] =	dma.local @!p0 [hbm:s6], $0xF7A  }
0x23: {  	s9 =	sor.u32 $0xD0000000, s2;
	s6 =	simm.s32 $0x108;
	_ =	swait.ge @!p0 [sflag:s8], $0x0  }
0x24: {  	s3 =	sadd.s32 $0x88, s3;
	s6 =	simm.s32 @!p1 $0x1082;
	[sflag:s4] =	ssyncset.s32 $0xFFFFF086  }
0x25: {  	[simem:s6], [sflag:s4] =	dma.local [hbm:s3], $0xF7A  }
0x26: {  	[smem:$0x3F97] =	sst s1;
	(tag) =	ssettag s2;
	_ =	strace s9  }
0x27: {  	s1 =	sld [smem:$0x3FA7]  }
0x28: {  	s2 =	sld [smem:$0x3FA8]  }
0x29: {  	s4 =	sld [smem:$0x3FAA]  }
0x2a: {  	p0 =	seq.s32 s5, $0x0;
	s5 =	sld [smem:$0x3FAB]  }
0x2b: {  	s6 =	sld [smem:$0x3FAC]  }
0x2c: {  	s7 =	sld [smem:$0x3FAD]  }
0x2d: {  	s3 =	simm.s32 $0x108;
	s8 =	sld [smem:$0x3FAE]  }
0x2e: {  	s3 =	simm.s32 @!p0 $0x1082;
	s9 =	sld [smem:$0x3FAF]  }
0x2f: {  	lr =	sadd.s32 s0, s3;
	s0 =	sld [smem:$0x3FA6]  }
0x30: {  	s3 =	sld [smem:$0x3FA9]  }
0x31: {  	[smem:$0x3FB2] =	sst s10  }
0x32: {  	s10 =	sld [smem:$0x3FB0];
	_ =	sdelay $0x3  }
0x33: {  	p0 =	seq.s32 s10, $0x1;
	s10 =	sld [smem:$0x3FB2];
	_ =	sdelay $0x3  }
0x34: {  	[smem:$0x3FB2] =	sst s10  }
0x35: {  	s10 =	sld [smem:$0x3FB1];
	_ =	sdelay $0x3  }
0x36: {  	p1 =	seq.s32 s10, $0x1;
	s10 =	sld [smem:$0x3FB2];
	_ =	sdelay $0x3  }
0x37: {  	[smem:$0x3FB2] =	sst s10  }
0x38: {  	s10 =	sld [smem:$0x3FB3]  }
0x39: {  	_ = 	snop;
	(pc) =	sbr.ind lr, $3  }
0x3a: {  	_ = 	snop  }
0x3b: {  	_ = 	snop  }
0x3c: {  	p2 =	seq.s32 s10, $0x1;
	s10 =	sld [smem:$0x3FB2]  }
0x3d: {  	_ =	shalt  }
0x3e: {  	_ =	shalt  }
0x3f: {  	_ =	shalt  }
0x40: {  	_ =	shalt  }
0x41: {  	_ =	shalt  }
0x42: {  	_ =	shalt  }
0x43: {  	_ =	shalt  }
0x44: {  	_ =	shalt  }
0x45: {  	_ =	shalt  }
0x46: {  	_ =	shalt  }
0x47: {  	_ =	shalt  }
0x48: {  	_ =	shalt  }
0x49: {  	_ =	shalt  }
0x4a: {  	_ =	shalt  }
0x4b: {  	_ =	shalt  }
0x4c: {  	_ =	shalt  }
0x4d: {  	_ =	shalt  }
0x4e: {  	_ =	shalt  }
0x4f: {  	_ =	shalt  }
0x50: {  	_ =	shalt  }
0x51: {  	_ =	shalt  }
0x52: {  	_ =	shalt  }
0x53: {  	_ =	shalt  }
0x54: {  	_ =	shalt  }
0x55: {  	_ =	shalt  }
0x56: {  	_ =	shalt  }
0x57: {  	_ =	shalt  }
0x58: {  	_ =	shalt  }
0x59: {  	_ =	shalt  }
0x5a: {  	_ =	shalt  }
0x5b: {  	_ =	shalt  }
0x5c: {  	_ =	shalt  }
0x5d: {  	_ =	shalt  }
0x5e: {  	_ =	shalt  }
0x5f: {  	_ =	shalt  }
0x60: {  	_ =	shalt  }
0x61: {  	_ =	shalt  }
0x62: {  	_ =	shalt  }
0x63: {  	_ =	shalt  }
0x64: {  	_ =	shalt  }
0x65: {  	_ =	shalt  }
0x66: {  	_ =	shalt  }
0x67: {  	_ =	shalt  }
0x68: {  	_ =	shalt  }
0x69: {  	_ =	shalt  }
0x6a: {  	_ =	shalt  }
0x6b: {  	_ =	shalt  }
0x6c: {  	_ =	shalt  }
0x6d: {  	_ =	shalt  }
0x6e: {  	_ =	shalt  }
0x6f: {  	_ =	shalt  }
0x70: {  	_ =	shalt  }
0x71: {  	_ =	shalt  }
0x72: {  	_ =	shalt  }
0x73: {  	_ =	shalt  }
0x74: {  	_ =	shalt  }
0x75: {  	_ =	shalt  }
0x76: {  	_ =	shalt  }
0x77: {  	_ =	shalt  }
0x78: {  	_ =	shalt  }
0x79: {  	_ =	shalt  }
0x7a: {  	_ =	shalt  }
0x7b: {  	_ =	shalt  }
0x7c: {  	_ =	shalt  }
0x7d: {  	_ =	shalt  }
0x7e: {  	_ =	shalt  }
0x7f: {  	_ =	shalt  }
0x80: {  	_ =	shalt  }
0x81: {  	_ =	shalt  }
0x82: {  	_ =	shalt  }
0x83: {  	_ =	shalt  }
0x84: {  	_ =	shalt  }
0x85: {  	_ =	shalt  }
0x86: {  	_ =	shalt  }
0x87: {  	_ =	shalt  }
.Lfunc_end0:
.L_simem_size_0:
called_computation.1_lowered:
.L_overlay_start_0:
0x88: {  	s2 =	sld [smem:$0x3FD9]  }
0x89: {  	s3 =	sld [smem:$0x3FFE];
	_ =	sdelay $0x1  }
0x8a: {  	s1 =	srdreg.scid  }
0x8b: {  	s0 =	sand.u32 $0x1, s1  }
0x8c: {  	s16 =	sshll.u32 s0, $0xA;
	s2 =	sadd.s32 s3, s2  }
0x8d: {  	s2 =	sadd.s32 s2, s16  }
0x8e: {  	[smem:$0x3FBE] =	sst s2  }
0x8f: {  	_ = 	snop  }
0x90: {  	(tm) =	ssettm $0x1  }
0x91: {  	s17 =	sld [smem:$0x3FFB];
	_ =	sdelay $0x3  }
0x92: {  	_ =	strace s17  }
0x93: {  	s2 =	sld [smem:$0x3FFC];
	_ =	sdelay $0x3  }
0x94: {  	_ =	strace s2  }
0x95: {  	s2 =	sld [smem:$0x3FFD];
	_ =	sdelay $0x3  }
0x96: {  	_ =	strace s2  }
0x97: {  	_ =	strace $0x8FFFFFFF  }
0x98: {  	s18 =	sld [smem:$0x3FDB];
	_ =	sdelay $0x1  }
0x99: {  	s19 =	simm.s32 $_scs_section_size  }
0x9a: {  	s4 =	simm.s32 $_size__tile_overlayer_lowered;
	s5 =	simm.s32 $_tile_overlayer_lowered  }
0x9b: {  	s22 =	simm.s32 $0x1BFF;
	s21 =	sshll.u32 s5, $0x1;
	s2 =	sadd.s32 s19, s18  }
0x9c: {  	s6 =	simm.s32 $0x0;
	s20 =	sshll.u32 s4, $0x1;
	s4 =	sadd.s32 s21, s2  }
0x9d: {  	[timem:s6], [sflag:s22] =	dma.local [hbm:s4], s20  }
0x9e: {  	_ =	swait.ge [sflag:s22], s20  }
0x9f: {  	s3 =	ssub.s32 $0x0, s20;
	[sflag:s22] =	ssyncset.done $0x0  }
0xa0: {  	[sflag:s22] =	ssyncadd.s32 s3;
	_ =	sdelay $0x1  }
0xa1: {  	s23 =	simm.s32 $0x1B8B  }
0xa2: {  	_ =	swait.ge [sflag:s23], $0x1  }
0xa3: {  	[sflag:s23] =	ssyncset.done $0x0  }
0xa4: {  	s25 =	simm.s32 $0x1B8E;
	s24 =	sld [smem:$0x3FFE];
	[sflag:s23] =	ssyncadd.s32 $0xFFFFFFFF  }
0xa5: {  	s26 =	simm.s32 $execute0_lowered;
	[smem:$0x3FD2] =	sst s25  }
0xa6: {  	s4 =	sshll.u32 s26, $0x1;
	_ =	strace $0x80000049;
	[dreg:$0x1] =	wrdreg $0xFFFFFFFF  }
0xa7: {  	s28 =	simm.s32 $_size_execute0_lowered;
	s2 =	sadd.s32 s2, s4;
	[dreg:$0x0] =	wrdreg $0x0  }
0xa8: {  	s4 =	sshll.u32 s28, $0x1;
	[dreg:$0x2] =	wrdreg s2  }
0xa9: {  	[dreg:$0x3] =	wrdreg s4  }
0xaa: {  	[dreg:$0x4] =	wrdreg $0xC0  }
0xab: {  	_ =	task [dreg:s6], $0x5FFFF  }
0xac: {  	[dreg:$0x1] =	wrdreg $0xFFFFFFFF  }
0xad: {  	[dreg:$0x0] =	wrdreg $0x60  }
0xae: {  	[dreg:$0x2] =	wrdreg s24  }
0xaf: {  	[dreg:$0x3] =	wrdreg $0x90000  }
0xb0: {  	[dreg:$0x4] =	wrdreg $0x9  }
0xb1: {  	_ =	task.clear_ibuf [dreg:s6], $0x5FFFF;
	_ =	strace $0x90000049  }
0xb2: {  	s29 =	simm.s32 $0x9;
	_ =	strace $0x8000004B  }
0xb3: {  	_ =	swait.ge [sflag:s29], $0x1  }
0xb4: {  	[sflag:s29] =	ssyncadd.s32 $0xFFFFFFFF  }
0xb5: {  	_ =	strace $0x9000004B  }
0xb6: {  	_ =	sfence  }
0xb7: {  	s30 =	sld [smem:$0x0];
	_ =	sdelay $0x2  }
0xb8: {  	s31 =	sshll.u32 s1, $0xD;
	s1 =	sshrl.u32 s1, $0x2  }
0xb9: {  	s3 =	sand.u32 $0x4000, s31;
	s1 =	sadd.s32 s1, s30  }
0xba: {  	s0 =	sor.u32 s3, s0;
	s1 =	sshll.u32 s1, $0x11  }
0xbb: {  	s0 =	sor.u32 s1, s0  }
0xbc: {  	s0 =	sadd.s32 $0x8F2B, s0  }
0xbd: {  	[sflag:s0] =	ssyncadd.remote.s32 $0x1  }
0xbe: {  	_ =	sfence.sel $0xFFFF  }
0xbf: {  	[dreg:$0x0] =	wrdreg $0xFFFFFFFF;
	(pc) =	sbr.abs _section_cstart, $3  }
0xc0: {  	[dreg:$0x1] =	wrdreg $0xFFFFFFFF  }
0xc1: {  	_ =	task.clear_ibuf [dreg:s6], $0x2FFFF;
	_ =	strace $0x9FFFFFFF  }
0xc2: {  	(tm) =	ssettm $0x7FFFFFFF  }
0xc3: {  	_ =	shalt  }
tec
execute0_lowered:
.L_overlay_start_1:
0x0: {  	(tag) =	ssettag $0x1  }
0x1: {  	s5 =	rddreg [dreg:$0x0]  }
0x2: {  	s2 =	rddreg [dreg:$0x1];
	s3 =	srdreg.scid  }
0x3: {  	s0 =	rddreg [dreg:$0x2];
	s1 =	stileid.u32;
	s14 =	simm.s32 $0x2  }
0x4: {  	s15 =	simm.s32 $0x2800;
	s16 =	simm.s32 $0x5000;
	s17 =	simm.s32 $0x80  }
0x5: {  	s18 =	simm.s32 $0x1;
	s21 =	simm.s32 $0x0;
	s9 =	smul.u32 $0x14000, s1  }
0x6: {  	s6 =	sand.u32 $0x1, s3;
	s3 =	simm.s32 $0x0;
	s30 =	smul.u32 $0x50000, s1  }
0x7: {  	s4 =	sshll.u32 s1, $0x1;
	s19 =	sshll.u32 s1, $0x6;
	s7 =	smul.u32 $0x140000, s6  }
0x8: {  	[smem:$0x7FF] =	sst s3;
	s8 =	sor.u32 s6, s4;
	s4 =	sadd.s32 $0x6AA00, s5  }
0x9: {  	s6 =	ssub.s32 $0x2, s6;
	s19 =	sor.u32 $0x1C02, s19;
	_ =	strace $0x8000004A  }
0xa: {  	s8 =	smul.u32 $0x500, s8;
	s10 =	sshrl.u32 s6, $0x1;
	s7 =	sadd.s32 s9, s7  }
0xb: {  	s31 =	sshrl.u32 s30, $0x2;
	s13 =	ssub.s32 s6, s10;
	s7 =	sshrl.u32 s7, $0x3  }
0xc: {  	s8 =	sadd.s32 s8, s5;
	s13 =	smax.u32 s13, $0x1;
	s12 =	sadd.s32 s7, s5  }
0xd: {  	s5 =	sadd.s32 $0x2EA00, s8;
	s6 =	sadd.s32 $0x38A00, s8;
	s7 =	sadd.s32 s31, s2  }
0xe: {  	s8 =	sadd.s32 $0x4000, s7;
	s9 =	sadd.s32 $0x8000, s7;
	s10 =	sadd.s32 $0xC000, s7  }
0xf: {  	v0 =	vimm.f32 $0.0e+00;
	s11 =	sadd.s32 $0x10000, s7;
	s12 =	sadd.s32 $0x92A00, s12;
	s20 =	sshrl.u32 s7, $0x3  }
.LBB2_1:
0x10: {  	[tilespmem:s3], [sflag:$0x2] =	stream.linear.gather [hbm4b:s5+s3], $0x2780, $0x38;
	[tilespmem:$0x1D000] =	vst v63  }
0x11: {  	_ =	swait.ge [sflag:s14], $0x2780  }
0x12: {  	[sflag:s14] =	ssyncset.done $0x0  }
0x13: {  	[sflag:s14] =	ssyncadd.s32 $0xFFFFD880  }
0x14: {  	[tilespmem:s15], [sflag:$0x2] =	stream.linear.gather [hbm4b:s6+s3], $0x2780, $0x38;
	[tilespmem:$0x1D000] =	vst v63  }
0x15: {  	_ =	swait.ge [sflag:s14], $0x2780  }
0x16: {  	[sflag:s14] =	ssyncset.done $0x0  }
0x17: {  	s22 =	simm.s32 $0x0;
	s23 =	simm.s32 $0x200;
	[sflag:s14] =	ssyncadd.s32 $0xFFFFD880  }
.LBB2_2:
0x18: {  	p0 =	sne.s32 s23, $0xFE00;
	[tilespmem:s22+$0x5070] =	vst v0  }
0x19: {  	[tilespmem:s22+$0x5000] =	vst v0  }
0x1a: {  	[tilespmem:s22+$0x5010] =	vst v0  }
.Ltmp0:
0x1b: {  	[tilespmem:s22+$0x5020] =	vst v0;
	(pc) =	sbr.rel @p0 .LBB2_2-.Ltmp0, $4  }
0x1c: {  	[tilespmem:s22+$0x5030] =	vst v0  }
0x1d: {  	[tilespmem:s22+$0x5040] =	vst v0  }
0x1e: {  	[tilespmem:s22+$0x5050] =	vst v0  }
0x1f: {  	[tilespmem:s22+$0x5060] =	vst v0;
	s22 =	sshra.s32 s23, $0x2;
	s23 =	sadd.s32 $0x200, s23  }
0x20: {  	[tilespmem:s22+$0x5070] =	vst v0  }
0x21: {  	[tilespmem:s22+$0x5000] =	vst v0  }
0x22: {  	[tilespmem:s22+$0x5010] =	vst v0  }
0x23: {  	[tilespmem:s22+$0x5020] =	vst v0  }
0x24: {  	[tilespmem:s22+$0x5030] =	vst v0  }
0x25: {  	[tilespmem:s22+$0x5040] =	vst v0  }
0x26: {  	[tilespmem:s22+$0x5050] =	vst v0  }
0x27: {  	[tilespmem:s22+$0x5060] =	vst v0  }
0x28: {  	[spmem:s7] =	stream.linear.scatter [tilespmem:s16], [sflag:$0x2], $0x4000, $0x38;
	[tilespmem:$0x1D000] =	vst v63  }
0x29: {  	_ =	swait.ge [sflag:s14], $0x4000  }
0x2a: {  	[sflag:s14] =	ssyncset.done $0x0  }
0x2b: {  	[sflag:s14] =	ssyncadd.s32 $0xFFFFC000  }
0x2c: {  	[spmem:s8] =	stream.linear.scatter [tilespmem:s16], [sflag:$0x2], $0x4000, $0x38;
	[tilespmem:$0x1D000] =	vst v63  }
0x2d: {  	_ =	swait.ge [sflag:s14], $0x4000  }
0x2e: {  	[sflag:s14] =	ssyncset.done $0x0  }
0x2f: {  	[sflag:s14] =	ssyncadd.s32 $0xFFFFC000  }
0x30: {  	[spmem:s9] =	stream.linear.scatter [tilespmem:s16], [sflag:$0x2], $0x4000, $0x38;
	[tilespmem:$0x1D000] =	vst v63  }
0x31: {  	_ =	swait.ge [sflag:s14], $0x4000  }
0x32: {  	[sflag:s14] =	ssyncset.done $0x0  }
0x33: {  	[sflag:s14] =	ssyncadd.s32 $0xFFFFC000  }
0x34: {  	[spmem:s10] =	stream.linear.scatter [tilespmem:s16], [sflag:$0x2], $0x4000, $0x38;
	[tilespmem:$0x1D000] =	vst v63  }
0x35: {  	_ =	swait.ge [sflag:s14], $0x4000  }
0x36: {  	[sflag:s14] =	ssyncset.done $0x0  }
0x37: {  	[sflag:s14] =	ssyncadd.s32 $0xFFFFC000  }
0x38: {  	[spmem:s11] =	stream.linear.scatter [tilespmem:s16], [sflag:$0x2], $0x4000, $0x38;
	[tilespmem:$0x1D000] =	vst v63  }
0x39: {  	_ =	swait.ge [sflag:s14], $0x4000  }
0x3a: {  	[sflag:s14] =	ssyncset.done $0x0  }
0x3b: {  	[sflag:s14] =	ssyncadd.s32 $0xFFFFC000  }
0x3c: {  	s30 =	simm.s32 $0x0;
	[bflag:$0x0] =	sbarrier.arrive $0xFFFF  }
0x3d: {  	[tilespmem:s16], [sflag:$0x1] =	stream.indirect.gather [hbm4b:s4+s17], $0x80, s30, s17, $0xb8;
	[tilespmem:$0x1D000] =	vst v63  }
0x3e: {  	_ =	swait.ge [sflag:s18], $0x4000  }
0x3f: {  	[sflag:s18] =	ssyncset.done $0x0  }
0x40: {  	s31 =	simm.s32 $0x2800;
	[sflag:s18] =	ssyncadd.s32 $0xFFFFC000  }
0x41: {  	[spmem:s2] =	stream.indirect.scatter.add.f32 [tilespmem:s16], [sflag:$0x2], $0x80, s31, s17, $0xb8;
	[tilespmem:$0x1D000] =	vst v63  }
0x42: {  	_ =	swait.ge [sflag:s14], $0x4000  }
0x43: {  	s22 =	simm.s32 $0x200;
	s23 =	simm.s32 $0x400;
	[sflag:s14] =	ssyncset.done $0x0  }
.LBB2_4:
0x44: {  	s24 =	sshra.s32 s22, $0x2  }
0x45: {  	[sflag:s14] =	ssyncadd.s32 $0xFFFFC000;
	s22 =	smov.u32 s23;
	s25 =	sadd.s32 $0x200, s23  }
0x46: {  	[tilespmem:s16], [sflag:$0x1] =	stream.indirect.gather [hbm4b:s4+s17], $0x80, s24, s17, $0xb8;
	[tilespmem:$0x1D000] =	vst v63  }
0x47: {  	p0 =	sne.s32 s23, $0x9C00;
	_ =	swait.ge [sflag:s18], $0x4000  }
.Ltmp1:
0x48: {  	[sflag:s18] =	ssyncset.done $0x0;
	(pc) =	sbr.rel @p0 .LBB2_4-.Ltmp1, $4  }
0x49: {  	s23 =	sadd.s32 $0x2800, s24;
	[sflag:s18] =	ssyncadd.s32 $0xFFFFC000  }
0x4a: {  	[spmem:s2] =	stream.indirect.scatter.add.f32 [tilespmem:s16], [sflag:$0x2], $0x80, s23, s17, $0xb8;
	[tilespmem:$0x1D000] =	vst v63  }
0x4b: {  	_ =	swait.ge [sflag:s14], $0x4000  }
0x4c: {  	s23 =	smov.u32 s25;
	[sflag:s14] =	ssyncset.done $0x0  }
0x4d: {  	s22 =	sshra.s32 s22, $0x2;
	[sflag:s14] =	ssyncadd.s32 $0xFFFFC000  }
0x4e: {  	[tilespmem:s16], [sflag:$0x1] =	stream.indirect.gather [hbm4b:s4+s17], $0x80, s22, s17, $0xb8;
	[tilespmem:$0x1D000] =	vst v63  }
0x4f: {  	_ =	swait.ge [sflag:s18], $0x4000  }
0x50: {  	[sflag:s18] =	ssyncset.done $0x0  }
0x51: {  	s22 =	sadd.s32 $0x2800, s22;
	[sflag:s18] =	ssyncadd.s32 $0xFFFFC000  }
0x52: {  	[spmem:s2] =	stream.indirect.scatter.add.f32 [tilespmem:s16], [sflag:$0x2], $0x80, s22, s17, $0xb8;
	[tilespmem:$0x1D000] =	vst v63  }
0x53: {  	_ =	swait.ge [sflag:s14], $0x4000  }
0x54: {  	s21 =	sadd.s32 $0x1, s21;
	[sflag:s14] =	ssyncset.done $0x0  }
0x55: {  	p0 =	sne.s32 s21, s13;
	[sflag:s14] =	ssyncadd.s32 $0xFFFFC000  }
.Ltmp2:
0x56: {  	[bflag:$0x0] =	sbarrier.arrive $0xFFFF;
	(pc) =	sbr.rel @p0 .LBB2_1-.Ltmp2, $4  }
0x57: {  	[hbm:s12], [sflag:s19] =	dma.local [spmem:s20], $0x2800  }
0x58: {  	_ =	swait.ge [sflag:s14], $0x2800  }
0x59: {  	[sflag:s14] =	ssyncset.done $0x0  }
0x5a: {  	[sflag:s14] =	ssyncadd.s32 $0xFFFFD800  }
0x5b: {  	_ =	sfence.sel $0x180000  }
0x5c: {  	[bflag:$0x0] =	sbarrier.arrive $0xFFFF  }
0x5d: {  	p0 =	sne.s32 s1, $0x0;
	_ =	strace $0x9000004A  }
0x5e: {  	s0 =	sadd.s32 @!p0 $0x100000, s0;
	[bflag:$0x2] =	sbarrier.arrive $0xFFFF  }
0x5f: {  	[sflag:s0] =	ssyncadd.tile.s32 @!p0 $0x1;
	_ =	shalt  }
.Lfunc_end2:
_tile_overlayer_lowered:
.L_overlay_start_2:
0x60: {  	(tag) =	ssettag $0x2  }
0x61: {  	s0 =	rddreg [dreg:$0x0];
	s2 =	stileid.u32  }
0x62: {  	s1 =	rddreg [dreg:$0x1];
	p0 =	sne.s32 s2, $0x0  }
0x63: {  	s3 =	rddreg [dreg:$0x2];
	[bflag:$0x3] =	sbarrier.arrive $0xFFFF;
	s2 =	simm.s32 @!p0 $0x1C02  }
0x64: {  	[timem:s3], [sflag:s2] =	dma.local @!p0 [hbm:s0], s1  }
0x65: {  	s0 =	simm.s32 @!p0 $0x2  }
0x66: {  	_ =	swait.ge @!p0 [sflag:s0], s1  }
0x67: {  	s1 =	ssub.s32 @!p0 $0x0, s1;
	[sflag:s0] =	ssyncset.done @!p0 $0x0  }
0x68: {  	[sflag:s0] =	ssyncadd.s32 @!p0 s1  }
0x69: {  	[bflag:$0x3] =	sbarrier.arrive $0xFFFF  }
0x6a: {  	_ =	shalt  }

// kernel: kernel.23.cloned.1.call-start
scs
__scs_entry_jumppad:
0x0: {  	(pc) =	sbr.rel $0x88, $3  }
0x1: {  	(tag) =	ssettag $0x0;
	lr =	simm.s32 $0x1  }
0x2: {  	[smem:$0x3F97] =	sst lr;
	_ =	strace $0xD0000000  }
0x3: {  	_ = 	snop  }
0x4: {  	_ = 	snop  }
0x5: {  	_ = 	snop  }
0x6: {  	_ = 	snop  }
0x7: {  	_ = 	snop  }
__scs_overlays_trampoline_lowered:
0x8: {  	[smem:$0x3FA6] =	sst s0  }
0x9: {  	[smem:$0x3FA7] =	sst s1  }
0xa: {  	[smem:$0x3FA8] =	sst s2  }
0xb: {  	[smem:$0x3FA9] =	sst s3  }
0xc: {  	[smem:$0x3FAA] =	sst s4  }
0xd: {  	[smem:$0x3FAB] =	sst s5  }
0xe: {  	[smem:$0x3FAC] =	sst s6  }
0xf: {  	[smem:$0x3FAD] =	sst s7  }
0x10: {  	[smem:$0x3FAE] =	sst s8  }
0x11: {  	[smem:$0x3FAF] =	sst s9;
	s0 =	simm.s32 @!p0 $0x0  }
0x12: {  	s1 =	sld [smem:$0x3F95];
	s0 =	simm.s32 @p0 $0x1  }
0x13: {  	[smem:$0x3FB0] =	sst s0;
	s0 =	simm.s32 @!p1 $0x0  }
0x14: {  	s2 =	sld [smem:$0x3F94];
	s0 =	simm.s32 @p1 $0x1  }
0x15: {  	[smem:$0x3FB1] =	sst s0;
	s0 =	simm.s32 @!p2 $0x0  }
0x16: {  	s3 =	sld [smem:$0x3FDB];
	s0 =	simm.s32 @p2 $0x1  }
0x17: {  	s4 =	simm.s32 $0x1BF5;
	[smem:$0x3FB3] =	sst s0  }
0x18: {  	s0 =	sld [smem:$0x3F96];
	_ =	swait.ge [sflag:s4], $0x0  }
0x19: {  	s7 =	sld [smem:$0x3F97]  }
0x1a: {  	s8 =	sadd.s32 $0xFFFFE003, lr  }
0x1b: {  	s9 =	sadd.s32 $0xFFFFFEF7, lr;
	s5 =	simm.s32 $0xFFFFFFFF;
	p2 =	slt.u32 s8, $0xFFFFF086  }
0x1c: {  	p1 =	slt.u32 s9, $0xF7A;
	s5 =	simm.s32 @!p2 $0x0  }
0x1d: {  	s5 =	simm.s32 @p1 $0x1;
	p0 =	seq.s32 s7, s2  }
0x1e: {  	s7 =	smul.u32 @!p0 $0xF7A, s2;
	p2 =	seq.s32 @!p0 s5, $0x0  }
0x1f: {  	s9 =	smul.u32 $0xF7A, s1;
	s8 =	simm.s32 @!p0 $0x1BF5;
	p2 =	por !p2, p0  }
0x20: {  	[sflag:s8] =	ssyncset.s32 @!p0 $0xFFFFF086;
	s6 =	sadd.s32 @!p0 s3, s7;
	s7 =	simm.s32 @!p0 $0x108  }
0x21: {  	s3 =	sadd.s32 s3, s9;
	s6 =	sadd.s32 @!p0 $0x88, s6;
	s7 =	simm.s32 @p2 $0x1082  }
0x22: {  	[simem:s7], [sflag:s8] =	dma.local @!p0 [hbm:s6], $0xF7A  }
0x23: {  	s9 =	sor.u32 $0xD0000000, s2;
	s6 =	simm.s32 $0x108;
	_ =	swait.ge @!p0 [sflag:s8], $0x0  }
0x24: {  	s3 =	sadd.s32 $0x88, s3;
	s6 =	simm.s32 @!p1 $0x1082;
	[sflag:s4] =	ssyncset.s32 $0xFFFFF086  }
0x25: {  	[simem:s6], [sflag:s4] =	dma.local [hbm:s3], $0xF7A  }
0x26: {  	[smem:$0x3F97] =	sst s1;
	(tag) =	ssettag s2;
	_ =	strace s9  }
0x27: {  	s1 =	sld [smem:$0x3FA7]  }
0x28: {  	s2 =	sld [smem:$0x3FA8]  }
0x29: {  	s4 =	sld [smem:$0x3FAA]  }
0x2a: {  	p0 =	seq.s32 s5, $0x0;
	s5 =	sld [smem:$0x3FAB]  }
0x2b: {  	s6 =	sld [smem:$0x3FAC]  }
0x2c: {  	s7 =	sld [smem:$0x3FAD]  }
0x2d: {  	s3 =	simm.s32 $0x108;
	s8 =	sld [smem:$0x3FAE]  }
0x2e: {  	s3 =	simm.s32 @!p0 $0x1082;
	s9 =	sld [smem:$0x3FAF]  }
0x2f: {  	lr =	sadd.s32 s0, s3;
	s0 =	sld [smem:$0x3FA6]  }
0x30: {  	s3 =	sld [smem:$0x3FA9]  }
0x31: {  	[smem:$0x3FB2] =	sst s10  }
0x32: {  	s10 =	sld [smem:$0x3FB0];
	_ =	sdelay $0x3  }
0x33: {  	p0 =	seq.s32 s10, $0x1;
	s10 =	sld [smem:$0x3FB2];
	_ =	sdelay $0x3  }
0x34: {  	[smem:$0x3FB2] =	sst s10  }
0x35: {  	s10 =	sld [smem:$0x3FB1];
	_ =	sdelay $0x3  }
0x36: {  	p1 =	seq.s32 s10, $0x1;
	s10 =	sld [smem:$0x3FB2];
	_ =	sdelay $0x3  }
0x37: {  	[smem:$0x3FB2] =	sst s10  }
0x38: {  	s10 =	sld [smem:$0x3FB3]  }
0x39: {  	_ = 	snop;
	(pc) =	sbr.ind lr, $3  }
0x3a: {  	_ = 	snop  }
0x3b: {  	_ = 	snop  }
0x3c: {  	p2 =	seq.s32 s10, $0x1;
	s10 =	sld [smem:$0x3FB2]  }
0x3d: {  	_ =	shalt  }
0x3e: {  	_ =	shalt  }
0x3f: {  	_ =	shalt  }
0x40: {  	_ =	shalt  }
0x41: {  	_ =	shalt  }
0x42: {  	_ =	shalt  }
0x43: {  	_ =	shalt  }
0x44: {  	_ =	shalt  }
0x45: {  	_ =	shalt  }
0x46: {  	_ =	shalt  }
0x47: {  	_ =	shalt  }
0x48: {  	_ =	shalt  }
0x49: {  	_ =	shalt  }
0x4a: {  	_ =	shalt  }
0x4b: {  	_ =	shalt  }
0x4c: {  	_ =	shalt  }
0x4d: {  	_ =	shalt  }
0x4e: {  	_ =	shalt  }
0x4f: {  	_ =	shalt  }
0x50: {  	_ =	shalt  }
0x51: {  	_ =	shalt  }
0x52: {  	_ =	shalt  }
0x53: {  	_ =	shalt  }
0x54: {  	_ =	shalt  }
0x55: {  	_ =	shalt  }
0x56: {  	_ =	shalt  }
0x57: {  	_ =	shalt  }
0x58: {  	_ =	shalt  }
0x59: {  	_ =	shalt  }
0x5a: {  	_ =	shalt  }
0x5b: {  	_ =	shalt  }
0x5c: {  	_ =	shalt  }
0x5d: {  	_ =	shalt  }
0x5e: {  	_ =	shalt  }
0x5f: {  	_ =	shalt  }
0x60: {  	_ =	shalt  }
0x61: {  	_ =	shalt  }
0x62: {  	_ =	shalt  }
0x63: {  	_ =	shalt  }
0x64: {  	_ =	shalt  }
0x65: {  	_ =	shalt  }
0x66: {  	_ =	shalt  }
0x67: {  	_ =	shalt  }
0x68: {  	_ =	shalt  }
0x69: {  	_ =	shalt  }
0x6a: {  	_ =	shalt  }
0x6b: {  	_ =	shalt  }
0x6c: {  	_ =	shalt  }
0x6d: {  	_ =	shalt  }
0x6e: {  	_ =	shalt  }
0x6f: {  	_ =	shalt  }
0x70: {  	_ =	shalt  }
0x71: {  	_ =	shalt  }
0x72: {  	_ =	shalt  }
0x73: {  	_ =	shalt  }
0x74: {  	_ =	shalt  }
0x75: {  	_ =	shalt  }
0x76: {  	_ =	shalt  }
0x77: {  	_ =	shalt  }
0x78: {  	_ =	shalt  }
0x79: {  	_ =	shalt  }
0x7a: {  	_ =	shalt  }
0x7b: {  	_ =	shalt  }
0x7c: {  	_ =	shalt  }
0x7d: {  	_ =	shalt  }
0x7e: {  	_ =	shalt  }
0x7f: {  	_ =	shalt  }
0x80: {  	_ =	shalt  }
0x81: {  	_ =	shalt  }
0x82: {  	_ =	shalt  }
0x83: {  	_ =	shalt  }
0x84: {  	_ =	shalt  }
0x85: {  	_ =	shalt  }
0x86: {  	_ =	shalt  }
0x87: {  	_ =	shalt  }
.Lfunc_end0:
.L_simem_size_0:
called_computation.2_lowered:
.L_overlay_start_0:
0x88: {  	s2 =	sld [smem:$0x3FD9]  }
0x89: {  	s3 =	sld [smem:$0x3FFE];
	_ =	sdelay $0x1  }
0x8a: {  	s1 =	srdreg.scid  }
0x8b: {  	s0 =	sand.u32 $0x1, s1  }
0x8c: {  	s17 =	sshll.u32 s0, $0xA;
	s2 =	sadd.s32 s3, s2  }
0x8d: {  	s2 =	sadd.s32 s2, s17  }
0x8e: {  	[smem:$0x3FBE] =	sst s2  }
0x8f: {  	_ = 	snop  }
0x90: {  	(tm) =	ssettm $0x1  }
0x91: {  	s18 =	sld [smem:$0x3FFB];
	_ =	sdelay $0x3  }
0x92: {  	_ =	strace s18  }
0x93: {  	s2 =	sld [smem:$0x3FFC];
	_ =	sdelay $0x3  }
0x94: {  	_ =	strace s2  }
0x95: {  	s2 =	sld [smem:$0x3FFD];
	_ =	sdelay $0x3  }
0x96: {  	_ =	strace s2  }
0x97: {  	_ =	strace $0x8FFFFFFF  }
0x98: {  	s19 =	sld [smem:$0x3FDB];
	_ =	sdelay $0x1  }
0x99: {  	s20 =	simm.s32 $_scs_section_size  }
0x9a: {  	s4 =	simm.s32 $_size__tile_overlayer_lowered;
	s5 =	simm.s32 $_tile_overlayer_lowered  }
0x9b: {  	s6 =	simm.s32 $0x1BFF;
	s21 =	sshll.u32 s5, $0x1;
	s3 =	sadd.s32 s20, s19  }
0x9c: {  	s22 =	simm.s32 $0x0;
	s4 =	sshll.u32 s4, $0x1;
	s5 =	sadd.s32 s21, s3  }
0x9d: {  	[timem:s22], [sflag:s6] =	dma.local [hbm:s5], s4  }
0x9e: {  	_ =	swait.ge [sflag:s6], s4  }
0x9f: {  	s4 =	ssub.s32 $0x0, s4;
	[sflag:s6] =	ssyncset.done $0x0  }
0xa0: {  	[sflag:s6] =	ssyncadd.s32 s4;
	_ =	sdelay $0x1  }
0xa1: {  	s23 =	simm.s32 $0x1B8B  }
0xa2: {  	_ =	swait.ge [sflag:s23], $0x1  }
0xa3: {  	[sflag:s23] =	ssyncset.done $0x0  }
0xa4: {  	[sflag:s23] =	ssyncadd.s32 $0xFFFFFFFF  }
0xa5: {  	s4 =	sld [smem:$0x0]  }
0xa6: {  	s5 =	sand.u32 $0xFFFFFFFE, s1  }
0xa7: {  	p0 =	sne.s32 s1, s5  }
0xa8: {  	s5 =	sshll.u32 @p0 s5, $0xE  }
0xa9: {  	s5 =	sadd.s32 @p0 $0x11B8D, s5;
	s6 =	sshll.u32 @p0 s4, $0x11  }
0xaa: {  	s5 =	sor.u32 @p0 s6, s5  }
0xab: {  	[sflag:s5] =	ssyncadd.remote.s32 @p0 $0x1;
	_ =	sdelay $0x1  }
0xac: {  	s5 =	simm.s32 @p0 $0x1B8D  }
0xad: {  	_ =	swait.eq @p0 [sflag:s5], $0x1  }
0xae: {  	[sflag:s5] =	ssyncadd.s32 @p0 $0xFFFFFFFF  }
0xaf: {  	s6 =	sshll.u32 @!p0 s1, $0xE  }
0xb0: {  	s6 =	sor.u32 @!p0 $0x4000, s6;
	s5 =	simm.s32 @!p0 $0x1B8D  }
0xb1: {  	s4 =	sshll.u32 @!p0 s4, $0x11;
	s6 =	sadd.s32 @!p0 $0x11B8D, s6;
	_ =	swait.eq @!p0 [sflag:s5], $0x1  }
0xb2: {  	s4 =	sor.u32 @!p0 s4, s6;
	[sflag:s5] =	ssyncadd.s32 @!p0 $0xFFFFFFFF  }
0xb3: {  	s25 =	simm.s32 $0x1B8E;
	s24 =	sld [smem:$0x3FFE];
	[sflag:s4] =	ssyncadd.remote.s32 @!p0 $0x1  }
0xb4: {  	s26 =	simm.s32 $execute0_lowered;
	[smem:$0x3FD2] =	sst s25  }
0xb5: {  	s5 =	sshll.u32 s26, $0x1;
	_ =	strace $0x8000004F;
	[dreg:$0x1] =	wrdreg $0xFFFFFFFF  }
0xb6: {  	s28 =	simm.s32 $_size_execute0_lowered;
	s3 =	sadd.s32 s3, s5;
	[dreg:$0x0] =	wrdreg $0x0  }
0xb7: {  	s5 =	sshll.u32 s28, $0x1;
	[dreg:$0x2] =	wrdreg s3  }
0xb8: {  	[dreg:$0x3] =	wrdreg s5  }
0xb9: {  	[dreg:$0x4] =	wrdreg $0xC0  }
0xba: {  	_ =	task [dreg:s22], $0x5FFFF  }
0xbb: {  	[dreg:$0x1] =	wrdreg $0xFFFFFFFF  }
0xbc: {  	[dreg:$0x0] =	wrdreg $0x60  }
0xbd: {  	[dreg:$0x2] =	wrdreg s24  }
0xbe: {  	[dreg:$0x3] =	wrdreg $0x90000  }
0xbf: {  	[dreg:$0x4] =	wrdreg $0x9  }
0xc0: {  	_ =	task.clear_ibuf [dreg:s22], $0x5FFFF;
	_ =	strace $0x9000004F  }
0xc1: {  	s29 =	simm.s32 $0x9;
	_ =	strace $0x80000051  }
0xc2: {  	_ =	swait.ge [sflag:s29], $0x1  }
0xc3: {  	[sflag:s29] =	ssyncadd.s32 $0xFFFFFFFF  }
0xc4: {  	_ =	strace $0x90000051  }
0xc5: {  	_ =	sfence  }
0xc6: {  	s30 =	sld [smem:$0x0];
	_ =	sdelay $0x2  }
0xc7: {  	s31 =	sshll.u32 s1, $0xD;
	s1 =	sshrl.u32 s1, $0x2  }
0xc8: {  	s4 =	sand.u32 $0x4000, s31;
	s1 =	sadd.s32 s1, s30  }
0xc9: {  	s0 =	sor.u32 s4, s0;
	s1 =	sshll.u32 s1, $0x11  }
0xca: {  	s0 =	sor.u32 s1, s0  }
0xcb: {  	s0 =	sadd.s32 $0x8F2B, s0  }
0xcc: {  	[sflag:s0] =	ssyncadd.remote.s32 $0x1  }
0xcd: {  	_ =	sfence.sel $0xFFFF  }
0xce: {  	[dreg:$0x0] =	wrdreg $0xFFFFFFFF;
	(pc) =	sbr.abs _section_cstart, $3  }
0xcf: {  	[dreg:$0x1] =	wrdreg $0xFFFFFFFF  }
0xd0: {  	_ =	task.clear_ibuf [dreg:s22], $0x2FFFF;
	_ =	strace $0x9FFFFFFF  }
0xd1: {  	(tm) =	ssettm $0x7FFFFFFF  }
tec
execute0_lowered:
.L_overlay_start_1:
0x0: {  	(tag) =	ssettag $0x1  }
0x1: {  	s5 =	rddreg [dreg:$0x0]  }
0x2: {  	s2 =	rddreg [dreg:$0x1];
	s3 =	srdreg.scid  }
0x3: {  	s0 =	rddreg [dreg:$0x2];
	s1 =	stileid.u32;
	s14 =	simm.s32 $0x2  }
0x4: {  	s15 =	simm.s32 $0x2800;
	s16 =	simm.s32 $0x5000;
	s17 =	simm.s32 $0x80  }
0x5: {  	s18 =	simm.s32 $0x1;
	s21 =	simm.s32 $0x0;
	s9 =	smul.u32 $0x14000, s1  }
0x6: {  	s6 =	sand.u32 $0x1, s3;
	s3 =	simm.s32 $0x0;
	s30 =	smul.u32 $0x50000, s1  }
0x7: {  	s4 =	sshll.u32 s1, $0x1;
	s19 =	sshll.u32 s1, $0x6;
	s7 =	smul.u32 $0x140000, s6  }
0x8: {  	[smem:$0x7FF] =	sst s3;
	s8 =	sor.u32 s6, s4;
	s4 =	sadd.s32 $0x42A00, s5  }
0x9: {  	s6 =	ssub.s32 $0x2, s6;
	s19 =	sor.u32 $0x1C02, s19;
	_ =	strace $0x80000050  }
0xa: {  	s8 =	smul.u32 $0x500, s8;
	s10 =	sshrl.u32 s6, $0x1;
	s7 =	sadd.s32 s9, s7  }
0xb: {  	s31 =	sshrl.u32 s30, $0x2;
	s13 =	ssub.s32 s6, s10;
	s7 =	sshrl.u32 s7, $0x3  }
0xc: {  	s8 =	sadd.s32 s8, s5;
	s13 =	smax.u32 s13, $0x1;
	s12 =	sadd.s32 s7, s5  }
0xd: {  	s5 =	sadd.s32 $0x2EA00, s8;
	s6 =	sadd.s32 $0x38A00, s8;
	s7 =	sadd.s32 s31, s2  }
0xe: {  	s8 =	sadd.s32 $0x4000, s7;
	s9 =	sadd.s32 $0x8000, s7;
	s10 =	sadd.s32 $0xC000, s7  }
0xf: {  	v0 =	vimm.f32 $0.0e+00;
	s11 =	sadd.s32 $0x10000, s7;
	s12 =	sadd.s32 $0x6AA00, s12;
	s20 =	sshrl.u32 s7, $0x3  }
.LBB2_1:
0x10: {  	[tilespmem:s3], [sflag:$0x2] =	stream.linear.gather [hbm4b:s5+s3], $0x2780, $0x38;
	[tilespmem:$0x1D000] =	vst v63  }
0x11: {  	_ =	swait.ge [sflag:s14], $0x2780  }
0x12: {  	[sflag:s14] =	ssyncset.done $0x0  }
0x13: {  	[sflag:s14] =	ssyncadd.s32 $0xFFFFD880  }
0x14: {  	[tilespmem:s15], [sflag:$0x2] =	stream.linear.gather [hbm4b:s6+s3], $0x2780, $0x38;
	[tilespmem:$0x1D000] =	vst v63  }
0x15: {  	_ =	swait.ge [sflag:s14], $0x2780  }
0x16: {  	[sflag:s14] =	ssyncset.done $0x0  }
0x17: {  	s22 =	simm.s32 $0x0;
	s23 =	simm.s32 $0x200;
	[sflag:s14] =	ssyncadd.s32 $0xFFFFD880  }
.LBB2_2:
0x18: {  	p0 =	sne.s32 s23, $0xFE00;
	[tilespmem:s22+$0x5070] =	vst v0  }
0x19: {  	[tilespmem:s22+$0x5000] =	vst v0  }
0x1a: {  	[tilespmem:s22+$0x5010] =	vst v0  }
.Ltmp0:
0x1b: {  	[tilespmem:s22+$0x5020] =	vst v0;
	(pc) =	sbr.rel @p0 .LBB2_2-.Ltmp0, $4  }
0x1c: {  	[tilespmem:s22+$0x5030] =	vst v0  }
0x1d: {  	[tilespmem:s22+$0x5040] =	vst v0  }
0x1e: {  	[tilespmem:s22+$0x5050] =	vst v0  }
0x1f: {  	[tilespmem:s22+$0x5060] =	vst v0;
	s22 =	sshra.s32 s23, $0x2;
	s23 =	sadd.s32 $0x200, s23  }
0x20: {  	[tilespmem:s22+$0x5070] =	vst v0  }
0x21: {  	[tilespmem:s22+$0x5000] =	vst v0  }
0x22: {  	[tilespmem:s22+$0x5010] =	vst v0  }
0x23: {  	[tilespmem:s22+$0x5020] =	vst v0  }
0x24: {  	[tilespmem:s22+$0x5030] =	vst v0  }
0x25: {  	[tilespmem:s22+$0x5040] =	vst v0  }
0x26: {  	[tilespmem:s22+$0x5050] =	vst v0  }
0x27: {  	[tilespmem:s22+$0x5060] =	vst v0  }
0x28: {  	[spmem:s7] =	stream.linear.scatter [tilespmem:s16], [sflag:$0x2], $0x4000, $0x38;
	[tilespmem:$0x1D000] =	vst v63  }
0x29: {  	_ =	swait.ge [sflag:s14], $0x4000  }
0x2a: {  	[sflag:s14] =	ssyncset.done $0x0  }
0x2b: {  	[sflag:s14] =	ssyncadd.s32 $0xFFFFC000  }
0x2c: {  	[spmem:s8] =	stream.linear.scatter [tilespmem:s16], [sflag:$0x2], $0x4000, $0x38;
	[tilespmem:$0x1D000] =	vst v63  }
0x2d: {  	_ =	swait.ge [sflag:s14], $0x4000  }
0x2e: {  	[sflag:s14] =	ssyncset.done $0x0  }
0x2f: {  	[sflag:s14] =	ssyncadd.s32 $0xFFFFC000  }
0x30: {  	[spmem:s9] =	stream.linear.scatter [tilespmem:s16], [sflag:$0x2], $0x4000, $0x38;
	[tilespmem:$0x1D000] =	vst v63  }
0x31: {  	_ =	swait.ge [sflag:s14], $0x4000  }
0x32: {  	[sflag:s14] =	ssyncset.done $0x0  }
0x33: {  	[sflag:s14] =	ssyncadd.s32 $0xFFFFC000  }
0x34: {  	[spmem:s10] =	stream.linear.scatter [tilespmem:s16], [sflag:$0x2], $0x4000, $0x38;
	[tilespmem:$0x1D000] =	vst v63  }
0x35: {  	_ =	swait.ge [sflag:s14], $0x4000  }
0x36: {  	[sflag:s14] =	ssyncset.done $0x0  }
0x37: {  	[sflag:s14] =	ssyncadd.s32 $0xFFFFC000  }
0x38: {  	[spmem:s11] =	stream.linear.scatter [tilespmem:s16], [sflag:$0x2], $0x4000, $0x38;
	[tilespmem:$0x1D000] =	vst v63  }
0x39: {  	_ =	swait.ge [sflag:s14], $0x4000  }
0x3a: {  	[sflag:s14] =	ssyncset.done $0x0  }
0x3b: {  	[sflag:s14] =	ssyncadd.s32 $0xFFFFC000  }
0x3c: {  	s30 =	simm.s32 $0x0;
	[bflag:$0x0] =	sbarrier.arrive $0xFFFF  }
0x3d: {  	[tilespmem:s16], [sflag:$0x1] =	stream.indirect.gather [hbm4b:s4+s17], $0x80, s30, s17, $0xb8;
	[tilespmem:$0x1D000] =	vst v63  }
0x3e: {  	_ =	swait.ge [sflag:s18], $0x4000  }
0x3f: {  	[sflag:s18] =	ssyncset.done $0x0  }
0x40: {  	s31 =	simm.s32 $0x2800;
	[sflag:s18] =	ssyncadd.s32 $0xFFFFC000  }
0x41: {  	[spmem:s2] =	stream.indirect.scatter.add.f32 [tilespmem:s16], [sflag:$0x2], $0x80, s31, s17, $0xb8;
	[tilespmem:$0x1D000] =	vst v63  }
0x42: {  	_ =	swait.ge [sflag:s14], $0x4000  }
0x43: {  	s22 =	simm.s32 $0x200;
	s23 =	simm.s32 $0x400;
	[sflag:s14] =	ssyncset.done $0x0  }
.LBB2_4:
0x44: {  	s24 =	sshra.s32 s22, $0x2  }
0x45: {  	[sflag:s14] =	ssyncadd.s32 $0xFFFFC000;
	s22 =	smov.u32 s23;
	s25 =	sadd.s32 $0x200, s23  }
0x46: {  	[tilespmem:s16], [sflag:$0x1] =	stream.indirect.gather [hbm4b:s4+s17], $0x80, s24, s17, $0xb8;
	[tilespmem:$0x1D000] =	vst v63  }
0x47: {  	p0 =	sne.s32 s23, $0x9C00;
	_ =	swait.ge [sflag:s18], $0x4000  }
.Ltmp1:
0x48: {  	[sflag:s18] =	ssyncset.done $0x0;
	(pc) =	sbr.rel @p0 .LBB2_4-.Ltmp1, $4  }
0x49: {  	s23 =	sadd.s32 $0x2800, s24;
	[sflag:s18] =	ssyncadd.s32 $0xFFFFC000  }
0x4a: {  	[spmem:s2] =	stream.indirect.scatter.add.f32 [tilespmem:s16], [sflag:$0x2], $0x80, s23, s17, $0xb8;
	[tilespmem:$0x1D000] =	vst v63  }
0x4b: {  	_ =	swait.ge [sflag:s14], $0x4000  }
0x4c: {  	s23 =	smov.u32 s25;
	[sflag:s14] =	ssyncset.done $0x0  }
0x4d: {  	s22 =	sshra.s32 s22, $0x2;
	[sflag:s14] =	ssyncadd.s32 $0xFFFFC000  }
0x4e: {  	[tilespmem:s16], [sflag:$0x1] =	stream.indirect.gather [hbm4b:s4+s17], $0x80, s22, s17, $0xb8;
	[tilespmem:$0x1D000] =	vst v63  }
0x4f: {  	_ =	swait.ge [sflag:s18], $0x4000  }
0x50: {  	[sflag:s18] =	ssyncset.done $0x0  }
0x51: {  	s22 =	sadd.s32 $0x2800, s22;
	[sflag:s18] =	ssyncadd.s32 $0xFFFFC000  }
0x52: {  	[spmem:s2] =	stream.indirect.scatter.add.f32 [tilespmem:s16], [sflag:$0x2], $0x80, s22, s17, $0xb8;
	[tilespmem:$0x1D000] =	vst v63  }
0x53: {  	_ =	swait.ge [sflag:s14], $0x4000  }
0x54: {  	s21 =	sadd.s32 $0x1, s21;
	[sflag:s14] =	ssyncset.done $0x0  }
0x55: {  	p0 =	sne.s32 s21, s13;
	[sflag:s14] =	ssyncadd.s32 $0xFFFFC000  }
.Ltmp2:
0x56: {  	[bflag:$0x0] =	sbarrier.arrive $0xFFFF;
	(pc) =	sbr.rel @p0 .LBB2_1-.Ltmp2, $4  }
0x57: {  	[hbm:s12], [sflag:s19] =	dma.local [spmem:s20], $0x2800  }
0x58: {  	_ =	swait.ge [sflag:s14], $0x2800  }
0x59: {  	[sflag:s14] =	ssyncset.done $0x0  }
0x5a: {  	[sflag:s14] =	ssyncadd.s32 $0xFFFFD800  }
0x5b: {  	_ =	sfence.sel $0x180000  }
0x5c: {  	[bflag:$0x0] =	sbarrier.arrive $0xFFFF  }
0x5d: {  	p0 =	sne.s32 s1, $0x0;
	_ =	strace $0x90000050  }
0x5e: {  	s0 =	sadd.s32 @!p0 $0x100000, s0;
	[bflag:$0x2] =	sbarrier.arrive $0xFFFF  }
0x5f: {  	[sflag:s0] =	ssyncadd.tile.s32 @!p0 $0x1;
	_ =	shalt  }
.Lfunc_end2:
_tile_overlayer_lowered:
.L_overlay_start_2:
0x60: {  	(tag) =	ssettag $0x2  }
0x61: {  	s0 =	rddreg [dreg:$0x0];
	s2 =	stileid.u32  }
0x62: {  	s1 =	rddreg [dreg:$0x1];
	p0 =	sne.s32 s2, $0x0  }
0x63: {  	s3 =	rddreg [dreg:$0x2];
	[bflag:$0x3] =	sbarrier.arrive $0xFFFF;
	s2 =	simm.s32 @!p0 $0x1C02  }
0x64: {  	[timem:s3], [sflag:s2] =	dma.local @!p0 [hbm:s0], s1  }
0x65: {  	s0 =	simm.s32 @!p0 $0x2  }
0x66: {  	_ =	swait.ge @!p0 [sflag:s0], s1  }
0x67: {  	s1 =	ssub.s32 @!p0 $0x0, s1;
	[sflag:s0] =	ssyncset.done @!p0 $0x0  }
0x68: {  	[sflag:s0] =	ssyncadd.s32 @!p0 s1  }
0x69: {  	[bflag:$0x3] =	sbarrier.arrive $0xFFFF  }
0x6a: {  	_ =	shalt  }

// kernel: kernel.26.cloned.1.call-start
scs
__scs_entry_jumppad:
0x0: {  	(pc) =	sbr.rel $0x88, $3  }
0x1: {  	(tag) =	ssettag $0x0;
	lr =	simm.s32 $0x1  }
0x2: {  	[smem:$0x3F97] =	sst lr;
	_ =	strace $0xD0000000  }
0x3: {  	_ = 	snop  }
0x4: {  	_ = 	snop  }
0x5: {  	_ = 	snop  }
0x6: {  	_ = 	snop  }
0x7: {  	_ = 	snop  }
__scs_overlays_trampoline_lowered:
0x8: {  	[smem:$0x3FA6] =	sst s0  }
0x9: {  	[smem:$0x3FA7] =	sst s1  }
0xa: {  	[smem:$0x3FA8] =	sst s2  }
0xb: {  	[smem:$0x3FA9] =	sst s3  }
0xc: {  	[smem:$0x3FAA] =	sst s4  }
0xd: {  	[smem:$0x3FAB] =	sst s5  }
0xe: {  	[smem:$0x3FAC] =	sst s6  }
0xf: {  	[smem:$0x3FAD] =	sst s7  }
0x10: {  	[smem:$0x3FAE] =	sst s8  }
0x11: {  	[smem:$0x3FAF] =	sst s9;
	s0 =	simm.s32 @!p0 $0x0  }
0x12: {  	s1 =	sld [smem:$0x3F95];
	s0 =	simm.s32 @p0 $0x1  }
0x13: {  	[smem:$0x3FB0] =	sst s0;
	s0 =	simm.s32 @!p1 $0x0  }
0x14: {  	s2 =	sld [smem:$0x3F94];
	s0 =	simm.s32 @p1 $0x1  }
0x15: {  	[smem:$0x3FB1] =	sst s0;
	s0 =	simm.s32 @!p2 $0x0  }
0x16: {  	s3 =	sld [smem:$0x3FDB];
	s0 =	simm.s32 @p2 $0x1  }
0x17: {  	s4 =	simm.s32 $0x1BF5;
	[smem:$0x3FB3] =	sst s0  }
0x18: {  	s0 =	sld [smem:$0x3F96];
	_ =	swait.ge [sflag:s4], $0x0  }
0x19: {  	s7 =	sld [smem:$0x3F97]  }
0x1a: {  	s8 =	sadd.s32 $0xFFFFE003, lr  }
0x1b: {  	s9 =	sadd.s32 $0xFFFFFEF7, lr;
	s5 =	simm.s32 $0xFFFFFFFF;
	p2 =	slt.u32 s8, $0xFFFFF086  }
0x1c: {  	p1 =	slt.u32 s9, $0xF7A;
	s5 =	simm.s32 @!p2 $0x0  }
0x1d: {  	s5 =	simm.s32 @p1 $0x1;
	p0 =	seq.s32 s7, s2  }
0x1e: {  	s7 =	smul.u32 @!p0 $0xF7A, s2;
	p2 =	seq.s32 @!p0 s5, $0x0  }
0x1f: {  	s9 =	smul.u32 $0xF7A, s1;
	s8 =	simm.s32 @!p0 $0x1BF5;
	p2 =	por !p2, p0  }
0x20: {  	[sflag:s8] =	ssyncset.s32 @!p0 $0xFFFFF086;
	s6 =	sadd.s32 @!p0 s3, s7;
	s7 =	simm.s32 @!p0 $0x108  }
0x21: {  	s3 =	sadd.s32 s3, s9;
	s6 =	sadd.s32 @!p0 $0x88, s6;
	s7 =	simm.s32 @p2 $0x1082  }
0x22: {  	[simem:s7], [sflag:s8] =	dma.local @!p0 [hbm:s6], $0xF7A  }
0x23: {  	s9 =	sor.u32 $0xD0000000, s2;
	s6 =	simm.s32 $0x108;
	_ =	swait.ge @!p0 [sflag:s8], $0x0  }
0x24: {  	s3 =	sadd.s32 $0x88, s3;
	s6 =	simm.s32 @!p1 $0x1082;
	[sflag:s4] =	ssyncset.s32 $0xFFFFF086  }
0x25: {  	[simem:s6], [sflag:s4] =	dma.local [hbm:s3], $0xF7A  }
0x26: {  	[smem:$0x3F97] =	sst s1;
	(tag) =	ssettag s2;
	_ =	strace s9  }
0x27: {  	s1 =	sld [smem:$0x3FA7]  }
0x28: {  	s2 =	sld [smem:$0x3FA8]  }
0x29: {  	s4 =	sld [smem:$0x3FAA]  }
0x2a: {  	p0 =	seq.s32 s5, $0x0;
	s5 =	sld [smem:$0x3FAB]  }
0x2b: {  	s6 =	sld [smem:$0x3FAC]  }
0x2c: {  	s7 =	sld [smem:$0x3FAD]  }
0x2d: {  	s3 =	simm.s32 $0x108;
	s8 =	sld [smem:$0x3FAE]  }
0x2e: {  	s3 =	simm.s32 @!p0 $0x1082;
	s9 =	sld [smem:$0x3FAF]  }
0x2f: {  	lr =	sadd.s32 s0, s3;
	s0 =	sld [smem:$0x3FA6]  }
0x30: {  	s3 =	sld [smem:$0x3FA9]  }
0x31: {  	[smem:$0x3FB2] =	sst s10  }
0x32: {  	s10 =	sld [smem:$0x3FB0];
	_ =	sdelay $0x3  }
0x33: {  	p0 =	seq.s32 s10, $0x1;
	s10 =	sld [smem:$0x3FB2];
	_ =	sdelay $0x3  }
0x34: {  	[smem:$0x3FB2] =	sst s10  }
0x35: {  	s10 =	sld [smem:$0x3FB1];
	_ =	sdelay $0x3  }
0x36: {  	p1 =	seq.s32 s10, $0x1;
	s10 =	sld [smem:$0x3FB2];
	_ =	sdelay $0x3  }
0x37: {  	[smem:$0x3FB2] =	sst s10  }
0x38: {  	s10 =	sld [smem:$0x3FB3]  }
0x39: {  	_ = 	snop;
	(pc) =	sbr.ind lr, $3  }
0x3a: {  	_ = 	snop  }
0x3b: {  	_ = 	snop  }
0x3c: {  	p2 =	seq.s32 s10, $0x1;
	s10 =	sld [smem:$0x3FB2]  }
0x3d: {  	_ =	shalt  }
0x3e: {  	_ =	shalt  }
0x3f: {  	_ =	shalt  }
0x40: {  	_ =	shalt  }
0x41: {  	_ =	shalt  }
0x42: {  	_ =	shalt  }
0x43: {  	_ =	shalt  }
0x44: {  	_ =	shalt  }
0x45: {  	_ =	shalt  }
0x46: {  	_ =	shalt  }
0x47: {  	_ =	shalt  }
0x48: {  	_ =	shalt  }
0x49: {  	_ =	shalt  }
0x4a: {  	_ =	shalt  }
0x4b: {  	_ =	shalt  }
0x4c: {  	_ =	shalt  }
0x4d: {  	_ =	shalt  }
0x4e: {  	_ =	shalt  }
0x4f: {  	_ =	shalt  }
0x50: {  	_ =	shalt  }
0x51: {  	_ =	shalt  }
0x52: {  	_ =	shalt  }
0x53: {  	_ =	shalt  }
0x54: {  	_ =	shalt  }
0x55: {  	_ =	shalt  }
0x56: {  	_ =	shalt  }
0x57: {  	_ =	shalt  }
0x58: {  	_ =	shalt  }
0x59: {  	_ =	shalt  }
0x5a: {  	_ =	shalt  }
0x5b: {  	_ =	shalt  }
0x5c: {  	_ =	shalt  }
0x5d: {  	_ =	shalt  }
0x5e: {  	_ =	shalt  }
0x5f: {  	_ =	shalt  }
0x60: {  	_ =	shalt  }
0x61: {  	_ =	shalt  }
0x62: {  	_ =	shalt  }
0x63: {  	_ =	shalt  }
0x64: {  	_ =	shalt  }
0x65: {  	_ =	shalt  }
0x66: {  	_ =	shalt  }
0x67: {  	_ =	shalt  }
0x68: {  	_ =	shalt  }
0x69: {  	_ =	shalt  }
0x6a: {  	_ =	shalt  }
0x6b: {  	_ =	shalt  }
0x6c: {  	_ =	shalt  }
0x6d: {  	_ =	shalt  }
0x6e: {  	_ =	shalt  }
0x6f: {  	_ =	shalt  }
0x70: {  	_ =	shalt  }
0x71: {  	_ =	shalt  }
0x72: {  	_ =	shalt  }
0x73: {  	_ =	shalt  }
0x74: {  	_ =	shalt  }
0x75: {  	_ =	shalt  }
0x76: {  	_ =	shalt  }
0x77: {  	_ =	shalt  }
0x78: {  	_ =	shalt  }
0x79: {  	_ =	shalt  }
0x7a: {  	_ =	shalt  }
0x7b: {  	_ =	shalt  }
0x7c: {  	_ =	shalt  }
0x7d: {  	_ =	shalt  }
0x7e: {  	_ =	shalt  }
0x7f: {  	_ =	shalt  }
0x80: {  	_ =	shalt  }
0x81: {  	_ =	shalt  }
0x82: {  	_ =	shalt  }
0x83: {  	_ =	shalt  }
0x84: {  	_ =	shalt  }
0x85: {  	_ =	shalt  }
0x86: {  	_ =	shalt  }
0x87: {  	_ =	shalt  }
.Lfunc_end0:
.L_simem_size_0:
called_computation.3_lowered:
.L_overlay_start_0:
0x88: {  	s2 =	sld [smem:$0x3FD9]  }
0x89: {  	s3 =	sld [smem:$0x3FFE];
	_ =	sdelay $0x1  }
0x8a: {  	s1 =	srdreg.scid  }
0x8b: {  	s0 =	sand.u32 $0x1, s1  }
0x8c: {  	s17 =	sshll.u32 s0, $0xA;
	s2 =	sadd.s32 s3, s2  }
0x8d: {  	s2 =	sadd.s32 s2, s17  }
0x8e: {  	[smem:$0x3FBE] =	sst s2  }
0x8f: {  	_ = 	snop  }
0x90: {  	(tm) =	ssettm $0x1  }
0x91: {  	s18 =	sld [smem:$0x3FFB];
	_ =	sdelay $0x3  }
0x92: {  	_ =	strace s18  }
0x93: {  	s2 =	sld [smem:$0x3FFC];
	_ =	sdelay $0x3  }
0x94: {  	_ =	strace s2  }
0x95: {  	s2 =	sld [smem:$0x3FFD];
	_ =	sdelay $0x3  }
0x96: {  	_ =	strace s2  }
0x97: {  	_ =	strace $0x8FFFFFFF  }
0x98: {  	s19 =	sld [smem:$0x3FDB];
	_ =	sdelay $0x1  }
0x99: {  	s20 =	simm.s32 $_scs_section_size  }
0x9a: {  	s4 =	simm.s32 $_size__tile_overlayer_lowered;
	s5 =	simm.s32 $_tile_overlayer_lowered  }
0x9b: {  	s6 =	simm.s32 $0x1BFF;
	s21 =	sshll.u32 s5, $0x1;
	s3 =	sadd.s32 s20, s19  }
0x9c: {  	s22 =	simm.s32 $0x0;
	s4 =	sshll.u32 s4, $0x1;
	s5 =	sadd.s32 s21, s3  }
0x9d: {  	[timem:s22], [sflag:s6] =	dma.local [hbm:s5], s4  }
0x9e: {  	_ =	swait.ge [sflag:s6], s4  }
0x9f: {  	s4 =	ssub.s32 $0x0, s4;
	[sflag:s6] =	ssyncset.done $0x0  }
0xa0: {  	[sflag:s6] =	ssyncadd.s32 s4;
	_ =	sdelay $0x1  }
0xa1: {  	s23 =	simm.s32 $0x1B8B  }
0xa2: {  	_ =	swait.ge [sflag:s23], $0x1  }
0xa3: {  	[sflag:s23] =	ssyncset.done $0x0  }
0xa4: {  	[sflag:s23] =	ssyncadd.s32 $0xFFFFFFFF  }
0xa5: {  	s4 =	sld [smem:$0x0]  }
0xa6: {  	s5 =	sand.u32 $0xFFFFFFFE, s1  }
0xa7: {  	p0 =	sne.s32 s1, s5  }
0xa8: {  	s5 =	sshll.u32 @p0 s5, $0xE  }
0xa9: {  	s5 =	sadd.s32 @p0 $0x11B8D, s5;
	s6 =	sshll.u32 @p0 s4, $0x11  }
0xaa: {  	s5 =	sor.u32 @p0 s6, s5  }
0xab: {  	[sflag:s5] =	ssyncadd.remote.s32 @p0 $0x1;
	_ =	sdelay $0x1  }
0xac: {  	s5 =	simm.s32 @p0 $0x1B8D  }
0xad: {  	_ =	swait.eq @p0 [sflag:s5], $0x1  }
0xae: {  	[sflag:s5] =	ssyncadd.s32 @p0 $0xFFFFFFFF  }
0xaf: {  	s6 =	sshll.u32 @!p0 s1, $0xE  }
0xb0: {  	s6 =	sor.u32 @!p0 $0x4000, s6;
	s5 =	simm.s32 @!p0 $0x1B8D  }
0xb1: {  	s4 =	sshll.u32 @!p0 s4, $0x11;
	s6 =	sadd.s32 @!p0 $0x11B8D, s6;
	_ =	swait.eq @!p0 [sflag:s5], $0x1  }
0xb2: {  	s4 =	sor.u32 @!p0 s4, s6;
	[sflag:s5] =	ssyncadd.s32 @!p0 $0xFFFFFFFF  }
0xb3: {  	s25 =	simm.s32 $0x1B8E;
	s24 =	sld [smem:$0x3FFE];
	[sflag:s4] =	ssyncadd.remote.s32 @!p0 $0x1  }
0xb4: {  	s26 =	simm.s32 $execute0_lowered;
	[smem:$0x3FD2] =	sst s25  }
0xb5: {  	s5 =	sshll.u32 s26, $0x1;
	_ =	strace $0x8000004C;
	[dreg:$0x1] =	wrdreg $0xFFFFFFFF  }
0xb6: {  	s28 =	simm.s32 $_size_execute0_lowered;
	s3 =	sadd.s32 s3, s5;
	[dreg:$0x0] =	wrdreg $0x0  }
0xb7: {  	s5 =	sshll.u32 s28, $0x1;
	[dreg:$0x2] =	wrdreg s3  }
0xb8: {  	[dreg:$0x3] =	wrdreg s5  }
0xb9: {  	[dreg:$0x4] =	wrdreg $0xC0  }
0xba: {  	_ =	task [dreg:s22], $0x5FFFF  }
0xbb: {  	[dreg:$0x1] =	wrdreg $0xFFFFFFFF  }
0xbc: {  	[dreg:$0x0] =	wrdreg $0x60  }
0xbd: {  	[dreg:$0x2] =	wrdreg s24  }
0xbe: {  	[dreg:$0x3] =	wrdreg $0x90000  }
0xbf: {  	[dreg:$0x4] =	wrdreg $0xA  }
0xc0: {  	_ =	task.clear_ibuf [dreg:s22], $0x5FFFF;
	_ =	strace $0x9000004C  }
0xc1: {  	s29 =	simm.s32 $0xA;
	_ =	strace $0x8000004E  }
0xc2: {  	_ =	swait.ge [sflag:s29], $0x1  }
0xc3: {  	[sflag:s29] =	ssyncadd.s32 $0xFFFFFFFF  }
0xc4: {  	_ =	strace $0x9000004E  }
0xc5: {  	_ =	sfence  }
0xc6: {  	s30 =	sld [smem:$0x0];
	_ =	sdelay $0x2  }
0xc7: {  	s31 =	sshll.u32 s1, $0xD;
	s1 =	sshrl.u32 s1, $0x2  }
0xc8: {  	s4 =	sand.u32 $0x4000, s31;
	s1 =	sadd.s32 s1, s30  }
0xc9: {  	s0 =	sor.u32 s4, s0;
	s1 =	sshll.u32 s1, $0x11  }
0xca: {  	s0 =	sor.u32 s1, s0  }
0xcb: {  	s0 =	sadd.s32 $0x8F2B, s0  }
0xcc: {  	[sflag:s0] =	ssyncadd.remote.s32 $0x1  }
0xcd: {  	_ =	sfence.sel $0xFFFF  }
0xce: {  	[dreg:$0x0] =	wrdreg $0xFFFFFFFF;
	(pc) =	sbr.abs _section_cstart, $3  }
0xcf: {  	[dreg:$0x1] =	wrdreg $0xFFFFFFFF  }
0xd0: {  	_ =	task.clear_ibuf [dreg:s22], $0x2FFFF;
	_ =	strace $0x9FFFFFFF  }
0xd1: {  	(tm) =	ssettm $0x7FFFFFFF  }
tec
execute0_lowered:
.L_overlay_start_1:
0x0: {  	(tag) =	ssettag $0x1  }
0x1: {  	s5 =	rddreg [dreg:$0x0]  }
0x2: {  	s2 =	rddreg [dreg:$0x1]  }
0x3: {  	s0 =	rddreg [dreg:$0x2]  }
0x4: {  	s4 =	srdreg.scid;
	s3 =	simm.s32 $0x0;
	s1 =	stileid.u32  }
0x5: {  	s14 =	simm.s32 $0x2;
	s15 =	simm.s32 $0x2800;
	s16 =	simm.s32 $0x5000  }
0x6: {  	s17 =	simm.s32 $0x80;
	s18 =	simm.s32 $0x1;
	s21 =	simm.s32 $0x0  }
0x7: {  	s6 =	sand.u32 $0x1, s4;
	[smem:$0x7FF] =	sst s3;
	s9 =	smul.u32 $0x14000, s1  }
0x8: {  	s29 =	sshll.u32 s1, $0x1;
	s4 =	sadd.s32 $0x10AA00, s5;
	s30 =	smul.u32 $0x50000, s1  }
0x9: {  	s19 =	sshll.u32 s1, $0x6;
	s7 =	smul.u32 $0x140000, s6;
	_ =	strace $0x8000004D  }
0xa: {  	s8 =	sor.u32 s6, s29;
	s6 =	ssub.s32 $0x2, s6;
	s19 =	sor.u32 $0x1C02, s19  }
0xb: {  	s8 =	smul.u32 $0x500, s8;
	s10 =	sshrl.u32 s6, $0x1;
	s7 =	sadd.s32 s9, s7  }
0xc: {  	s31 =	sshrl.u32 s30, $0x2;
	s13 =	ssub.s32 s6, s10;
	s7 =	sshrl.u32 s7, $0x3  }
0xd: {  	s8 =	sadd.s32 s8, s5;
	s13 =	smax.u32 s13, $0x1;
	s12 =	sadd.s32 s7, s5  }
0xe: {  	s5 =	sadd.s32 $0x2EA00, s8;
	s6 =	sadd.s32 $0x4A00, s8;
	s7 =	sadd.s32 s31, s2  }
0xf: {  	s8 =	sadd.s32 $0x4000, s7;
	s9 =	sadd.s32 $0x8000, s7;
	s10 =	sadd.s32 $0xC000, s7  }
0x10: {  	v0 =	vimm.f32 $0.0e+00;
	s11 =	sadd.s32 $0x10000, s7;
	s12 =	sadd.s32 $0x132A00, s12;
	s20 =	sshrl.u32 s7, $0x3  }
.LBB2_1:
0x11: {  	[tilespmem:s3], [sflag:$0x2] =	stream.linear.gather [hbm4b:s5+s3], $0x2780, $0x38;
	[tilespmem:$0x1D000] =	vst v63  }
0x12: {  	_ =	swait.ge [sflag:s14], $0x2780  }
0x13: {  	[sflag:s14] =	ssyncset.done $0x0  }
0x14: {  	[sflag:s14] =	ssyncadd.s32 $0xFFFFD880  }
0x15: {  	[tilespmem:s15], [sflag:$0x2] =	stream.linear.gather [hbm4b:s6+s3], $0x2780, $0x38;
	[tilespmem:$0x1D000] =	vst v63  }
0x16: {  	_ =	swait.ge [sflag:s14], $0x2780  }
0x17: {  	[sflag:s14] =	ssyncset.done $0x0  }
0x18: {  	s22 =	simm.s32 $0x0;
	s23 =	simm.s32 $0x200;
	[sflag:s14] =	ssyncadd.s32 $0xFFFFD880  }
.LBB2_2:
0x19: {  	p0 =	sne.s32 s23, $0xFE00;
	[tilespmem:s22+$0x5070] =	vst v0  }
0x1a: {  	[tilespmem:s22+$0x5000] =	vst v0  }
0x1b: {  	[tilespmem:s22+$0x5010] =	vst v0  }
.Ltmp0:
0x1c: {  	[tilespmem:s22+$0x5020] =	vst v0;
	(pc) =	sbr.rel @p0 .LBB2_2-.Ltmp0, $4  }
0x1d: {  	[tilespmem:s22+$0x5030] =	vst v0  }
0x1e: {  	[tilespmem:s22+$0x5040] =	vst v0  }
0x1f: {  	[tilespmem:s22+$0x5050] =	vst v0  }
0x20: {  	[tilespmem:s22+$0x5060] =	vst v0;
	s22 =	sshra.s32 s23, $0x2;
	s23 =	sadd.s32 $0x200, s23  }
0x21: {  	[tilespmem:s22+$0x5070] =	vst v0  }
0x22: {  	[tilespmem:s22+$0x5000] =	vst v0  }
0x23: {  	[tilespmem:s22+$0x5010] =	vst v0  }
0x24: {  	[tilespmem:s22+$0x5020] =	vst v0  }
0x25: {  	[tilespmem:s22+$0x5030] =	vst v0  }
0x26: {  	[tilespmem:s22+$0x5040] =	vst v0  }
0x27: {  	[tilespmem:s22+$0x5050] =	vst v0  }
0x28: {  	[tilespmem:s22+$0x5060] =	vst v0  }
0x29: {  	[spmem:s7] =	stream.linear.scatter [tilespmem:s16], [sflag:$0x2], $0x4000, $0x38;
	[tilespmem:$0x1D000] =	vst v63  }
0x2a: {  	_ =	swait.ge [sflag:s14], $0x4000  }
0x2b: {  	[sflag:s14] =	ssyncset.done $0x0  }
0x2c: {  	[sflag:s14] =	ssyncadd.s32 $0xFFFFC000  }
0x2d: {  	[spmem:s8] =	stream.linear.scatter [tilespmem:s16], [sflag:$0x2], $0x4000, $0x38;
	[tilespmem:$0x1D000] =	vst v63  }
0x2e: {  	_ =	swait.ge [sflag:s14], $0x4000  }
0x2f: {  	[sflag:s14] =	ssyncset.done $0x0  }
0x30: {  	[sflag:s14] =	ssyncadd.s32 $0xFFFFC000  }
0x31: {  	[spmem:s9] =	stream.linear.scatter [tilespmem:s16], [sflag:$0x2], $0x4000, $0x38;
	[tilespmem:$0x1D000] =	vst v63  }
0x32: {  	_ =	swait.ge [sflag:s14], $0x4000  }
0x33: {  	[sflag:s14] =	ssyncset.done $0x0  }
0x34: {  	[sflag:s14] =	ssyncadd.s32 $0xFFFFC000  }
0x35: {  	[spmem:s10] =	stream.linear.scatter [tilespmem:s16], [sflag:$0x2], $0x4000, $0x38;
	[tilespmem:$0x1D000] =	vst v63  }
0x36: {  	_ =	swait.ge [sflag:s14], $0x4000  }
0x37: {  	[sflag:s14] =	ssyncset.done $0x0  }
0x38: {  	[sflag:s14] =	ssyncadd.s32 $0xFFFFC000  }
0x39: {  	[spmem:s11] =	stream.linear.scatter [tilespmem:s16], [sflag:$0x2], $0x4000, $0x38;
	[tilespmem:$0x1D000] =	vst v63  }
0x3a: {  	_ =	swait.ge [sflag:s14], $0x4000  }
0x3b: {  	[sflag:s14] =	ssyncset.done $0x0  }
0x3c: {  	[sflag:s14] =	ssyncadd.s32 $0xFFFFC000  }
0x3d: {  	s30 =	simm.s32 $0x0;
	[bflag:$0x0] =	sbarrier.arrive $0xFFFF  }
0x3e: {  	[tilespmem:s16], [sflag:$0x1] =	stream.indirect.gather [hbm4b:s4+s17], $0x80, s30, s17, $0xb8;
	[tilespmem:$0x1D000] =	vst v63  }
0x3f: {  	_ =	swait.ge [sflag:s18], $0x4000  }
0x40: {  	[sflag:s18] =	ssyncset.done $0x0  }
0x41: {  	s31 =	simm.s32 $0x2800;
	[sflag:s18] =	ssyncadd.s32 $0xFFFFC000  }
0x42: {  	[spmem:s2] =	stream.indirect.scatter.add.f32 [tilespmem:s16], [sflag:$0x2], $0x80, s31, s17, $0xb8;
	[tilespmem:$0x1D000] =	vst v63  }
0x43: {  	_ =	swait.ge [sflag:s14], $0x4000  }
0x44: {  	s22 =	simm.s32 $0x200;
	s23 =	simm.s32 $0x400;
	[sflag:s14] =	ssyncset.done $0x0  }
.LBB2_4:
0x45: {  	s24 =	sshra.s32 s22, $0x2  }
0x46: {  	[sflag:s14] =	ssyncadd.s32 $0xFFFFC000;
	s22 =	smov.u32 s23;
	s25 =	sadd.s32 $0x200, s23  }
0x47: {  	[tilespmem:s16], [sflag:$0x1] =	stream.indirect.gather [hbm4b:s4+s17], $0x80, s24, s17, $0xb8;
	[tilespmem:$0x1D000] =	vst v63  }
0x48: {  	p0 =	sne.s32 s23, $0x9C00;
	_ =	swait.ge [sflag:s18], $0x4000  }
.Ltmp1:
0x49: {  	[sflag:s18] =	ssyncset.done $0x0;
	(pc) =	sbr.rel @p0 .LBB2_4-.Ltmp1, $4  }
0x4a: {  	s23 =	sadd.s32 $0x2800, s24;
	[sflag:s18] =	ssyncadd.s32 $0xFFFFC000  }
0x4b: {  	[spmem:s2] =	stream.indirect.scatter.add.f32 [tilespmem:s16], [sflag:$0x2], $0x80, s23, s17, $0xb8;
	[tilespmem:$0x1D000] =	vst v63  }
0x4c: {  	_ =	swait.ge [sflag:s14], $0x4000  }
0x4d: {  	s23 =	smov.u32 s25;
	[sflag:s14] =	ssyncset.done $0x0  }
0x4e: {  	s22 =	sshra.s32 s22, $0x2;
	[sflag:s14] =	ssyncadd.s32 $0xFFFFC000  }
0x4f: {  	[tilespmem:s16], [sflag:$0x1] =	stream.indirect.gather [hbm4b:s4+s17], $0x80, s22, s17, $0xb8;
	[tilespmem:$0x1D000] =	vst v63  }
0x50: {  	_ =	swait.ge [sflag:s18], $0x4000  }
0x51: {  	[sflag:s18] =	ssyncset.done $0x0  }
0x52: {  	s22 =	sadd.s32 $0x2800, s22;
	[sflag:s18] =	ssyncadd.s32 $0xFFFFC000  }
0x53: {  	[spmem:s2] =	stream.indirect.scatter.add.f32 [tilespmem:s16], [sflag:$0x2], $0x80, s22, s17, $0xb8;
	[tilespmem:$0x1D000] =	vst v63  }
0x54: {  	_ =	swait.ge [sflag:s14], $0x4000  }
0x55: {  	s21 =	sadd.s32 $0x1, s21;
	[sflag:s14] =	ssyncset.done $0x0  }
0x56: {  	p0 =	sne.s32 s21, s13;
	[sflag:s14] =	ssyncadd.s32 $0xFFFFC000  }
.Ltmp2:
0x57: {  	[bflag:$0x0] =	sbarrier.arrive $0xFFFF;
	(pc) =	sbr.rel @p0 .LBB2_1-.Ltmp2, $4  }
0x58: {  	[hbm:s12], [sflag:s19] =	dma.local [spmem:s20], $0x2800  }
0x59: {  	_ =	swait.ge [sflag:s14], $0x2800  }
0x5a: {  	[sflag:s14] =	ssyncset.done $0x0  }
0x5b: {  	[sflag:s14] =	ssyncadd.s32 $0xFFFFD800  }
0x5c: {  	_ =	sfence.sel $0x180000  }
0x5d: {  	[bflag:$0x0] =	sbarrier.arrive $0xFFFF  }
0x5e: {  	p0 =	sne.s32 s1, $0x0;
	_ =	strace $0x9000004D  }
0x5f: {  	s0 =	sadd.s32 @!p0 $0x100000, s0;
	[bflag:$0x2] =	sbarrier.arrive $0xFFFF  }
0x60: {  	[sflag:s0] =	ssyncadd.tile.s32 @!p0 $0x1;
	_ =	shalt  }
.Lfunc_end2:
_tile_overlayer_lowered:
.L_overlay_start_2:
0x61: {  	(tag) =	ssettag $0x2  }
0x62: {  	s0 =	rddreg [dreg:$0x0];
	s2 =	stileid.u32  }
0x63: {  	s1 =	rddreg [dreg:$0x1];
	p0 =	sne.s32 s2, $0x0  }
0x64: {  	s3 =	rddreg [dreg:$0x2];
	[bflag:$0x3] =	sbarrier.arrive $0xFFFF;
	s2 =	simm.s32 @!p0 $0x1C02  }
0x65: {  	[timem:s3], [sflag:s2] =	dma.local @!p0 [hbm:s0], s1  }
0x66: {  	s0 =	simm.s32 @!p0 $0x2  }
0x67: {  	_ =	swait.ge @!p0 [sflag:s0], s1  }
0x68: {  	s1 =	ssub.s32 @!p0 $0x0, s1;
	[sflag:s0] =	ssyncset.done @!p0 $0x0  }
0x69: {  	[sflag:s0] =	ssyncadd.s32 @!p0 s1  }
0x6a: {  	[bflag:$0x3] =	sbarrier.arrive $0xFFFF  }
0x6b: {  	_ =	shalt  }

// kernel: kernel.29.cloned.1.call-start
scs
__scs_entry_jumppad:
0x0: {  	(pc) =	sbr.rel $0x88, $3  }
0x1: {  	(tag) =	ssettag $0x0;
	lr =	simm.s32 $0x1  }
0x2: {  	[smem:$0x3F97] =	sst lr;
	_ =	strace $0xD0000000  }
0x3: {  	_ = 	snop  }
0x4: {  	_ = 	snop  }
0x5: {  	_ = 	snop  }
0x6: {  	_ = 	snop  }
0x7: {  	_ = 	snop  }
__scs_overlays_trampoline_lowered:
0x8: {  	[smem:$0x3FA6] =	sst s0  }
0x9: {  	[smem:$0x3FA7] =	sst s1  }
0xa: {  	[smem:$0x3FA8] =	sst s2  }
0xb: {  	[smem:$0x3FA9] =	sst s3  }
0xc: {  	[smem:$0x3FAA] =	sst s4  }
0xd: {  	[smem:$0x3FAB] =	sst s5  }
0xe: {  	[smem:$0x3FAC] =	sst s6  }
0xf: {  	[smem:$0x3FAD] =	sst s7  }
0x10: {  	[smem:$0x3FAE] =	sst s8  }
0x11: {  	[smem:$0x3FAF] =	sst s9;
	s0 =	simm.s32 @!p0 $0x0  }
0x12: {  	s1 =	sld [smem:$0x3F95];
	s0 =	simm.s32 @p0 $0x1  }
0x13: {  	[smem:$0x3FB0] =	sst s0;
	s0 =	simm.s32 @!p1 $0x0  }
0x14: {  	s2 =	sld [smem:$0x3F94];
	s0 =	simm.s32 @p1 $0x1  }
0x15: {  	[smem:$0x3FB1] =	sst s0;
	s0 =	simm.s32 @!p2 $0x0  }
0x16: {  	s3 =	sld [smem:$0x3FDB];
	s0 =	simm.s32 @p2 $0x1  }
0x17: {  	s4 =	simm.s32 $0x1BF5;
	[smem:$0x3FB3] =	sst s0  }
0x18: {  	s0 =	sld [smem:$0x3F96];
	_ =	swait.ge [sflag:s4], $0x0  }
0x19: {  	s7 =	sld [smem:$0x3F97]  }
0x1a: {  	s8 =	sadd.s32 $0xFFFFE003, lr  }
0x1b: {  	s9 =	sadd.s32 $0xFFFFFEF7, lr;
	s5 =	simm.s32 $0xFFFFFFFF;
	p2 =	slt.u32 s8, $0xFFFFF086  }
0x1c: {  	p1 =	slt.u32 s9, $0xF7A;
	s5 =	simm.s32 @!p2 $0x0  }
0x1d: {  	s5 =	simm.s32 @p1 $0x1;
	p0 =	seq.s32 s7, s2  }
0x1e: {  	s7 =	smul.u32 @!p0 $0xF7A, s2;
	p2 =	seq.s32 @!p0 s5, $0x0  }
0x1f: {  	s9 =	smul.u32 $0xF7A, s1;
	s8 =	simm.s32 @!p0 $0x1BF5;
	p2 =	por !p2, p0  }
0x20: {  	[sflag:s8] =	ssyncset.s32 @!p0 $0xFFFFF086;
	s6 =	sadd.s32 @!p0 s3, s7;
	s7 =	simm.s32 @!p0 $0x108  }
0x21: {  	s3 =	sadd.s32 s3, s9;
	s6 =	sadd.s32 @!p0 $0x88, s6;
	s7 =	simm.s32 @p2 $0x1082  }
0x22: {  	[simem:s7], [sflag:s8] =	dma.local @!p0 [hbm:s6], $0xF7A  }
0x23: {  	s9 =	sor.u32 $0xD0000000, s2;
	s6 =	simm.s32 $0x108;
	_ =	swait.ge @!p0 [sflag:s8], $0x0  }
0x24: {  	s3 =	sadd.s32 $0x88, s3;
	s6 =	simm.s32 @!p1 $0x1082;
	[sflag:s4] =	ssyncset.s32 $0xFFFFF086  }
0x25: {  	[simem:s6], [sflag:s4] =	dma.local [hbm:s3], $0xF7A  }
0x26: {  	[smem:$0x3F97] =	sst s1;
	(tag) =	ssettag s2;
	_ =	strace s9  }
0x27: {  	s1 =	sld [smem:$0x3FA7]  }
0x28: {  	s2 =	sld [smem:$0x3FA8]  }
0x29: {  	s4 =	sld [smem:$0x3FAA]  }
0x2a: {  	p0 =	seq.s32 s5, $0x0;
	s5 =	sld [smem:$0x3FAB]  }
0x2b: {  	s6 =	sld [smem:$0x3FAC]  }
0x2c: {  	s7 =	sld [smem:$0x3FAD]  }
0x2d: {  	s3 =	simm.s32 $0x108;
	s8 =	sld [smem:$0x3FAE]  }
0x2e: {  	s3 =	simm.s32 @!p0 $0x1082;
	s9 =	sld [smem:$0x3FAF]  }
0x2f: {  	lr =	sadd.s32 s0, s3;
	s0 =	sld [smem:$0x3FA6]  }
0x30: {  	s3 =	sld [smem:$0x3FA9]  }
0x31: {  	[smem:$0x3FB2] =	sst s10  }
0x32: {  	s10 =	sld [smem:$0x3FB0];
	_ =	sdelay $0x3  }
0x33: {  	p0 =	seq.s32 s10, $0x1;
	s10 =	sld [smem:$0x3FB2];
	_ =	sdelay $0x3  }
0x34: {  	[smem:$0x3FB2] =	sst s10  }
0x35: {  	s10 =	sld [smem:$0x3FB1];
	_ =	sdelay $0x3  }
0x36: {  	p1 =	seq.s32 s10, $0x1;
	s10 =	sld [smem:$0x3FB2];
	_ =	sdelay $0x3  }
0x37: {  	[smem:$0x3FB2] =	sst s10  }
0x38: {  	s10 =	sld [smem:$0x3FB3]  }
0x39: {  	_ = 	snop;
	(pc) =	sbr.ind lr, $3  }
0x3a: {  	_ = 	snop  }
0x3b: {  	_ = 	snop  }
0x3c: {  	p2 =	seq.s32 s10, $0x1;
	s10 =	sld [smem:$0x3FB2]  }
0x3d: {  	_ =	shalt  }
0x3e: {  	_ =	shalt  }
0x3f: {  	_ =	shalt  }
0x40: {  	_ =	shalt  }
0x41: {  	_ =	shalt  }
0x42: {  	_ =	shalt  }
0x43: {  	_ =	shalt  }
0x44: {  	_ =	shalt  }
0x45: {  	_ =	shalt  }
0x46: {  	_ =	shalt  }
0x47: {  	_ =	shalt  }
0x48: {  	_ =	shalt  }
0x49: {  	_ =	shalt  }
0x4a: {  	_ =	shalt  }
0x4b: {  	_ =	shalt  }
0x4c: {  	_ =	shalt  }
0x4d: {  	_ =	shalt  }
0x4e: {  	_ =	shalt  }
0x4f: {  	_ =	shalt  }
0x50: {  	_ =	shalt  }
0x51: {  	_ =	shalt  }
0x52: {  	_ =	shalt  }
0x53: {  	_ =	shalt  }
0x54: {  	_ =	shalt  }
0x55: {  	_ =	shalt  }
0x56: {  	_ =	shalt  }
0x57: {  	_ =	shalt  }
0x58: {  	_ =	shalt  }
0x59: {  	_ =	shalt  }
0x5a: {  	_ =	shalt  }
0x5b: {  	_ =	shalt  }
0x5c: {  	_ =	shalt  }
0x5d: {  	_ =	shalt  }
0x5e: {  	_ =	shalt  }
0x5f: {  	_ =	shalt  }
0x60: {  	_ =	shalt  }
0x61: {  	_ =	shalt  }
0x62: {  	_ =	shalt  }
0x63: {  	_ =	shalt  }
0x64: {  	_ =	shalt  }
0x65: {  	_ =	shalt  }
0x66: {  	_ =	shalt  }
0x67: {  	_ =	shalt  }
0x68: {  	_ =	shalt  }
0x69: {  	_ =	shalt  }
0x6a: {  	_ =	shalt  }
0x6b: {  	_ =	shalt  }
0x6c: {  	_ =	shalt  }
0x6d: {  	_ =	shalt  }
0x6e: {  	_ =	shalt  }
0x6f: {  	_ =	shalt  }
0x70: {  	_ =	shalt  }
0x71: {  	_ =	shalt  }
0x72: {  	_ =	shalt  }
0x73: {  	_ =	shalt  }
0x74: {  	_ =	shalt  }
0x75: {  	_ =	shalt  }
0x76: {  	_ =	shalt  }
0x77: {  	_ =	shalt  }
0x78: {  	_ =	shalt  }
0x79: {  	_ =	shalt  }
0x7a: {  	_ =	shalt  }
0x7b: {  	_ =	shalt  }
0x7c: {  	_ =	shalt  }
0x7d: {  	_ =	shalt  }
0x7e: {  	_ =	shalt  }
0x7f: {  	_ =	shalt  }
0x80: {  	_ =	shalt  }
0x81: {  	_ =	shalt  }
0x82: {  	_ =	shalt  }
0x83: {  	_ =	shalt  }
0x84: {  	_ =	shalt  }
0x85: {  	_ =	shalt  }
0x86: {  	_ =	shalt  }
0x87: {  	_ =	shalt  }
.Lfunc_end0:
.L_simem_size_0:
called_computation.4_lowered:
.L_overlay_start_0:
0x88: {  	s2 =	sld [smem:$0x3FD9]  }
0x89: {  	s3 =	sld [smem:$0x3FFE];
	_ =	sdelay $0x1  }
0x8a: {  	s1 =	srdreg.scid  }
0x8b: {  	s0 =	sand.u32 $0x1, s1  }
0x8c: {  	s17 =	sshll.u32 s0, $0xA;
	s2 =	sadd.s32 s3, s2  }
0x8d: {  	s2 =	sadd.s32 s2, s17  }
0x8e: {  	[smem:$0x3FBE] =	sst s2  }
0x8f: {  	_ = 	snop  }
0x90: {  	(tm) =	ssettm $0x1  }
0x91: {  	s18 =	sld [smem:$0x3FFB];
	_ =	sdelay $0x3  }
0x92: {  	_ =	strace s18  }
0x93: {  	s2 =	sld [smem:$0x3FFC];
	_ =	sdelay $0x3  }
0x94: {  	_ =	strace s2  }
0x95: {  	s2 =	sld [smem:$0x3FFD];
	_ =	sdelay $0x3  }
0x96: {  	_ =	strace s2  }
0x97: {  	_ =	strace $0x8FFFFFFF  }
0x98: {  	s19 =	sld [smem:$0x3FDB];
	_ =	sdelay $0x1  }
0x99: {  	s20 =	simm.s32 $_scs_section_size  }
0x9a: {  	s4 =	simm.s32 $_size__tile_overlayer_lowered;
	s5 =	simm.s32 $_tile_overlayer_lowered  }
0x9b: {  	s6 =	simm.s32 $0x1BFF;
	s21 =	sshll.u32 s5, $0x1;
	s3 =	sadd.s32 s20, s19  }
0x9c: {  	s22 =	simm.s32 $0x0;
	s4 =	sshll.u32 s4, $0x1;
	s5 =	sadd.s32 s21, s3  }
0x9d: {  	[timem:s22], [sflag:s6] =	dma.local [hbm:s5], s4  }
0x9e: {  	_ =	swait.ge [sflag:s6], s4  }
0x9f: {  	s4 =	ssub.s32 $0x0, s4;
	[sflag:s6] =	ssyncset.done $0x0  }
0xa0: {  	[sflag:s6] =	ssyncadd.s32 s4;
	_ =	sdelay $0x1  }
0xa1: {  	s23 =	simm.s32 $0x1B8B  }
0xa2: {  	_ =	swait.ge [sflag:s23], $0x1  }
0xa3: {  	[sflag:s23] =	ssyncset.done $0x0  }
0xa4: {  	[sflag:s23] =	ssyncadd.s32 $0xFFFFFFFF  }
0xa5: {  	s4 =	sld [smem:$0x0]  }
0xa6: {  	s5 =	sand.u32 $0xFFFFFFFE, s1  }
0xa7: {  	p0 =	sne.s32 s1, s5  }
0xa8: {  	s5 =	sshll.u32 @p0 s5, $0xE  }
0xa9: {  	s5 =	sadd.s32 @p0 $0x11B8D, s5;
	s6 =	sshll.u32 @p0 s4, $0x11  }
0xaa: {  	s5 =	sor.u32 @p0 s6, s5  }
0xab: {  	[sflag:s5] =	ssyncadd.remote.s32 @p0 $0x1;
	_ =	sdelay $0x1  }
0xac: {  	s5 =	simm.s32 @p0 $0x1B8D  }
0xad: {  	_ =	swait.eq @p0 [sflag:s5], $0x1  }
0xae: {  	[sflag:s5] =	ssyncadd.s32 @p0 $0xFFFFFFFF  }
0xaf: {  	s6 =	sshll.u32 @!p0 s1, $0xE  }
0xb0: {  	s6 =	sor.u32 @!p0 $0x4000, s6;
	s5 =	simm.s32 @!p0 $0x1B8D  }
0xb1: {  	s4 =	sshll.u32 @!p0 s4, $0x11;
	s6 =	sadd.s32 @!p0 $0x11B8D, s6;
	_ =	swait.eq @!p0 [sflag:s5], $0x1  }
0xb2: {  	s4 =	sor.u32 @!p0 s4, s6;
	[sflag:s5] =	ssyncadd.s32 @!p0 $0xFFFFFFFF  }
0xb3: {  	s25 =	simm.s32 $0x1B8E;
	s24 =	sld [smem:$0x3FFE];
	[sflag:s4] =	ssyncadd.remote.s32 @!p0 $0x1  }
0xb4: {  	s26 =	simm.s32 $execute0_lowered;
	[smem:$0x3FD2] =	sst s25  }
0xb5: {  	s5 =	sshll.u32 s26, $0x1;
	_ =	strace $0x80000052;
	[dreg:$0x1] =	wrdreg $0xFFFFFFFF  }
0xb6: {  	s28 =	simm.s32 $_size_execute0_lowered;
	s3 =	sadd.s32 s3, s5;
	[dreg:$0x0] =	wrdreg $0x0  }
0xb7: {  	s5 =	sshll.u32 s28, $0x1;
	[dreg:$0x2] =	wrdreg s3  }
0xb8: {  	[dreg:$0x3] =	wrdreg s5  }
0xb9: {  	[dreg:$0x4] =	wrdreg $0xC0  }
0xba: {  	_ =	task [dreg:s22], $0x5FFFF  }
0xbb: {  	[dreg:$0x1] =	wrdreg $0xFFFFFFFF  }
0xbc: {  	[dreg:$0x0] =	wrdreg $0x60  }
0xbd: {  	[dreg:$0x2] =	wrdreg s24  }
0xbe: {  	[dreg:$0x3] =	wrdreg $0x90000  }
0xbf: {  	[dreg:$0x4] =	wrdreg $0xA  }
0xc0: {  	_ =	task.clear_ibuf [dreg:s22], $0x5FFFF;
	_ =	strace $0x90000052  }
0xc1: {  	s29 =	simm.s32 $0xA;
	_ =	strace $0x80000054  }
0xc2: {  	_ =	swait.ge [sflag:s29], $0x1  }
0xc3: {  	[sflag:s29] =	ssyncadd.s32 $0xFFFFFFFF  }
0xc4: {  	_ =	strace $0x90000054  }
0xc5: {  	_ =	sfence  }
0xc6: {  	s30 =	sld [smem:$0x0];
	_ =	sdelay $0x2  }
0xc7: {  	s31 =	sshll.u32 s1, $0xD;
	s1 =	sshrl.u32 s1, $0x2  }
0xc8: {  	s4 =	sand.u32 $0x4000, s31;
	s1 =	sadd.s32 s1, s30  }
0xc9: {  	s0 =	sor.u32 s4, s0;
	s1 =	sshll.u32 s1, $0x11  }
0xca: {  	s0 =	sor.u32 s1, s0  }
0xcb: {  	s0 =	sadd.s32 $0x8F2B, s0  }
0xcc: {  	[sflag:s0] =	ssyncadd.remote.s32 $0x1  }
0xcd: {  	_ =	sfence.sel $0xFFFF  }
0xce: {  	[dreg:$0x0] =	wrdreg $0xFFFFFFFF;
	(pc) =	sbr.abs _section_cstart, $3  }
0xcf: {  	[dreg:$0x1] =	wrdreg $0xFFFFFFFF  }
0xd0: {  	_ =	task.clear_ibuf [dreg:s22], $0x2FFFF;
	_ =	strace $0x9FFFFFFF  }
0xd1: {  	(tm) =	ssettm $0x7FFFFFFF  }
tec
execute0_lowered:
.L_overlay_start_1:
0x0: {  	(tag) =	ssettag $0x1  }
0x1: {  	s5 =	rddreg [dreg:$0x0]  }
0x2: {  	s2 =	rddreg [dreg:$0x1];
	s3 =	srdreg.scid  }
0x3: {  	s0 =	rddreg [dreg:$0x2];
	s1 =	stileid.u32;
	s14 =	simm.s32 $0x2  }
0x4: {  	s15 =	simm.s32 $0x2800;
	s16 =	simm.s32 $0x5000;
	s17 =	simm.s32 $0x80  }
0x5: {  	s18 =	simm.s32 $0x1;
	s21 =	simm.s32 $0x0;
	s9 =	smul.u32 $0x14000, s1  }
0x6: {  	s6 =	sand.u32 $0x1, s3;
	s3 =	simm.s32 $0x0;
	s30 =	smul.u32 $0x50000, s1  }
0x7: {  	s4 =	sshll.u32 s1, $0x1;
	s19 =	sshll.u32 s1, $0x6;
	s7 =	smul.u32 $0x140000, s6  }
0x8: {  	[smem:$0x7FF] =	sst s3;
	s8 =	sor.u32 s6, s4;
	s4 =	sadd.s32 $0xBAA00, s5  }
0x9: {  	s6 =	ssub.s32 $0x2, s6;
	s19 =	sor.u32 $0x1C02, s19;
	_ =	strace $0x80000053  }
0xa: {  	s8 =	smul.u32 $0x500, s8;
	s10 =	sshrl.u32 s6, $0x1;
	s7 =	sadd.s32 s9, s7  }
0xb: {  	s31 =	sshrl.u32 s30, $0x2;
	s13 =	ssub.s32 s6, s10;
	s7 =	sshrl.u32 s7, $0x3  }
0xc: {  	s8 =	sadd.s32 s8, s5;
	s13 =	smax.u32 s13, $0x1;
	s12 =	sadd.s32 s7, s5  }
0xd: {  	s5 =	sadd.s32 $0x2EA00, s8;
	s6 =	sadd.s32 $0x4A00, s8;
	s7 =	sadd.s32 s31, s2  }
0xe: {  	s8 =	sadd.s32 $0x4000, s7;
	s9 =	sadd.s32 $0x8000, s7;
	s10 =	sadd.s32 $0xC000, s7  }
0xf: {  	v0 =	vimm.f32 $0.0e+00;
	s11 =	sadd.s32 $0x10000, s7;
	s12 =	sadd.s32 $0xE2A00, s12;
	s20 =	sshrl.u32 s7, $0x3  }
.LBB2_1:
0x10: {  	[tilespmem:s3], [sflag:$0x2] =	stream.linear.gather [hbm4b:s5+s3], $0x2780, $0x38;
	[tilespmem:$0x1D000] =	vst v63  }
0x11: {  	_ =	swait.ge [sflag:s14], $0x2780  }
0x12: {  	[sflag:s14] =	ssyncset.done $0x0  }
0x13: {  	[sflag:s14] =	ssyncadd.s32 $0xFFFFD880  }
0x14: {  	[tilespmem:s15], [sflag:$0x2] =	stream.linear.gather [hbm4b:s6+s3], $0x2780, $0x38;
	[tilespmem:$0x1D000] =	vst v63  }
0x15: {  	_ =	swait.ge [sflag:s14], $0x2780  }
0x16: {  	[sflag:s14] =	ssyncset.done $0x0  }
0x17: {  	s22 =	simm.s32 $0x0;
	s23 =	simm.s32 $0x200;
	[sflag:s14] =	ssyncadd.s32 $0xFFFFD880  }
.LBB2_2:
0x18: {  	p0 =	sne.s32 s23, $0xFE00;
	[tilespmem:s22+$0x5070] =	vst v0  }
0x19: {  	[tilespmem:s22+$0x5000] =	vst v0  }
0x1a: {  	[tilespmem:s22+$0x5010] =	vst v0  }
.Ltmp0:
0x1b: {  	[tilespmem:s22+$0x5020] =	vst v0;
	(pc) =	sbr.rel @p0 .LBB2_2-.Ltmp0, $4  }
0x1c: {  	[tilespmem:s22+$0x5030] =	vst v0  }
0x1d: {  	[tilespmem:s22+$0x5040] =	vst v0  }
0x1e: {  	[tilespmem:s22+$0x5050] =	vst v0  }
0x1f: {  	[tilespmem:s22+$0x5060] =	vst v0;
	s22 =	sshra.s32 s23, $0x2;
	s23 =	sadd.s32 $0x200, s23  }
0x20: {  	[tilespmem:s22+$0x5070] =	vst v0  }
0x21: {  	[tilespmem:s22+$0x5000] =	vst v0  }
0x22: {  	[tilespmem:s22+$0x5010] =	vst v0  }
0x23: {  	[tilespmem:s22+$0x5020] =	vst v0  }
0x24: {  	[tilespmem:s22+$0x5030] =	vst v0  }
0x25: {  	[tilespmem:s22+$0x5040] =	vst v0  }
0x26: {  	[tilespmem:s22+$0x5050] =	vst v0  }
0x27: {  	[tilespmem:s22+$0x5060] =	vst v0  }
0x28: {  	[spmem:s7] =	stream.linear.scatter [tilespmem:s16], [sflag:$0x2], $0x4000, $0x38;
	[tilespmem:$0x1D000] =	vst v63  }
0x29: {  	_ =	swait.ge [sflag:s14], $0x4000  }
0x2a: {  	[sflag:s14] =	ssyncset.done $0x0  }
0x2b: {  	[sflag:s14] =	ssyncadd.s32 $0xFFFFC000  }
0x2c: {  	[spmem:s8] =	stream.linear.scatter [tilespmem:s16], [sflag:$0x2], $0x4000, $0x38;
	[tilespmem:$0x1D000] =	vst v63  }
0x2d: {  	_ =	swait.ge [sflag:s14], $0x4000  }
0x2e: {  	[sflag:s14] =	ssyncset.done $0x0  }
0x2f: {  	[sflag:s14] =	ssyncadd.s32 $0xFFFFC000  }
0x30: {  	[spmem:s9] =	stream.linear.scatter [tilespmem:s16], [sflag:$0x2], $0x4000, $0x38;
	[tilespmem:$0x1D000] =	vst v63  }
0x31: {  	_ =	swait.ge [sflag:s14], $0x4000  }
0x32: {  	[sflag:s14] =	ssyncset.done $0x0  }
0x33: {  	[sflag:s14] =	ssyncadd.s32 $0xFFFFC000  }
0x34: {  	[spmem:s10] =	stream.linear.scatter [tilespmem:s16], [sflag:$0x2], $0x4000, $0x38;
	[tilespmem:$0x1D000] =	vst v63  }
0x35: {  	_ =	swait.ge [sflag:s14], $0x4000  }
0x36: {  	[sflag:s14] =	ssyncset.done $0x0  }
0x37: {  	[sflag:s14] =	ssyncadd.s32 $0xFFFFC000  }
0x38: {  	[spmem:s11] =	stream.linear.scatter [tilespmem:s16], [sflag:$0x2], $0x4000, $0x38;
	[tilespmem:$0x1D000] =	vst v63  }
0x39: {  	_ =	swait.ge [sflag:s14], $0x4000  }
0x3a: {  	[sflag:s14] =	ssyncset.done $0x0  }
0x3b: {  	[sflag:s14] =	ssyncadd.s32 $0xFFFFC000  }
0x3c: {  	s30 =	simm.s32 $0x0;
	[bflag:$0x0] =	sbarrier.arrive $0xFFFF  }
0x3d: {  	[tilespmem:s16], [sflag:$0x1] =	stream.indirect.gather [hbm4b:s4+s17], $0x80, s30, s17, $0xb8;
	[tilespmem:$0x1D000] =	vst v63  }
0x3e: {  	_ =	swait.ge [sflag:s18], $0x4000  }
0x3f: {  	[sflag:s18] =	ssyncset.done $0x0  }
0x40: {  	s31 =	simm.s32 $0x2800;
	[sflag:s18] =	ssyncadd.s32 $0xFFFFC000  }
0x41: {  	[spmem:s2] =	stream.indirect.scatter.add.f32 [tilespmem:s16], [sflag:$0x2], $0x80, s31, s17, $0xb8;
	[tilespmem:$0x1D000] =	vst v63  }
0x42: {  	_ =	swait.ge [sflag:s14], $0x4000  }
0x43: {  	s22 =	simm.s32 $0x200;
	s23 =	simm.s32 $0x400;
	[sflag:s14] =	ssyncset.done $0x0  }
.LBB2_4:
0x44: {  	s24 =	sshra.s32 s22, $0x2  }
0x45: {  	[sflag:s14] =	ssyncadd.s32 $0xFFFFC000;
	s22 =	smov.u32 s23;
	s25 =	sadd.s32 $0x200, s23  }
0x46: {  	[tilespmem:s16], [sflag:$0x1] =	stream.indirect.gather [hbm4b:s4+s17], $0x80, s24, s17, $0xb8;
	[tilespmem:$0x1D000] =	vst v63  }
0x47: {  	p0 =	sne.s32 s23, $0x9C00;
	_ =	swait.ge [sflag:s18], $0x4000  }
.Ltmp1:
0x48: {  	[sflag:s18] =	ssyncset.done $0x0;
	(pc) =	sbr.rel @p0 .LBB2_4-.Ltmp1, $4  }
0x49: {  	s23 =	sadd.s32 $0x2800, s24;
	[sflag:s18] =	ssyncadd.s32 $0xFFFFC000  }
0x4a: {  	[spmem:s2] =	stream.indirect.scatter.add.f32 [tilespmem:s16], [sflag:$0x2], $0x80, s23, s17, $0xb8;
	[tilespmem:$0x1D000] =	vst v63  }
0x4b: {  	_ =	swait.ge [sflag:s14], $0x4000  }
0x4c: {  	s23 =	smov.u32 s25;
	[sflag:s14] =	ssyncset.done $0x0  }
0x4d: {  	s22 =	sshra.s32 s22, $0x2;
	[sflag:s14] =	ssyncadd.s32 $0xFFFFC000  }
0x4e: {  	[tilespmem:s16], [sflag:$0x1] =	stream.indirect.gather [hbm4b:s4+s17], $0x80, s22, s17, $0xb8;
	[tilespmem:$0x1D000] =	vst v63  }
0x4f: {  	_ =	swait.ge [sflag:s18], $0x4000  }
0x50: {  	[sflag:s18] =	ssyncset.done $0x0  }
0x51: {  	s22 =	sadd.s32 $0x2800, s22;
	[sflag:s18] =	ssyncadd.s32 $0xFFFFC000  }
0x52: {  	[spmem:s2] =	stream.indirect.scatter.add.f32 [tilespmem:s16], [sflag:$0x2], $0x80, s22, s17, $0xb8;
	[tilespmem:$0x1D000] =	vst v63  }
0x53: {  	_ =	swait.ge [sflag:s14], $0x4000  }
0x54: {  	s21 =	sadd.s32 $0x1, s21;
	[sflag:s14] =	ssyncset.done $0x0  }
0x55: {  	p0 =	sne.s32 s21, s13;
	[sflag:s14] =	ssyncadd.s32 $0xFFFFC000  }
.Ltmp2:
0x56: {  	[bflag:$0x0] =	sbarrier.arrive $0xFFFF;
	(pc) =	sbr.rel @p0 .LBB2_1-.Ltmp2, $4  }
0x57: {  	[hbm:s12], [sflag:s19] =	dma.local [spmem:s20], $0x2800  }
0x58: {  	_ =	swait.ge [sflag:s14], $0x2800  }
0x59: {  	[sflag:s14] =	ssyncset.done $0x0  }
0x5a: {  	[sflag:s14] =	ssyncadd.s32 $0xFFFFD800  }
0x5b: {  	_ =	sfence.sel $0x180000  }
0x5c: {  	[bflag:$0x0] =	sbarrier.arrive $0xFFFF  }
0x5d: {  	p0 =	sne.s32 s1, $0x0;
	_ =	strace $0x90000053  }
0x5e: {  	s0 =	sadd.s32 @!p0 $0x100000, s0;
	[bflag:$0x2] =	sbarrier.arrive $0xFFFF  }
0x5f: {  	[sflag:s0] =	ssyncadd.tile.s32 @!p0 $0x1;
	_ =	shalt  }
.Lfunc_end2:
_tile_overlayer_lowered:
.L_overlay_start_2:
0x60: {  	(tag) =	ssettag $0x2  }
0x61: {  	s0 =	rddreg [dreg:$0x0];
	s2 =	stileid.u32  }
0x62: {  	s1 =	rddreg [dreg:$0x1];
	p0 =	sne.s32 s2, $0x0  }
0x63: {  	s3 =	rddreg [dreg:$0x2];
	[bflag:$0x3] =	sbarrier.arrive $0xFFFF;
	s2 =	simm.s32 @!p0 $0x1C02  }
0x64: {  	[timem:s3], [sflag:s2] =	dma.local @!p0 [hbm:s0], s1  }
0x65: {  	s0 =	simm.s32 @!p0 $0x2  }
0x66: {  	_ =	swait.ge @!p0 [sflag:s0], s1  }
0x67: {  	s1 =	ssub.s32 @!p0 $0x0, s1;
	[sflag:s0] =	ssyncset.done @!p0 $0x0  }
0x68: {  	[sflag:s0] =	ssyncadd.s32 @!p0 s1  }
0x69: {  	[bflag:$0x3] =	sbarrier.arrive $0xFFFF  }
0x6a: {  	_ =	shalt  }

</sc_bundles>
